<compile_context>
chip_gen: v7x
topology: tpu7x:2x2x1
jax: 0.10.2.dev20260603
libtpu: 0.0.44.dev20260713+nightly
codegen_flags: <defaults>
</compile_context>

<pallas_src>
import functools

import jax
import jax.numpy as jnp
from jax import lax
from jax.experimental import pallas as pl
from jax.experimental.pallas import tpu as pltpu
from jax.experimental.pallas import tpu_sc as plsc

SKIP = 2
DELAY = 4
DIM = 8
LANES = 16
NC = 2
NS = 16
NW = NC * NS


def _build_kernel(n):
  num_pts = (n - (DIM - 1) * DELAY) // SKIP
  nt = -(-num_pts // 128)
  tpw = -(-nt // NW)
  sb = 16
  nsub = -(-tpw // sb)
  cols = sb * 128
  in_len = 2 * cols + 64
  assert (n - in_len) % 8 == 0

  mesh = plsc.VectorSubcoreMesh(core_axis_name="c", subcore_axis_name="s")

  @functools.partial(
      pl.kernel,
      mesh=mesh,
      out_type=jax.ShapeDtypeStruct((nt, DIM, 128), jnp.float32),
      scratch_types=[
          pltpu.VMEM((in_len,), jnp.float32),
          pltpu.VMEM((in_len,), jnp.float32),
          pltpu.VMEM((sb, DIM, 128), jnp.float32),
          pltpu.VMEM((sb, DIM, 128), jnp.float32),
          pltpu.SemaphoreType.DMA,
          pltpu.SemaphoreType.DMA,
          pltpu.SemaphoreType.DMA,
          pltpu.SemaphoreType.DMA,
      ],
      compiler_params=pltpu.CompilerParams(
          needs_layout_passes=False, use_tc_tiling_on_sc=False),
  )
  def tde(ts_hbm, out_hbm, in0, in1, ob0, ob1, si0, si1, so0, so1):
    ins, obs = [in0, in1], [ob0, ob1]
    sis, sos = [si0, si1], [so0, so1]

    w = lax.axis_index("s") * NC + lax.axis_index("c")
    t0w = jnp.minimum(w * tpw, nt - tpw)

    def tile_at(t):
      return jnp.minimum(t0w + t * sb, t0w + tpw - sb)

    def in_start(t):
      j0 = tile_at(t) * 128
      a = jnp.minimum((SKIP * j0) & -8, n - in_len)
      return a, pltpu.async_copy(
          ts_hbm.at[pl.ds(pl.multiple_of(a, 8), in_len)],
          ins[t % 2], sis[t % 2])

    lane = lax.iota(jnp.int32, LANES)
    pat = SKIP * lane

    aligns = [None] * nsub
    in_cp = [None] * nsub
    out_cp = [None] * nsub
    aligns[0], in_cp[0] = in_start(0)
    for t in range(nsub):
      if t + 1 < nsub:
        aligns[t + 1], in_cp[t + 1] = in_start(t + 1)
      in_cp[t].wait()
      tile0 = tile_at(t)
      off = SKIP * tile0 * 128 - aligns[t]
      src, dst = ins[t % 2], obs[t % 2]
      if t >= 2:
        out_cp[t - 2].wait()

      @plsc.parallel_loop(0, cols // LANES, carry=off + pat)
      def body(v, idxb, src=src, dst=dst):
        tt = v >> 3
        cb = (v & 7) * LANES
        for k in range(DIM):
          idx = jnp.minimum(idxb + DELAY * k, in_len - 1)
          g = plsc.load_gather(src, [idx])
          dst[tt, k, pl.ds(pl.multiple_of(cb, LANES), LANES)] = g
        return idxb + SKIP * LANES

      out_cp[t] = pltpu.async_copy(
          dst, out_hbm.at[pl.ds(tile0, sb)], sos[t % 2])
    out_cp[nsub - 2].wait()
    out_cp[nsub - 1].wait()

  return tde, num_pts, nt


def kernel(timeSeries):
  n = timeSeries.shape[0]
  if n == 1:
    return timeSeries
  tde, num_pts, nt = _build_kernel(n)
  p = tde(timeSeries)
  return p.transpose((0, 2, 1)).reshape(nt * 128, DIM)[:num_pts]

# --- scband reference (transcript-rebuilt; emitter-appended) ---
"""Pipeline reference for scband-tde-40364102647834 (READ-ONLY COPY).

The authoritative reference and input builder live on the scoring server;
editing this copy changes nothing except your own understanding.
"""

import jax, jax.numpy as jnp
import numpy as np

SKIP = 2
DELAY = 4
DIM = 8
N = 1000000

def setup_inputs(seed: int = 0) -> dict:
    key = jax.random.key(seed)
    timeSeries = jax.random.normal(key, (N,), dtype=jnp.float32)
    return {"timeSeries": timeSeries}

def reference(timeSeries):
    n = timeSeries.shape[0]
    if n == 1:
        return timeSeries
    numPts = (n - (DIM - 1) * DELAY) // SKIP
    # index matrix: idx[j, k] = j*skip + k*delay, exactly matching the torch double loop
    j = jnp.arange(numPts, dtype=jnp.int32)[:, None] * SKIP
    k = jnp.arange(DIM, dtype=jnp.int32)[None, :] * DELAY
    idx = j + k
    X = jnp.take(timeSeries, idx, axis=0)
    return X

if __name__ == "__main__":
    import jax
    _d = setup_inputs()
    print(jax.jit(kernel)(*tuple(_d.values())))

</pallas_src>

<mosaic_0001>
#map = affine_map<(d0, d1) -> (0)>
#map1 = affine_map<(d0, d1) -> (0, 0, 0)>
module attributes {stable_mosaic.version = 14 : i64} {
  func.func @tde(%arg0: i32, %arg1: i32, %arg2: memref<1000000xf32, #tpu.memory_space<hbm>>, %arg3: memref<3907x8x128xf32, #tpu.memory_space<hbm>>, %arg4: memref<4160xf32, #tpu.memory_space<vmem>>, %arg5: memref<4160xf32, #tpu.memory_space<vmem>>, %arg6: memref<16x8x128xf32, #tpu.memory_space<vmem>>, %arg7: memref<16x8x128xf32, #tpu.memory_space<vmem>>, %arg8: memref<!tpu.dma_semaphore, #tpu.memory_space<semaphore_mem>>, %arg9: memref<!tpu.dma_semaphore, #tpu.memory_space<semaphore_mem>>, %arg10: memref<!tpu.dma_semaphore, #tpu.memory_space<semaphore_mem>>, %arg11: memref<!tpu.dma_semaphore, #tpu.memory_space<semaphore_mem>>) attributes {dimension_semantics = [#tpu.dimension_semantics<core_parallel>, #tpu.dimension_semantics<subcore_parallel>], iteration_bounds = array<i64: 2, 16>, scalar_prefetch = 0 : i64, scratch_operands = 8 : i64, tpu.core_type = #tpu.core_type<sc_vector_subcore>, window_params = [{transform_indices = #map}, {transform_indices = #map1}]} {
    %mul3A = arith.constant 2 : i32
    %mul3A_0 = arith.muli %arg1, %mul3A : i32
    %add3A = arith.addi %mul3A_0, %arg0 : i32
    %mul3A_1 = arith.constant 123 : i32
    %mul3A_2 = arith.muli %add3A, %mul3A_1 : i32
    %min3A = arith.constant 3784 : i32
    %min3A_3 = arith.minsi %mul3A_2, %min3A : i32
    %iota3A = tpu.iota {dimensions = array<i32: 0>} : vector<16xi32>
    %mul3A_4 = arith.constant 2 : i32
    %mul3A_5 = vector.broadcast %mul3A_4 : i32 to vector<16xi32>
    %mul3A_6 = arith.muli %mul3A_5, %iota3A : vector<16xi32>
    %add3A_7 = arith.constant 0 : i32
    %add3A_8 = arith.addi %min3A_3, %add3A_7 : i32
    %add3A_9 = arith.constant 123 : i32
    %add3A_10 = arith.addi %min3A_3, %add3A_9 : i32
    %sub3A = arith.constant 16 : i32
    %sub3A_11 = arith.subi %add3A_10, %sub3A : i32
    %min3A_12 = arith.minsi %add3A_8, %sub3A_11 : i32
    %mul3A_13 = arith.constant 128 : i32
    %mul3A_14 = arith.muli %min3A_12, %mul3A_13 : i32
    %mul3A_15 = arith.constant 2 : i32
    %mul3A_16 = arith.muli %mul3A_15, %mul3A_14 : i32
    %and3A = arith.constant -8 : i32
    %and3A_17 = arith.andi %mul3A_16, %and3A : i32
    %min3A_18 = arith.constant 995840 : i32
    %min3A_19 = arith.minsi %and3A_17, %min3A_18 : i32
    %multiple_of3A = tpu.assume_multiple %min3A_19, 8 : i32
    %dma_start3A = tpu.memref_slice %arg2[%multiple_of3A] : memref<1000000xf32, #tpu.memory_space<hbm>> -> memref<4160xf32, #tpu.memory_space<hbm>>
    %dma_start3A_20 = tpu.memref_slice %arg2[%multiple_of3A] : memref<1000000xf32, #tpu.memory_space<hbm>> -> memref<4160xf32, #tpu.memory_space<hbm>>
    tpu.enqueue_dma source(%dma_start3A_20 : memref<4160xf32, #tpu.memory_space<hbm>>) target(%arg4 : memref<4160xf32, #tpu.memory_space<vmem>>) target_semaphore(%arg8 : memref<!tpu.dma_semaphore, #tpu.memory_space<semaphore_mem>>)
    %add3A_21 = arith.constant 16 : i32
    %add3A_22 = arith.addi %min3A_3, %add3A_21 : i32
    %add3A_23 = arith.constant 123 : i32
    %add3A_24 = arith.addi %min3A_3, %add3A_23 : i32
    %sub3A_25 = arith.constant 16 : i32
    %sub3A_26 = arith.subi %add3A_24, %sub3A_25 : i32
    %min3A_27 = arith.minsi %add3A_22, %sub3A_26 : i32
    %mul3A_28 = arith.constant 128 : i32
    %mul3A_29 = arith.muli %min3A_27, %mul3A_28 : i32
    %mul3A_30 = arith.constant 2 : i32
    %mul3A_31 = arith.muli %mul3A_30, %mul3A_29 : i32
    %and3A_32 = arith.constant -8 : i32
    %and3A_33 = arith.andi %mul3A_31, %and3A_32 : i32
    %min3A_34 = arith.constant 995840 : i32
    %min3A_35 = arith.minsi %and3A_33, %min3A_34 : i32
    %multiple_of3A_36 = tpu.assume_multiple %min3A_35, 8 : i32
    %dma_start3A_37 = tpu.memref_slice %arg2[%multiple_of3A_36] : memref<1000000xf32, #tpu.memory_space<hbm>> -> memref<4160xf32, #tpu.memory_space<hbm>>
    %dma_start3A_38 = tpu.memref_slice %arg2[%multiple_of3A_36] : memref<1000000xf32, #tpu.memory_space<hbm>> -> memref<4160xf32, #tpu.memory_space<hbm>>
    tpu.enqueue_dma source(%dma_start3A_38 : memref<4160xf32, #tpu.memory_space<hbm>>) target(%arg5 : memref<4160xf32, #tpu.memory_space<vmem>>) target_semaphore(%arg9 : memref<!tpu.dma_semaphore, #tpu.memory_space<semaphore_mem>>)
    %dma_wait3A = tpu.memref_slice %arg2[%multiple_of3A] : memref<1000000xf32, #tpu.memory_space<hbm>> -> memref<4160xf32, #tpu.memory_space<hbm>>
    %dma_wait3A_39 = tpu.memref_slice %arg2[%multiple_of3A] : memref<1000000xf32, #tpu.memory_space<hbm>> -> memref<4160xf32, #tpu.memory_space<hbm>>
    tpu.wait_dma2 semaphore(%arg8 : memref<!tpu.dma_semaphore, #tpu.memory_space<semaphore_mem>>) src(%dma_wait3A_39 : memref<4160xf32, #tpu.memory_space<hbm>>) dst(%arg4 : memref<4160xf32, #tpu.memory_space<vmem>>)
    %add3A_40 = arith.constant 0 : i32
    %add3A_41 = arith.addi %min3A_3, %add3A_40 : i32
    %add3A_42 = arith.constant 123 : i32
    %add3A_43 = arith.addi %min3A_3, %add3A_42 : i32
    %sub3A_44 = arith.constant 16 : i32
    %sub3A_45 = arith.subi %add3A_43, %sub3A_44 : i32
    %min3A_46 = arith.minsi %add3A_41, %sub3A_45 : i32
    %mul3A_47 = arith.constant 2 : i32
    %mul3A_48 = arith.muli %mul3A_47, %min3A_46 : i32
    %mul3A_49 = arith.constant 128 : i32
    %mul3A_50 = arith.muli %mul3A_48, %mul3A_49 : i32
    %sub3A_51 = arith.subi %mul3A_50, %min3A_19 : i32
    %add3A_52 = vector.broadcast %sub3A_51 : i32 to vector<16xi32>
    %add3A_53 = arith.addi %add3A_52, %mul3A_6 : vector<16xi32>
    %parallel_loop3A = arith.constant 0 : i32
    %parallel_loop3A_54 = arith.constant 128 : i32
    %parallel_loop3A_55 = arith.constant 1 : i32
    %parallel_loop3A_56 = scf.for %parallel_loop3A_401 = %parallel_loop3A to %parallel_loop3A_54 step %parallel_loop3A_55 iter_args(%parallel_loop3A_402 = %add3A_53) -> (vector<16xi32>)  : i32 {
      %parallel_loop3A_403 = arith.constant 3 : i32
      %parallel_loop3A_404 = arith.shrsi %parallel_loop3A_401, %parallel_loop3A_403 : i32
      %parallel_loop3A_405 = arith.constant 7 : i32
      %parallel_loop3A_406 = arith.andi %parallel_loop3A_401, %parallel_loop3A_405 : i32
      %parallel_loop3A_407 = arith.constant 16 : i32
      %parallel_loop3A_408 = arith.muli %parallel_loop3A_406, %parallel_loop3A_407 : i32
      %parallel_loop3A_409 = arith.constant 0 : i32
      %parallel_loop3A_410 = vector.broadcast %parallel_loop3A_409 : i32 to vector<16xi32>
      %parallel_loop3A_411 = arith.addi %parallel_loop3A_402, %parallel_loop3A_410 : vector<16xi32>
      %parallel_loop3A_412 = arith.constant 4159 : i32
      %parallel_loop3A_413 = vector.broadcast %parallel_loop3A_412 : i32 to vector<16xi32>
      %parallel_loop3A_414 = arith.minsi %parallel_loop3A_411, %parallel_loop3A_413 : vector<16xi32>
      %parallel_loop3A_415 = tpu.vector_load_idx %arg4[%parallel_loop3A_414] : memref<4160xf32, #tpu.memory_space<vmem>>[vector<16xi32>], vector<16xf32>,
      %parallel_loop3A_416 = tpu.assume_multiple %parallel_loop3A_408, 16 : i32
      %parallel_loop3A_417 = arith.constant 0 : i32
      %parallel_loop3A_418 = arith.index_cast %parallel_loop3A_404 : i32 to index
      %parallel_loop3A_419 = arith.index_cast %parallel_loop3A_417 : i32 to index
      %parallel_loop3A_420 = arith.index_cast %parallel_loop3A_416 : i32 to index
      %parallel_loop3A_421 = tpu.vector_load %arg6[%parallel_loop3A_418, %parallel_loop3A_419, %parallel_loop3A_420] {strides = array<i32>} : memref<16x8x128xf32, #tpu.memory_space<vmem>>, vector<16xf32>,
      tpu.vector_store %arg6[%parallel_loop3A_418, %parallel_loop3A_419, %parallel_loop3A_420], %parallel_loop3A_415 {strides = array<i32>} : memref<16x8x128xf32, #tpu.memory_space<vmem>>, vector<16xf32>,
      %parallel_loop3A_422 = arith.constant 4 : i32
      %parallel_loop3A_423 = vector.broadcast %parallel_loop3A_422 : i32 to vector<16xi32>
      %parallel_loop3A_424 = arith.addi %parallel_loop3A_402, %parallel_loop3A_423 : vector<16xi32>
      %parallel_loop3A_425 = arith.constant 4159 : i32
      %parallel_loop3A_426 = vector.broadcast %parallel_loop3A_425 : i32 to vector<16xi32>
      %parallel_loop3A_427 = arith.minsi %parallel_loop3A_424, %parallel_loop3A_426 : vector<16xi32>
      %parallel_loop3A_428 = tpu.vector_load_idx %arg4[%parallel_loop3A_427] : memref<4160xf32, #tpu.memory_space<vmem>>[vector<16xi32>], vector<16xf32>,
      %parallel_loop3A_429 = tpu.assume_multiple %parallel_loop3A_408, 16 : i32
      %parallel_loop3A_430 = arith.constant 1 : i32
      %parallel_loop3A_431 = arith.index_cast %parallel_loop3A_404 : i32 to index
      %parallel_loop3A_432 = arith.index_cast %parallel_loop3A_430 : i32 to index
      %parallel_loop3A_433 = arith.index_cast %parallel_loop3A_429 : i32 to index
      %parallel_loop3A_434 = tpu.vector_load %arg6[%parallel_loop3A_431, %parallel_loop3A_432, %parallel_loop3A_433] {strides = array<i32>} : memref<16x8x128xf32, #tpu.memory_space<vmem>>, vector<16xf32>,
      tpu.vector_store %arg6[%parallel_loop3A_431, %parallel_loop3A_432, %parallel_loop3A_433], %parallel_loop3A_428 {strides = array<i32>} : memref<16x8x128xf32, #tpu.memory_space<vmem>>, vector<16xf32>,
      %parallel_loop3A_435 = arith.constant 8 : i32
      %parallel_loop3A_436 = vector.broadcast %parallel_loop3A_435 : i32 to vector<16xi32>
      %parallel_loop3A_437 = arith.addi %parallel_loop3A_402, %parallel_loop3A_436 : vector<16xi32>
      %parallel_loop3A_438 = arith.constant 4159 : i32
      %parallel_loop3A_439 = vector.broadcast %parallel_loop3A_438 : i32 to vector<16xi32>
      %parallel_loop3A_440 = arith.minsi %parallel_loop3A_437, %parallel_loop3A_439 : vector<16xi32>
      %parallel_loop3A_441 = tpu.vector_load_idx %arg4[%parallel_loop3A_440] : memref<4160xf32, #tpu.memory_space<vmem>>[vector<16xi32>], vector<16xf32>,
      %parallel_loop3A_442 = tpu.assume_multiple %parallel_loop3A_408, 16 : i32
      %parallel_loop3A_443 = arith.constant 2 : i32
      %parallel_loop3A_444 = arith.index_cast %parallel_loop3A_404 : i32 to index
      %parallel_loop3A_445 = arith.index_cast %parallel_loop3A_443 : i32 to index
      %parallel_loop3A_446 = arith.index_cast %parallel_loop3A_442 : i32 to index
      %parallel_loop3A_447 = tpu.vector_load %arg6[%parallel_loop3A_444, %parallel_loop3A_445, %parallel_loop3A_446] {strides = array<i32>} : memref<16x8x128xf32, #tpu.memory_space<vmem>>, vector<16xf32>,
      tpu.vector_store %arg6[%parallel_loop3A_444, %parallel_loop3A_445, %parallel_loop3A_446], %parallel_loop3A_441 {strides = array<i32>} : memref<16x8x128xf32, #tpu.memory_space<vmem>>, vector<16xf32>,
      %parallel_loop3A_448 = arith.constant 12 : i32
      %parallel_loop3A_449 = vector.broadcast %parallel_loop3A_448 : i32 to vector<16xi32>
      %parallel_loop3A_450 = arith.addi %parallel_loop3A_402, %parallel_loop3A_449 : vector<16xi32>
      %parallel_loop3A_451 = arith.constant 4159 : i32
      %parallel_loop3A_452 = vector.broadcast %parallel_loop3A_451 : i32 to vector<16xi32>
      %parallel_loop3A_453 = arith.minsi %parallel_loop3A_450, %parallel_loop3A_452 : vector<16xi32>
      %parallel_loop3A_454 = tpu.vector_load_idx %arg4[%parallel_loop3A_453] : memref<4160xf32, #tpu.memory_space<vmem>>[vector<16xi32>], vector<16xf32>,
      %parallel_loop3A_455 = tpu.assume_multiple %parallel_loop3A_408, 16 : i32
      %parallel_loop3A_456 = arith.constant 3 : i32
      %parallel_loop3A_457 = arith.index_cast %parallel_loop3A_404 : i32 to index
      %parallel_loop3A_458 = arith.index_cast %parallel_loop3A_456 : i32 to index
      %parallel_loop3A_459 = arith.index_cast %parallel_loop3A_455 : i32 to index
      %parallel_loop3A_460 = tpu.vector_load %arg6[%parallel_loop3A_457, %parallel_loop3A_458, %parallel_loop3A_459] {strides = array<i32>} : memref<16x8x128xf32, #tpu.memory_space<vmem>>, vector<16xf32>,
      tpu.vector_store %arg6[%parallel_loop3A_457, %parallel_loop3A_458, %parallel_loop3A_459], %parallel_loop3A_454 {strides = array<i32>} : memref<16x8x128xf32, #tpu.memory_space<vmem>>, vector<16xf32>,
      %parallel_loop3A_461 = arith.constant 16 : i32
      %parallel_loop3A_462 = vector.broadcast %parallel_loop3A_461 : i32 to vector<16xi32>
      %parallel_loop3A_463 = arith.addi %parallel_loop3A_402, %parallel_loop3A_462 : vector<16xi32>
      %parallel_loop3A_464 = arith.constant 4159 : i32
      %parallel_loop3A_465 = vector.broadcast %parallel_loop3A_464 : i32 to vector<16xi32>
      %parallel_loop3A_466 = arith.minsi %parallel_loop3A_463, %parallel_loop3A_465 : vector<16xi32>
      %parallel_loop3A_467 = tpu.vector_load_idx %arg4[%parallel_loop3A_466] : memref<4160xf32, #tpu.memory_space<vmem>>[vector<16xi32>], vector<16xf32>,
      %parallel_loop3A_468 = tpu.assume_multiple %parallel_loop3A_408, 16 : i32
      %parallel_loop3A_469 = arith.constant 4 : i32
      %parallel_loop3A_470 = arith.index_cast %parallel_loop3A_404 : i32 to index
      %parallel_loop3A_471 = arith.index_cast %parallel_loop3A_469 : i32 to index
      %parallel_loop3A_472 = arith.index_cast %parallel_loop3A_468 : i32 to index
      %parallel_loop3A_473 = tpu.vector_load %arg6[%parallel_loop3A_470, %parallel_loop3A_471, %parallel_loop3A_472] {strides = array<i32>} : memref<16x8x128xf32, #tpu.memory_space<vmem>>, vector<16xf32>,
      tpu.vector_store %arg6[%parallel_loop3A_470, %parallel_loop3A_471, %parallel_loop3A_472], %parallel_loop3A_467 {strides = array<i32>} : memref<16x8x128xf32, #tpu.memory_space<vmem>>, vector<16xf32>,
      %parallel_loop3A_474 = arith.constant 20 : i32
      %parallel_loop3A_475 = vector.broadcast %parallel_loop3A_474 : i32 to vector<16xi32>
      %parallel_loop3A_476 = arith.addi %parallel_loop3A_402, %parallel_loop3A_475 : vector<16xi32>
      %parallel_loop3A_477 = arith.constant 4159 : i32
      %parallel_loop3A_478 = vector.broadcast %parallel_loop3A_477 : i32 to vector<16xi32>
      %parallel_loop3A_479 = arith.minsi %parallel_loop3A_476, %parallel_loop3A_478 : vector<16xi32>
      %parallel_loop3A_480 = tpu.vector_load_idx %arg4[%parallel_loop3A_479] : memref<4160xf32, #tpu.memory_space<vmem>>[vector<16xi32>], vector<16xf32>,
      %parallel_loop3A_481 = tpu.assume_multiple %parallel_loop3A_408, 16 : i32
      %parallel_loop3A_482 = arith.constant 5 : i32
      %parallel_loop3A_483 = arith.index_cast %parallel_loop3A_404 : i32 to index
      %parallel_loop3A_484 = arith.index_cast %parallel_loop3A_482 : i32 to index
      %parallel_loop3A_485 = arith.index_cast %parallel_loop3A_481 : i32 to index
      %parallel_loop3A_486 = tpu.vector_load %arg6[%parallel_loop3A_483, %parallel_loop3A_484, %parallel_loop3A_485] {strides = array<i32>} : memref<16x8x128xf32, #tpu.memory_space<vmem>>, vector<16xf32>,
      tpu.vector_store %arg6[%parallel_loop3A_483, %parallel_loop3A_484, %parallel_loop3A_485], %parallel_loop3A_480 {strides = array<i32>} : memref<16x8x128xf32, #tpu.memory_space<vmem>>, vector<16xf32>,
      %parallel_loop3A_487 = arith.constant 24 : i32
      %parallel_loop3A_488 = vector.broadcast %parallel_loop3A_487 : i32 to vector<16xi32>
      %parallel_loop3A_489 = arith.addi %parallel_loop3A_402, %parallel_loop3A_488 : vector<16xi32>
      %parallel_loop3A_490 = arith.constant 4159 : i32
      %parallel_loop3A_491 = vector.broadcast %parallel_loop3A_490 : i32 to vector<16xi32>
      %parallel_loop3A_492 = arith.minsi %parallel_loop3A_489, %parallel_loop3A_491 : vector<16xi32>
      %parallel_loop3A_493 = tpu.vector_load_idx %arg4[%parallel_loop3A_492] : memref<4160xf32, #tpu.memory_space<vmem>>[vector<16xi32>], vector<16xf32>,
      %parallel_loop3A_494 = tpu.assume_multiple %parallel_loop3A_408, 16 : i32
      %parallel_loop3A_495 = arith.constant 6 : i32
      %parallel_loop3A_496 = arith.index_cast %parallel_loop3A_404 : i32 to index
      %parallel_loop3A_497 = arith.index_cast %parallel_loop3A_495 : i32 to index
      %parallel_loop3A_498 = arith.index_cast %parallel_loop3A_494 : i32 to index
      %parallel_loop3A_499 = tpu.vector_load %arg6[%parallel_loop3A_496, %parallel_loop3A_497, %parallel_loop3A_498] {strides = array<i32>} : memref<16x8x128xf32, #tpu.memory_space<vmem>>, vector<16xf32>,
      tpu.vector_store %arg6[%parallel_loop3A_496, %parallel_loop3A_497, %parallel_loop3A_498], %parallel_loop3A_493 {strides = array<i32>} : memref<16x8x128xf32, #tpu.memory_space<vmem>>, vector<16xf32>,
      %parallel_loop3A_500 = arith.constant 28 : i32
      %parallel_loop3A_501 = vector.broadcast %parallel_loop3A_500 : i32 to vector<16xi32>
      %parallel_loop3A_502 = arith.addi %parallel_loop3A_402, %parallel_loop3A_501 : vector<16xi32>
      %parallel_loop3A_503 = arith.constant 4159 : i32
      %parallel_loop3A_504 = vector.broadcast %parallel_loop3A_503 : i32 to vector<16xi32>
      %parallel_loop3A_505 = arith.minsi %parallel_loop3A_502, %parallel_loop3A_504 : vector<16xi32>
      %parallel_loop3A_506 = tpu.vector_load_idx %arg4[%parallel_loop3A_505] : memref<4160xf32, #tpu.memory_space<vmem>>[vector<16xi32>], vector<16xf32>,
      %parallel_loop3A_507 = tpu.assume_multiple %parallel_loop3A_408, 16 : i32
      %parallel_loop3A_508 = arith.constant 7 : i32
      %parallel_loop3A_509 = arith.index_cast %parallel_loop3A_404 : i32 to index
      %parallel_loop3A_510 = arith.index_cast %parallel_loop3A_508 : i32 to index
      %parallel_loop3A_511 = arith.index_cast %parallel_loop3A_507 : i32 to index
      %parallel_loop3A_512 = tpu.vector_load %arg6[%parallel_loop3A_509, %parallel_loop3A_510, %parallel_loop3A_511] {strides = array<i32>} : memref<16x8x128xf32, #tpu.memory_space<vmem>>, vector<16xf32>,
      tpu.vector_store %arg6[%parallel_loop3A_509, %parallel_loop3A_510, %parallel_loop3A_511], %parallel_loop3A_506 {strides = array<i32>} : memref<16x8x128xf32, #tpu.memory_space<vmem>>, vector<16xf32>,
      %parallel_loop3A_513 = arith.constant 32 : i32
      %parallel_loop3A_514 = vector.broadcast %parallel_loop3A_513 : i32 to vector<16xi32>
      %parallel_loop3A_515 = arith.addi %parallel_loop3A_402, %parallel_loop3A_514 : vector<16xi32>
      scf.yield %parallel_loop3A_515 : vector<16xi32>
    } {sc.loop_unroll_factor = 1 : i64, sc.parallel_access}
    %dma_start3A_57 = arith.constant 0 : i32
    %dma_start3A_58 = arith.constant 0 : i32
    %dma_start3A_59 = tpu.memref_slice %arg3[%min3A_46, %dma_start3A_57, %dma_start3A_58] : memref<3907x8x128xf32, #tpu.memory_space<hbm>> -> memref<16x8x128xf32, #tpu.memory_space<hbm>>
    %dma_start3A_60 = arith.constant 0 : i32
    %dma_start3A_61 = arith.constant 0 : i32
    %dma_start3A_62 = tpu.memref_slice %arg3[%min3A_46, %dma_start3A_60, %dma_start3A_61] : memref<3907x8x128xf32, #tpu.memory_space<hbm>> -> memref<16x8x128xf32, #tpu.memory_space<hbm>>
    tpu.enqueue_dma source(%arg6 : memref<16x8x128xf32, #tpu.memory_space<vmem>>) target(%dma_start3A_62 : memref<16x8x128xf32, #tpu.memory_space<hbm>>) target_semaphore(%arg10 : memref<!tpu.dma_semaphore, #tpu.memory_space<semaphore_mem>>)
    %add3A_63 = arith.constant 32 : i32
    %add3A_64 = arith.addi %min3A_3, %add3A_63 : i32
    %add3A_65 = arith.constant 123 : i32
    %add3A_66 = arith.addi %min3A_3, %add3A_65 : i32
    %sub3A_67 = arith.constant 16 : i32
    %sub3A_68 = arith.subi %add3A_66, %sub3A_67 : i32
    %min3A_69 = arith.minsi %add3A_64, %sub3A_68 : i32
    %mul3A_70 = arith.constant 128 : i32
    %mul3A_71 = arith.muli %min3A_69, %mul3A_70 : i32
    %mul3A_72 = arith.constant 2 : i32
    %mul3A_73 = arith.muli %mul3A_72, %mul3A_71 : i32
    %and3A_74 = arith.constant -8 : i32
    %and3A_75 = arith.andi %mul3A_73, %and3A_74 : i32
    %min3A_76 = arith.constant 995840 : i32
    %min3A_77 = arith.minsi %and3A_75, %min3A_76 : i32
    %multiple_of3A_78 = tpu.assume_multiple %min3A_77, 8 : i32
    %dma_start3A_79 = tpu.memref_slice %arg2[%multiple_of3A_78] : memref<1000000xf32, #tpu.memory_space<hbm>> -> memref<4160xf32, #tpu.memory_space<hbm>>
    %dma_start3A_80 = tpu.memref_slice %arg2[%multiple_of3A_78] : memref<1000000xf32, #tpu.memory_space<hbm>> -> memref<4160xf32, #tpu.memory_space<hbm>>
    tpu.enqueue_dma source(%dma_start3A_80 : memref<4160xf32, #tpu.memory_space<hbm>>) target(%arg4 : memref<4160xf32, #tpu.memory_space<vmem>>) target_semaphore(%arg8 : memref<!tpu.dma_semaphore, #tpu.memory_space<semaphore_mem>>)
    %dma_wait3A_81 = tpu.memref_slice %arg2[%multiple_of3A_36] : memref<1000000xf32, #tpu.memory_space<hbm>> -> memref<4160xf32, #tpu.memory_space<hbm>>
    %dma_wait3A_82 = tpu.memref_slice %arg2[%multiple_of3A_36] : memref<1000000xf32, #tpu.memory_space<hbm>> -> memref<4160xf32, #tpu.memory_space<hbm>>
    tpu.wait_dma2 semaphore(%arg9 : memref<!tpu.dma_semaphore, #tpu.memory_space<semaphore_mem>>) src(%dma_wait3A_82 : memref<4160xf32, #tpu.memory_space<hbm>>) dst(%arg5 : memref<4160xf32, #tpu.memory_space<vmem>>)
    %add3A_83 = arith.constant 16 : i32
    %add3A_84 = arith.addi %min3A_3, %add3A_83 : i32
    %add3A_85 = arith.constant 123 : i32
    %add3A_86 = arith.addi %min3A_3, %add3A_85 : i32
    %sub3A_87 = arith.constant 16 : i32
    %sub3A_88 = arith.subi %add3A_86, %sub3A_87 : i32
    %min3A_89 = arith.minsi %add3A_84, %sub3A_88 : i32
    %mul3A_90 = arith.constant 2 : i32
    %mul3A_91 = arith.muli %mul3A_90, %min3A_89 : i32
    %mul3A_92 = arith.constant 128 : i32
    %mul3A_93 = arith.muli %mul3A_91, %mul3A_92 : i32
    %sub3A_94 = arith.subi %mul3A_93, %min3A_35 : i32
    %add3A_95 = vector.broadcast %sub3A_94 : i32 to vector<16xi32>
    %add3A_96 = arith.addi %add3A_95, %mul3A_6 : vector<16xi32>
    %parallel_loop3A_97 = arith.constant 0 : i32
    %parallel_loop3A_98 = arith.constant 128 : i32
    %parallel_loop3A_99 = arith.constant 1 : i32
    %parallel_loop3A_100 = scf.for %parallel_loop3A_401 = %parallel_loop3A_97 to %parallel_loop3A_98 step %parallel_loop3A_99 iter_args(%parallel_loop3A_402 = %add3A_96) -> (vector<16xi32>)  : i32 {
      %parallel_loop3A_403 = arith.constant 3 : i32
      %parallel_loop3A_404 = arith.shrsi %parallel_loop3A_401, %parallel_loop3A_403 : i32
      %parallel_loop3A_405 = arith.constant 7 : i32
      %parallel_loop3A_406 = arith.andi %parallel_loop3A_401, %parallel_loop3A_405 : i32
      %parallel_loop3A_407 = arith.constant 16 : i32
      %parallel_loop3A_408 = arith.muli %parallel_loop3A_406, %parallel_loop3A_407 : i32
      %parallel_loop3A_409 = arith.constant 0 : i32
      %parallel_loop3A_410 = vector.broadcast %parallel_loop3A_409 : i32 to vector<16xi32>
      %parallel_loop3A_411 = arith.addi %parallel_loop3A_402, %parallel_loop3A_410 : vector<16xi32>
      %parallel_loop3A_412 = arith.constant 4159 : i32
      %parallel_loop3A_413 = vector.broadcast %parallel_loop3A_412 : i32 to vector<16xi32>
      %parallel_loop3A_414 = arith.minsi %parallel_loop3A_411, %parallel_loop3A_413 : vector<16xi32>
      %parallel_loop3A_415 = tpu.vector_load_idx %arg5[%parallel_loop3A_414] : memref<4160xf32, #tpu.memory_space<vmem>>[vector<16xi32>], vector<16xf32>,
      %parallel_loop3A_416 = tpu.assume_multiple %parallel_loop3A_408, 16 : i32
      %parallel_loop3A_417 = arith.constant 0 : i32
      %parallel_loop3A_418 = arith.index_cast %parallel_loop3A_404 : i32 to index
      %parallel_loop3A_419 = arith.index_cast %parallel_loop3A_417 : i32 to index
      %parallel_loop3A_420 = arith.index_cast %parallel_loop3A_416 : i32 to index
      %parallel_loop3A_421 = tpu.vector_load %arg7[%parallel_loop3A_418, %parallel_loop3A_419, %parallel_loop3A_420] {strides = array<i32>} : memref<16x8x128xf32, #tpu.memory_space<vmem>>, vector<16xf32>,
      tpu.vector_store %arg7[%parallel_loop3A_418, %parallel_loop3A_419, %parallel_loop3A_420], %parallel_loop3A_415 {strides = array<i32>} : memref<16x8x128xf32, #tpu.memory_space<vmem>>, vector<16xf32>,
      %parallel_loop3A_422 = arith.constant 4 : i32
      %parallel_loop3A_423 = vector.broadcast %parallel_loop3A_422 : i32 to vector<16xi32>
      %parallel_loop3A_424 = arith.addi %parallel_loop3A_402, %parallel_loop3A_423 : vector<16xi32>
      %parallel_loop3A_425 = arith.constant 4159 : i32
      %parallel_loop3A_426 = vector.broadcast %parallel_loop3A_425 : i32 to vector<16xi32>
      %parallel_loop3A_427 = arith.minsi %parallel_loop3A_424, %parallel_loop3A_426 : vector<16xi32>
      %parallel_loop3A_428 = tpu.vector_load_idx %arg5[%parallel_loop3A_427] : memref<4160xf32, #tpu.memory_space<vmem>>[vector<16xi32>], vector<16xf32>,
      %parallel_loop3A_429 = tpu.assume_multiple %parallel_loop3A_408, 16 : i32
      %parallel_loop3A_430 = arith.constant 1 : i32
      %parallel_loop3A_431 = arith.index_cast %parallel_loop3A_404 : i32 to index
      %parallel_loop3A_432 = arith.index_cast %parallel_loop3A_430 : i32 to index
      %parallel_loop3A_433 = arith.index_cast %parallel_loop3A_429 : i32 to index
      %parallel_loop3A_434 = tpu.vector_load %arg7[%parallel_loop3A_431, %parallel_loop3A_432, %parallel_loop3A_433] {strides = array<i32>} : memref<16x8x128xf32, #tpu.memory_space<vmem>>, vector<16xf32>,
      tpu.vector_store %arg7[%parallel_loop3A_431, %parallel_loop3A_432, %parallel_loop3A_433], %parallel_loop3A_428 {strides = array<i32>} : memref<16x8x128xf32, #tpu.memory_space<vmem>>, vector<16xf32>,
      %parallel_loop3A_435 = arith.constant 8 : i32
      %parallel_loop3A_436 = vector.broadcast %parallel_loop3A_435 : i32 to vector<16xi32>
      %parallel_loop3A_437 = arith.addi %parallel_loop3A_402, %parallel_loop3A_436 : vector<16xi32>
      %parallel_loop3A_438 = arith.constant 4159 : i32
      %parallel_loop3A_439 = vector.broadcast %parallel_loop3A_438 : i32 to vector<16xi32>
      %parallel_loop3A_440 = arith.minsi %parallel_loop3A_437, %parallel_loop3A_439 : vector<16xi32>
      %parallel_loop3A_441 = tpu.vector_load_idx %arg5[%parallel_loop3A_440] : memref<4160xf32, #tpu.memory_space<vmem>>[vector<16xi32>], vector<16xf32>,
      %parallel_loop3A_442 = tpu.assume_multiple %parallel_loop3A_408, 16 : i32
      %parallel_loop3A_443 = arith.constant 2 : i32
      %parallel_loop3A_444 = arith.index_cast %parallel_loop3A_404 : i32 to index
      %parallel_loop3A_445 = arith.index_cast %parallel_loop3A_443 : i32 to index
      %parallel_loop3A_446 = arith.index_cast %parallel_loop3A_442 : i32 to index
      %parallel_loop3A_447 = tpu.vector_load %arg7[%parallel_loop3A_444, %parallel_loop3A_445, %parallel_loop3A_446] {strides = array<i32>} : memref<16x8x128xf32, #tpu.memory_space<vmem>>, vector<16xf32>,
      tpu.vector_store %arg7[%parallel_loop3A_444, %parallel_loop3A_445, %parallel_loop3A_446], %parallel_loop3A_441 {strides = array<i32>} : memref<16x8x128xf32, #tpu.memory_space<vmem>>, vector<16xf32>,
      %parallel_loop3A_448 = arith.constant 12 : i32
      %parallel_loop3A_449 = vector.broadcast %parallel_loop3A_448 : i32 to vector<16xi32>
      %parallel_loop3A_450 = arith.addi %parallel_loop3A_402, %parallel_loop3A_449 : vector<16xi32>
      %parallel_loop3A_451 = arith.constant 4159 : i32
      %parallel_loop3A_452 = vector.broadcast %parallel_loop3A_451 : i32 to vector<16xi32>
      %parallel_loop3A_453 = arith.minsi %parallel_loop3A_450, %parallel_loop3A_452 : vector<16xi32>
      %parallel_loop3A_454 = tpu.vector_load_idx %arg5[%parallel_loop3A_453] : memref<4160xf32, #tpu.memory_space<vmem>>[vector<16xi32>], vector<16xf32>,
      %parallel_loop3A_455 = tpu.assume_multiple %parallel_loop3A_408, 16 : i32
      %parallel_loop3A_456 = arith.constant 3 : i32
      %parallel_loop3A_457 = arith.index_cast %parallel_loop3A_404 : i32 to index
      %parallel_loop3A_458 = arith.index_cast %parallel_loop3A_456 : i32 to index
      %parallel_loop3A_459 = arith.index_cast %parallel_loop3A_455 : i32 to index
      %parallel_loop3A_460 = tpu.vector_load %arg7[%parallel_loop3A_457, %parallel_loop3A_458, %parallel_loop3A_459] {strides = array<i32>} : memref<16x8x128xf32, #tpu.memory_space<vmem>>, vector<16xf32>,
      tpu.vector_store %arg7[%parallel_loop3A_457, %parallel_loop3A_458, %parallel_loop3A_459], %parallel_loop3A_454 {strides = array<i32>} : memref<16x8x128xf32, #tpu.memory_space<vmem>>, vector<16xf32>,
      %parallel_loop3A_461 = arith.constant 16 : i32
      %parallel_loop3A_462 = vector.broadcast %parallel_loop3A_461 : i32 to vector<16xi32>
      %parallel_loop3A_463 = arith.addi %parallel_loop3A_402, %parallel_loop3A_462 : vector<16xi32>
      %parallel_loop3A_464 = arith.constant 4159 : i32
      %parallel_loop3A_465 = vector.broadcast %parallel_loop3A_464 : i32 to vector<16xi32>
      %parallel_loop3A_466 = arith.minsi %parallel_loop3A_463, %parallel_loop3A_465 : vector<16xi32>
      %parallel_loop3A_467 = tpu.vector_load_idx %arg5[%parallel_loop3A_466] : memref<4160xf32, #tpu.memory_space<vmem>>[vector<16xi32>], vector<16xf32>,
      %parallel_loop3A_468 = tpu.assume_multiple %parallel_loop3A_408, 16 : i32
      %parallel_loop3A_469 = arith.constant 4 : i32
      %parallel_loop3A_470 = arith.index_cast %parallel_loop3A_404 : i32 to index
      %parallel_loop3A_471 = arith.index_cast %parallel_loop3A_469 : i32 to index
      %parallel_loop3A_472 = arith.index_cast %parallel_loop3A_468 : i32 to index
      %parallel_loop3A_473 = tpu.vector_load %arg7[%parallel_loop3A_470, %parallel_loop3A_471, %parallel_loop3A_472] {strides = array<i32>} : memref<16x8x128xf32, #tpu.memory_space<vmem>>, vector<16xf32>,
      tpu.vector_store %arg7[%parallel_loop3A_470, %parallel_loop3A_471, %parallel_loop3A_472], %parallel_loop3A_467 {strides = array<i32>} : memref<16x8x128xf32, #tpu.memory_space<vmem>>, vector<16xf32>,
      %parallel_loop3A_474 = arith.constant 20 : i32
      %parallel_loop3A_475 = vector.broadcast %parallel_loop3A_474 : i32 to vector<16xi32>
      %parallel_loop3A_476 = arith.addi %parallel_loop3A_402, %parallel_loop3A_475 : vector<16xi32>
      %parallel_loop3A_477 = arith.constant 4159 : i32
      %parallel_loop3A_478 = vector.broadcast %parallel_loop3A_477 : i32 to vector<16xi32>
      %parallel_loop3A_479 = arith.minsi %parallel_loop3A_476, %parallel_loop3A_478 : vector<16xi32>
      %parallel_loop3A_480 = tpu.vector_load_idx %arg5[%parallel_loop3A_479] : memref<4160xf32, #tpu.memory_space<vmem>>[vector<16xi32>], vector<16xf32>,
      %parallel_loop3A_481 = tpu.assume_multiple %parallel_loop3A_408, 16 : i32
      %parallel_loop3A_482 = arith.constant 5 : i32
      %parallel_loop3A_483 = arith.index_cast %parallel_loop3A_404 : i32 to index
      %parallel_loop3A_484 = arith.index_cast %parallel_loop3A_482 : i32 to index
      %parallel_loop3A_485 = arith.index_cast %parallel_loop3A_481 : i32 to index
      %parallel_loop3A_486 = tpu.vector_load %arg7[%parallel_loop3A_483, %parallel_loop3A_484, %parallel_loop3A_485] {strides = array<i32>} : memref<16x8x128xf32, #tpu.memory_space<vmem>>, vector<16xf32>,
      tpu.vector_store %arg7[%parallel_loop3A_483, %parallel_loop3A_484, %parallel_loop3A_485], %parallel_loop3A_480 {strides = array<i32>} : memref<16x8x128xf32, #tpu.memory_space<vmem>>, vector<16xf32>,
      %parallel_loop3A_487 = arith.constant 24 : i32
      %parallel_loop3A_488 = vector.broadcast %parallel_loop3A_487 : i32 to vector<16xi32>
      %parallel_loop3A_489 = arith.addi %parallel_loop3A_402, %parallel_loop3A_488 : vector<16xi32>
      %parallel_loop3A_490 = arith.constant 4159 : i32
      %parallel_loop3A_491 = vector.broadcast %parallel_loop3A_490 : i32 to vector<16xi32>
      %parallel_loop3A_492 = arith.minsi %parallel_loop3A_489, %parallel_loop3A_491 : vector<16xi32>
      %parallel_loop3A_493 = tpu.vector_load_idx %arg5[%parallel_loop3A_492] : memref<4160xf32, #tpu.memory_space<vmem>>[vector<16xi32>], vector<16xf32>,
      %parallel_loop3A_494 = tpu.assume_multiple %parallel_loop3A_408, 16 : i32
      %parallel_loop3A_495 = arith.constant 6 : i32
      %parallel_loop3A_496 = arith.index_cast %parallel_loop3A_404 : i32 to index
      %parallel_loop3A_497 = arith.index_cast %parallel_loop3A_495 : i32 to index
      %parallel_loop3A_498 = arith.index_cast %parallel_loop3A_494 : i32 to index
      %parallel_loop3A_499 = tpu.vector_load %arg7[%parallel_loop3A_496, %parallel_loop3A_497, %parallel_loop3A_498] {strides = array<i32>} : memref<16x8x128xf32, #tpu.memory_space<vmem>>, vector<16xf32>,
      tpu.vector_store %arg7[%parallel_loop3A_496, %parallel_loop3A_497, %parallel_loop3A_498], %parallel_loop3A_493 {strides = array<i32>} : memref<16x8x128xf32, #tpu.memory_space<vmem>>, vector<16xf32>,
      %parallel_loop3A_500 = arith.constant 28 : i32
      %parallel_loop3A_501 = vector.broadcast %parallel_loop3A_500 : i32 to vector<16xi32>
      %parallel_loop3A_502 = arith.addi %parallel_loop3A_402, %parallel_loop3A_501 : vector<16xi32>
      %parallel_loop3A_503 = arith.constant 4159 : i32
      %parallel_loop3A_504 = vector.broadcast %parallel_loop3A_503 : i32 to vector<16xi32>
      %parallel_loop3A_505 = arith.minsi %parallel_loop3A_502, %parallel_loop3A_504 : vector<16xi32>
      %parallel_loop3A_506 = tpu.vector_load_idx %arg5[%parallel_loop3A_505] : memref<4160xf32, #tpu.memory_space<vmem>>[vector<16xi32>], vector<16xf32>,
      %parallel_loop3A_507 = tpu.assume_multiple %parallel_loop3A_408, 16 : i32
      %parallel_loop3A_508 = arith.constant 7 : i32
      %parallel_loop3A_509 = arith.index_cast %parallel_loop3A_404 : i32 to index
      %parallel_loop3A_510 = arith.index_cast %parallel_loop3A_508 : i32 to index
      %parallel_loop3A_511 = arith.index_cast %parallel_loop3A_507 : i32 to index
      %parallel_loop3A_512 = tpu.vector_load %arg7[%parallel_loop3A_509, %parallel_loop3A_510, %parallel_loop3A_511] {strides = array<i32>} : memref<16x8x128xf32, #tpu.memory_space<vmem>>, vector<16xf32>,
      tpu.vector_store %arg7[%parallel_loop3A_509, %parallel_loop3A_510, %parallel_loop3A_511], %parallel_loop3A_506 {strides = array<i32>} : memref<16x8x128xf32, #tpu.memory_space<vmem>>, vector<16xf32>,
      %parallel_loop3A_513 = arith.constant 32 : i32
      %parallel_loop3A_514 = vector.broadcast %parallel_loop3A_513 : i32 to vector<16xi32>
      %parallel_loop3A_515 = arith.addi %parallel_loop3A_402, %parallel_loop3A_514 : vector<16xi32>
      scf.yield %parallel_loop3A_515 : vector<16xi32>
    } {sc.loop_unroll_factor = 1 : i64, sc.parallel_access}
    %dma_start3A_101 = arith.constant 0 : i32
    %dma_start3A_102 = arith.constant 0 : i32
    %dma_start3A_103 = tpu.memref_slice %arg3[%min3A_89, %dma_start3A_101, %dma_start3A_102] : memref<3907x8x128xf32, #tpu.memory_space<hbm>> -> memref<16x8x128xf32, #tpu.memory_space<hbm>>
    %dma_start3A_104 = arith.constant 0 : i32
    %dma_start3A_105 = arith.constant 0 : i32
    %dma_start3A_106 = tpu.memref_slice %arg3[%min3A_89, %dma_start3A_104, %dma_start3A_105] : memref<3907x8x128xf32, #tpu.memory_space<hbm>> -> memref<16x8x128xf32, #tpu.memory_space<hbm>>
    tpu.enqueue_dma source(%arg7 : memref<16x8x128xf32, #tpu.memory_space<vmem>>) target(%dma_start3A_106 : memref<16x8x128xf32, #tpu.memory_space<hbm>>) target_semaphore(%arg11 : memref<!tpu.dma_semaphore, #tpu.memory_space<semaphore_mem>>)
    %add3A_107 = arith.constant 48 : i32
    %add3A_108 = arith.addi %min3A_3, %add3A_107 : i32
    %add3A_109 = arith.constant 123 : i32
    %add3A_110 = arith.addi %min3A_3, %add3A_109 : i32
    %sub3A_111 = arith.constant 16 : i32
    %sub3A_112 = arith.subi %add3A_110, %sub3A_111 : i32
    %min3A_113 = arith.minsi %add3A_108, %sub3A_112 : i32
    %mul3A_114 = arith.constant 128 : i32
    %mul3A_115 = arith.muli %min3A_113, %mul3A_114 : i32
    %mul3A_116 = arith.constant 2 : i32
    %mul3A_117 = arith.muli %mul3A_116, %mul3A_115 : i32
    %and3A_118 = arith.constant -8 : i32
    %and3A_119 = arith.andi %mul3A_117, %and3A_118 : i32
    %min3A_120 = arith.constant 995840 : i32
    %min3A_121 = arith.minsi %and3A_119, %min3A_120 : i32
    %multiple_of3A_122 = tpu.assume_multiple %min3A_121, 8 : i32
    %dma_start3A_123 = tpu.memref_slice %arg2[%multiple_of3A_122] : memref<1000000xf32, #tpu.memory_space<hbm>> -> memref<4160xf32, #tpu.memory_space<hbm>>
    %dma_start3A_124 = tpu.memref_slice %arg2[%multiple_of3A_122] : memref<1000000xf32, #tpu.memory_space<hbm>> -> memref<4160xf32, #tpu.memory_space<hbm>>
    tpu.enqueue_dma source(%dma_start3A_124 : memref<4160xf32, #tpu.memory_space<hbm>>) target(%arg5 : memref<4160xf32, #tpu.memory_space<vmem>>) target_semaphore(%arg9 : memref<!tpu.dma_semaphore, #tpu.memory_space<semaphore_mem>>)
    %dma_wait3A_125 = tpu.memref_slice %arg2[%multiple_of3A_78] : memref<1000000xf32, #tpu.memory_space<hbm>> -> memref<4160xf32, #tpu.memory_space<hbm>>
    %dma_wait3A_126 = tpu.memref_slice %arg2[%multiple_of3A_78] : memref<1000000xf32, #tpu.memory_space<hbm>> -> memref<4160xf32, #tpu.memory_space<hbm>>
    tpu.wait_dma2 semaphore(%arg8 : memref<!tpu.dma_semaphore, #tpu.memory_space<semaphore_mem>>) src(%dma_wait3A_126 : memref<4160xf32, #tpu.memory_space<hbm>>) dst(%arg4 : memref<4160xf32, #tpu.memory_space<vmem>>)
    %add3A_127 = arith.constant 32 : i32
    %add3A_128 = arith.addi %min3A_3, %add3A_127 : i32
    %add3A_129 = arith.constant 123 : i32
    %add3A_130 = arith.addi %min3A_3, %add3A_129 : i32
    %sub3A_131 = arith.constant 16 : i32
    %sub3A_132 = arith.subi %add3A_130, %sub3A_131 : i32
    %min3A_133 = arith.minsi %add3A_128, %sub3A_132 : i32
    %mul3A_134 = arith.constant 2 : i32
    %mul3A_135 = arith.muli %mul3A_134, %min3A_133 : i32
    %mul3A_136 = arith.constant 128 : i32
    %mul3A_137 = arith.muli %mul3A_135, %mul3A_136 : i32
    %sub3A_138 = arith.subi %mul3A_137, %min3A_77 : i32
    %dma_wait3A_139 = arith.constant 0 : i32
    %dma_wait3A_140 = arith.constant 0 : i32
    %dma_wait3A_141 = tpu.memref_slice %arg3[%min3A_46, %dma_wait3A_139, %dma_wait3A_140] : memref<3907x8x128xf32, #tpu.memory_space<hbm>> -> memref<16x8x128xf32, #tpu.memory_space<hbm>>
    %dma_wait3A_142 = arith.constant 0 : i32
    %dma_wait3A_143 = arith.constant 0 : i32
    %dma_wait3A_144 = tpu.memref_slice %arg3[%min3A_46, %dma_wait3A_142, %dma_wait3A_143] : memref<3907x8x128xf32, #tpu.memory_space<hbm>> -> memref<16x8x128xf32, #tpu.memory_space<hbm>>
    tpu.wait_dma2 semaphore(%arg10 : memref<!tpu.dma_semaphore, #tpu.memory_space<semaphore_mem>>) src(%arg6 : memref<16x8x128xf32, #tpu.memory_space<vmem>>) dst(%dma_wait3A_144 : memref<16x8x128xf32, #tpu.memory_space<hbm>>)
    %add3A_145 = vector.broadcast %sub3A_138 : i32 to vector<16xi32>
    %add3A_146 = arith.addi %add3A_145, %mul3A_6 : vector<16xi32>
    %parallel_loop3A_147 = arith.constant 0 : i32
    %parallel_loop3A_148 = arith.constant 128 : i32
    %parallel_loop3A_149 = arith.constant 1 : i32
    %parallel_loop3A_150 = scf.for %parallel_loop3A_401 = %parallel_loop3A_147 to %parallel_loop3A_148 step %parallel_loop3A_149 iter_args(%parallel_loop3A_402 = %add3A_146) -> (vector<16xi32>)  : i32 {
      %parallel_loop3A_403 = arith.constant 3 : i32
      %parallel_loop3A_404 = arith.shrsi %parallel_loop3A_401, %parallel_loop3A_403 : i32
      %parallel_loop3A_405 = arith.constant 7 : i32
      %parallel_loop3A_406 = arith.andi %parallel_loop3A_401, %parallel_loop3A_405 : i32
      %parallel_loop3A_407 = arith.constant 16 : i32
      %parallel_loop3A_408 = arith.muli %parallel_loop3A_406, %parallel_loop3A_407 : i32
      %parallel_loop3A_409 = arith.constant 0 : i32
      %parallel_loop3A_410 = vector.broadcast %parallel_loop3A_409 : i32 to vector<16xi32>
      %parallel_loop3A_411 = arith.addi %parallel_loop3A_402, %parallel_loop3A_410 : vector<16xi32>
      %parallel_loop3A_412 = arith.constant 4159 : i32
      %parallel_loop3A_413 = vector.broadcast %parallel_loop3A_412 : i32 to vector<16xi32>
      %parallel_loop3A_414 = arith.minsi %parallel_loop3A_411, %parallel_loop3A_413 : vector<16xi32>
      %parallel_loop3A_415 = tpu.vector_load_idx %arg4[%parallel_loop3A_414] : memref<4160xf32, #tpu.memory_space<vmem>>[vector<16xi32>], vector<16xf32>,
      %parallel_loop3A_416 = tpu.assume_multiple %parallel_loop3A_408, 16 : i32
      %parallel_loop3A_417 = arith.constant 0 : i32
      %parallel_loop3A_418 = arith.index_cast %parallel_loop3A_404 : i32 to index
      %parallel_loop3A_419 = arith.index_cast %parallel_loop3A_417 : i32 to index
      %parallel_loop3A_420 = arith.index_cast %parallel_loop3A_416 : i32 to index
      %parallel_loop3A_421 = tpu.vector_load %arg6[%parallel_loop3A_418, %parallel_loop3A_419, %parallel_loop3A_420] {strides = array<i32>} : memref<16x8x128xf32, #tpu.memory_space<vmem>>, vector<16xf32>,
      tpu.vector_store %arg6[%parallel_loop3A_418, %parallel_loop3A_419, %parallel_loop3A_420], %parallel_loop3A_415 {strides = array<i32>} : memref<16x8x128xf32, #tpu.memory_space<vmem>>, vector<16xf32>,
      %parallel_loop3A_422 = arith.constant 4 : i32
      %parallel_loop3A_423 = vector.broadcast %parallel_loop3A_422 : i32 to vector<16xi32>
      %parallel_loop3A_424 = arith.addi %parallel_loop3A_402, %parallel_loop3A_423 : vector<16xi32>
      %parallel_loop3A_425 = arith.constant 4159 : i32
      %parallel_loop3A_426 = vector.broadcast %parallel_loop3A_425 : i32 to vector<16xi32>
      %parallel_loop3A_427 = arith.minsi %parallel_loop3A_424, %parallel_loop3A_426 : vector<16xi32>
      %parallel_loop3A_428 = tpu.vector_load_idx %arg4[%parallel_loop3A_427] : memref<4160xf32, #tpu.memory_space<vmem>>[vector<16xi32>], vector<16xf32>,
      %parallel_loop3A_429 = tpu.assume_multiple %parallel_loop3A_408, 16 : i32
      %parallel_loop3A_430 = arith.constant 1 : i32
      %parallel_loop3A_431 = arith.index_cast %parallel_loop3A_404 : i32 to index
      %parallel_loop3A_432 = arith.index_cast %parallel_loop3A_430 : i32 to index
      %parallel_loop3A_433 = arith.index_cast %parallel_loop3A_429 : i32 to index
      %parallel_loop3A_434 = tpu.vector_load %arg6[%parallel_loop3A_431, %parallel_loop3A_432, %parallel_loop3A_433] {strides = array<i32>} : memref<16x8x128xf32, #tpu.memory_space<vmem>>, vector<16xf32>,
      tpu.vector_store %arg6[%parallel_loop3A_431, %parallel_loop3A_432, %parallel_loop3A_433], %parallel_loop3A_428 {strides = array<i32>} : memref<16x8x128xf32, #tpu.memory_space<vmem>>, vector<16xf32>,
      %parallel_loop3A_435 = arith.constant 8 : i32
      %parallel_loop3A_436 = vector.broadcast %parallel_loop3A_435 : i32 to vector<16xi32>
      %parallel_loop3A_437 = arith.addi %parallel_loop3A_402, %parallel_loop3A_436 : vector<16xi32>
      %parallel_loop3A_438 = arith.constant 4159 : i32
      %parallel_loop3A_439 = vector.broadcast %parallel_loop3A_438 : i32 to vector<16xi32>
      %parallel_loop3A_440 = arith.minsi %parallel_loop3A_437, %parallel_loop3A_439 : vector<16xi32>
      %parallel_loop3A_441 = tpu.vector_load_idx %arg4[%parallel_loop3A_440] : memref<4160xf32, #tpu.memory_space<vmem>>[vector<16xi32>], vector<16xf32>,
      %parallel_loop3A_442 = tpu.assume_multiple %parallel_loop3A_408, 16 : i32
      %parallel_loop3A_443 = arith.constant 2 : i32
      %parallel_loop3A_444 = arith.index_cast %parallel_loop3A_404 : i32 to index
      %parallel_loop3A_445 = arith.index_cast %parallel_loop3A_443 : i32 to index
      %parallel_loop3A_446 = arith.index_cast %parallel_loop3A_442 : i32 to index
      %parallel_loop3A_447 = tpu.vector_load %arg6[%parallel_loop3A_444, %parallel_loop3A_445, %parallel_loop3A_446] {strides = array<i32>} : memref<16x8x128xf32, #tpu.memory_space<vmem>>, vector<16xf32>,
      tpu.vector_store %arg6[%parallel_loop3A_444, %parallel_loop3A_445, %parallel_loop3A_446], %parallel_loop3A_441 {strides = array<i32>} : memref<16x8x128xf32, #tpu.memory_space<vmem>>, vector<16xf32>,
      %parallel_loop3A_448 = arith.constant 12 : i32
      %parallel_loop3A_449 = vector.broadcast %parallel_loop3A_448 : i32 to vector<16xi32>
      %parallel_loop3A_450 = arith.addi %parallel_loop3A_402, %parallel_loop3A_449 : vector<16xi32>
      %parallel_loop3A_451 = arith.constant 4159 : i32
      %parallel_loop3A_452 = vector.broadcast %parallel_loop3A_451 : i32 to vector<16xi32>
      %parallel_loop3A_453 = arith.minsi %parallel_loop3A_450, %parallel_loop3A_452 : vector<16xi32>
      %parallel_loop3A_454 = tpu.vector_load_idx %arg4[%parallel_loop3A_453] : memref<4160xf32, #tpu.memory_space<vmem>>[vector<16xi32>], vector<16xf32>,
      %parallel_loop3A_455 = tpu.assume_multiple %parallel_loop3A_408, 16 : i32
      %parallel_loop3A_456 = arith.constant 3 : i32
      %parallel_loop3A_457 = arith.index_cast %parallel_loop3A_404 : i32 to index
      %parallel_loop3A_458 = arith.index_cast %parallel_loop3A_456 : i32 to index
      %parallel_loop3A_459 = arith.index_cast %parallel_loop3A_455 : i32 to index
      %parallel_loop3A_460 = tpu.vector_load %arg6[%parallel_loop3A_457, %parallel_loop3A_458, %parallel_loop3A_459] {strides = array<i32>} : memref<16x8x128xf32, #tpu.memory_space<vmem>>, vector<16xf32>,
      tpu.vector_store %arg6[%parallel_loop3A_457, %parallel_loop3A_458, %parallel_loop3A_459], %parallel_loop3A_454 {strides = array<i32>} : memref<16x8x128xf32, #tpu.memory_space<vmem>>, vector<16xf32>,
      %parallel_loop3A_461 = arith.constant 16 : i32
      %parallel_loop3A_462 = vector.broadcast %parallel_loop3A_461 : i32 to vector<16xi32>
      %parallel_loop3A_463 = arith.addi %parallel_loop3A_402, %parallel_loop3A_462 : vector<16xi32>
      %parallel_loop3A_464 = arith.constant 4159 : i32
      %parallel_loop3A_465 = vector.broadcast %parallel_loop3A_464 : i32 to vector<16xi32>
      %parallel_loop3A_466 = arith.minsi %parallel_loop3A_463, %parallel_loop3A_465 : vector<16xi32>
      %parallel_loop3A_467 = tpu.vector_load_idx %arg4[%parallel_loop3A_466] : memref<4160xf32, #tpu.memory_space<vmem>>[vector<16xi32>], vector<16xf32>,
      %parallel_loop3A_468 = tpu.assume_multiple %parallel_loop3A_408, 16 : i32
      %parallel_loop3A_469 = arith.constant 4 : i32
      %parallel_loop3A_470 = arith.index_cast %parallel_loop3A_404 : i32 to index
      %parallel_loop3A_471 = arith.index_cast %parallel_loop3A_469 : i32 to index
      %parallel_loop3A_472 = arith.index_cast %parallel_loop3A_468 : i32 to index
      %parallel_loop3A_473 = tpu.vector_load %arg6[%parallel_loop3A_470, %parallel_loop3A_471, %parallel_loop3A_472] {strides = array<i32>} : memref<16x8x128xf32, #tpu.memory_space<vmem>>, vector<16xf32>,
      tpu.vector_store %arg6[%parallel_loop3A_470, %parallel_loop3A_471, %parallel_loop3A_472], %parallel_loop3A_467 {strides = array<i32>} : memref<16x8x128xf32, #tpu.memory_space<vmem>>, vector<16xf32>,
      %parallel_loop3A_474 = arith.constant 20 : i32
      %parallel_loop3A_475 = vector.broadcast %parallel_loop3A_474 : i32 to vector<16xi32>
      %parallel_loop3A_476 = arith.addi %parallel_loop3A_402, %parallel_loop3A_475 : vector<16xi32>
      %parallel_loop3A_477 = arith.constant 4159 : i32
      %parallel_loop3A_478 = vector.broadcast %parallel_loop3A_477 : i32 to vector<16xi32>
      %parallel_loop3A_479 = arith.minsi %parallel_loop3A_476, %parallel_loop3A_478 : vector<16xi32>
      %parallel_loop3A_480 = tpu.vector_load_idx %arg4[%parallel_loop3A_479] : memref<4160xf32, #tpu.memory_space<vmem>>[vector<16xi32>], vector<16xf32>,
      %parallel_loop3A_481 = tpu.assume_multiple %parallel_loop3A_408, 16 : i32
      %parallel_loop3A_482 = arith.constant 5 : i32
      %parallel_loop3A_483 = arith.index_cast %parallel_loop3A_404 : i32 to index
      %parallel_loop3A_484 = arith.index_cast %parallel_loop3A_482 : i32 to index
      %parallel_loop3A_485 = arith.index_cast %parallel_loop3A_481 : i32 to index
      %parallel_loop3A_486 = tpu.vector_load %arg6[%parallel_loop3A_483, %parallel_loop3A_484, %parallel_loop3A_485] {strides = array<i32>} : memref<16x8x128xf32, #tpu.memory_space<vmem>>, vector<16xf32>,
      tpu.vector_store %arg6[%parallel_loop3A_483, %parallel_loop3A_484, %parallel_loop3A_485], %parallel_loop3A_480 {strides = array<i32>} : memref<16x8x128xf32, #tpu.memory_space<vmem>>, vector<16xf32>,
      %parallel_loop3A_487 = arith.constant 24 : i32
      %parallel_loop3A_488 = vector.broadcast %parallel_loop3A_487 : i32 to vector<16xi32>
      %parallel_loop3A_489 = arith.addi %parallel_loop3A_402, %parallel_loop3A_488 : vector<16xi32>
      %parallel_loop3A_490 = arith.constant 4159 : i32
      %parallel_loop3A_491 = vector.broadcast %parallel_loop3A_490 : i32 to vector<16xi32>
      %parallel_loop3A_492 = arith.minsi %parallel_loop3A_489, %parallel_loop3A_491 : vector<16xi32>
      %parallel_loop3A_493 = tpu.vector_load_idx %arg4[%parallel_loop3A_492] : memref<4160xf32, #tpu.memory_space<vmem>>[vector<16xi32>], vector<16xf32>,
      %parallel_loop3A_494 = tpu.assume_multiple %parallel_loop3A_408, 16 : i32
      %parallel_loop3A_495 = arith.constant 6 : i32
      %parallel_loop3A_496 = arith.index_cast %parallel_loop3A_404 : i32 to index
      %parallel_loop3A_497 = arith.index_cast %parallel_loop3A_495 : i32 to index
      %parallel_loop3A_498 = arith.index_cast %parallel_loop3A_494 : i32 to index
      %parallel_loop3A_499 = tpu.vector_load %arg6[%parallel_loop3A_496, %parallel_loop3A_497, %parallel_loop3A_498] {strides = array<i32>} : memref<16x8x128xf32, #tpu.memory_space<vmem>>, vector<16xf32>,
      tpu.vector_store %arg6[%parallel_loop3A_496, %parallel_loop3A_497, %parallel_loop3A_498], %parallel_loop3A_493 {strides = array<i32>} : memref<16x8x128xf32, #tpu.memory_space<vmem>>, vector<16xf32>,
      %parallel_loop3A_500 = arith.constant 28 : i32
      %parallel_loop3A_501 = vector.broadcast %parallel_loop3A_500 : i32 to vector<16xi32>
      %parallel_loop3A_502 = arith.addi %parallel_loop3A_402, %parallel_loop3A_501 : vector<16xi32>
      %parallel_loop3A_503 = arith.constant 4159 : i32
      %parallel_loop3A_504 = vector.broadcast %parallel_loop3A_503 : i32 to vector<16xi32>
      %parallel_loop3A_505 = arith.minsi %parallel_loop3A_502, %parallel_loop3A_504 : vector<16xi32>
      %parallel_loop3A_506 = tpu.vector_load_idx %arg4[%parallel_loop3A_505] : memref<4160xf32, #tpu.memory_space<vmem>>[vector<16xi32>], vector<16xf32>,
      %parallel_loop3A_507 = tpu.assume_multiple %parallel_loop3A_408, 16 : i32
      %parallel_loop3A_508 = arith.constant 7 : i32
      %parallel_loop3A_509 = arith.index_cast %parallel_loop3A_404 : i32 to index
      %parallel_loop3A_510 = arith.index_cast %parallel_loop3A_508 : i32 to index
      %parallel_loop3A_511 = arith.index_cast %parallel_loop3A_507 : i32 to index
      %parallel_loop3A_512 = tpu.vector_load %arg6[%parallel_loop3A_509, %parallel_loop3A_510, %parallel_loop3A_511] {strides = array<i32>} : memref<16x8x128xf32, #tpu.memory_space<vmem>>, vector<16xf32>,
      tpu.vector_store %arg6[%parallel_loop3A_509, %parallel_loop3A_510, %parallel_loop3A_511], %parallel_loop3A_506 {strides = array<i32>} : memref<16x8x128xf32, #tpu.memory_space<vmem>>, vector<16xf32>,
      %parallel_loop3A_513 = arith.constant 32 : i32
      %parallel_loop3A_514 = vector.broadcast %parallel_loop3A_513 : i32 to vector<16xi32>
      %parallel_loop3A_515 = arith.addi %parallel_loop3A_402, %parallel_loop3A_514 : vector<16xi32>
      scf.yield %parallel_loop3A_515 : vector<16xi32>
    } {sc.loop_unroll_factor = 1 : i64, sc.parallel_access}
    %dma_start3A_151 = arith.constant 0 : i32
    %dma_start3A_152 = arith.constant 0 : i32
    %dma_start3A_153 = tpu.memref_slice %arg3[%min3A_133, %dma_start3A_151, %dma_start3A_152] : memref<3907x8x128xf32, #tpu.memory_space<hbm>> -> memref<16x8x128xf32, #tpu.memory_space<hbm>>
    %dma_start3A_154 = arith.constant 0 : i32
    %dma_start3A_155 = arith.constant 0 : i32
    %dma_start3A_156 = tpu.memref_slice %arg3[%min3A_133, %dma_start3A_154, %dma_start3A_155] : memref<3907x8x128xf32, #tpu.memory_space<hbm>> -> memref<16x8x128xf32, #tpu.memory_space<hbm>>
    tpu.enqueue_dma source(%arg6 : memref<16x8x128xf32, #tpu.memory_space<vmem>>) target(%dma_start3A_156 : memref<16x8x128xf32, #tpu.memory_space<hbm>>) target_semaphore(%arg10 : memref<!tpu.dma_semaphore, #tpu.memory_space<semaphore_mem>>)
    %add3A_157 = arith.constant 64 : i32
    %add3A_158 = arith.addi %min3A_3, %add3A_157 : i32
    %add3A_159 = arith.constant 123 : i32
    %add3A_160 = arith.addi %min3A_3, %add3A_159 : i32
    %sub3A_161 = arith.constant 16 : i32
    %sub3A_162 = arith.subi %add3A_160, %sub3A_161 : i32
    %min3A_163 = arith.minsi %add3A_158, %sub3A_162 : i32
    %mul3A_164 = arith.constant 128 : i32
    %mul3A_165 = arith.muli %min3A_163, %mul3A_164 : i32
    %mul3A_166 = arith.constant 2 : i32
    %mul3A_167 = arith.muli %mul3A_166, %mul3A_165 : i32
    %and3A_168 = arith.constant -8 : i32
    %and3A_169 = arith.andi %mul3A_167, %and3A_168 : i32
    %min3A_170 = arith.constant 995840 : i32
    %min3A_171 = arith.minsi %and3A_169, %min3A_170 : i32
    %multiple_of3A_172 = tpu.assume_multiple %min3A_171, 8 : i32
    %dma_start3A_173 = tpu.memref_slice %arg2[%multiple_of3A_172] : memref<1000000xf32, #tpu.memory_space<hbm>> -> memref<4160xf32, #tpu.memory_space<hbm>>
    %dma_start3A_174 = tpu.memref_slice %arg2[%multiple_of3A_172] : memref<1000000xf32, #tpu.memory_space<hbm>> -> memref<4160xf32, #tpu.memory_space<hbm>>
    tpu.enqueue_dma source(%dma_start3A_174 : memref<4160xf32, #tpu.memory_space<hbm>>) target(%arg4 : memref<4160xf32, #tpu.memory_space<vmem>>) target_semaphore(%arg8 : memref<!tpu.dma_semaphore, #tpu.memory_space<semaphore_mem>>)
    %dma_wait3A_175 = tpu.memref_slice %arg2[%multiple_of3A_122] : memref<1000000xf32, #tpu.memory_space<hbm>> -> memref<4160xf32, #tpu.memory_space<hbm>>
    %dma_wait3A_176 = tpu.memref_slice %arg2[%multiple_of3A_122] : memref<1000000xf32, #tpu.memory_space<hbm>> -> memref<4160xf32, #tpu.memory_space<hbm>>
    tpu.wait_dma2 semaphore(%arg9 : memref<!tpu.dma_semaphore, #tpu.memory_space<semaphore_mem>>) src(%dma_wait3A_176 : memref<4160xf32, #tpu.memory_space<hbm>>) dst(%arg5 : memref<4160xf32, #tpu.memory_space<vmem>>)
    %add3A_177 = arith.constant 48 : i32
    %add3A_178 = arith.addi %min3A_3, %add3A_177 : i32
    %add3A_179 = arith.constant 123 : i32
    %add3A_180 = arith.addi %min3A_3, %add3A_179 : i32
    %sub3A_181 = arith.constant 16 : i32
    %sub3A_182 = arith.subi %add3A_180, %sub3A_181 : i32
    %min3A_183 = arith.minsi %add3A_178, %sub3A_182 : i32
    %mul3A_184 = arith.constant 2 : i32
    %mul3A_185 = arith.muli %mul3A_184, %min3A_183 : i32
    %mul3A_186 = arith.constant 128 : i32
    %mul3A_187 = arith.muli %mul3A_185, %mul3A_186 : i32
    %sub3A_188 = arith.subi %mul3A_187, %min3A_121 : i32
    %dma_wait3A_189 = arith.constant 0 : i32
    %dma_wait3A_190 = arith.constant 0 : i32
    %dma_wait3A_191 = tpu.memref_slice %arg3[%min3A_89, %dma_wait3A_189, %dma_wait3A_190] : memref<3907x8x128xf32, #tpu.memory_space<hbm>> -> memref<16x8x128xf32, #tpu.memory_space<hbm>>
    %dma_wait3A_192 = arith.constant 0 : i32
    %dma_wait3A_193 = arith.constant 0 : i32
    %dma_wait3A_194 = tpu.memref_slice %arg3[%min3A_89, %dma_wait3A_192, %dma_wait3A_193] : memref<3907x8x128xf32, #tpu.memory_space<hbm>> -> memref<16x8x128xf32, #tpu.memory_space<hbm>>
    tpu.wait_dma2 semaphore(%arg11 : memref<!tpu.dma_semaphore, #tpu.memory_space<semaphore_mem>>) src(%arg7 : memref<16x8x128xf32, #tpu.memory_space<vmem>>) dst(%dma_wait3A_194 : memref<16x8x128xf32, #tpu.memory_space<hbm>>)
    %add3A_195 = vector.broadcast %sub3A_188 : i32 to vector<16xi32>
    %add3A_196 = arith.addi %add3A_195, %mul3A_6 : vector<16xi32>
    %parallel_loop3A_197 = arith.constant 0 : i32
    %parallel_loop3A_198 = arith.constant 128 : i32
    %parallel_loop3A_199 = arith.constant 1 : i32
    %parallel_loop3A_200 = scf.for %parallel_loop3A_401 = %parallel_loop3A_197 to %parallel_loop3A_198 step %parallel_loop3A_199 iter_args(%parallel_loop3A_402 = %add3A_196) -> (vector<16xi32>)  : i32 {
      %parallel_loop3A_403 = arith.constant 3 : i32
      %parallel_loop3A_404 = arith.shrsi %parallel_loop3A_401, %parallel_loop3A_403 : i32
      %parallel_loop3A_405 = arith.constant 7 : i32
      %parallel_loop3A_406 = arith.andi %parallel_loop3A_401, %parallel_loop3A_405 : i32
      %parallel_loop3A_407 = arith.constant 16 : i32
      %parallel_loop3A_408 = arith.muli %parallel_loop3A_406, %parallel_loop3A_407 : i32
      %parallel_loop3A_409 = arith.constant 0 : i32
      %parallel_loop3A_410 = vector.broadcast %parallel_loop3A_409 : i32 to vector<16xi32>
      %parallel_loop3A_411 = arith.addi %parallel_loop3A_402, %parallel_loop3A_410 : vector<16xi32>
      %parallel_loop3A_412 = arith.constant 4159 : i32
      %parallel_loop3A_413 = vector.broadcast %parallel_loop3A_412 : i32 to vector<16xi32>
      %parallel_loop3A_414 = arith.minsi %parallel_loop3A_411, %parallel_loop3A_413 : vector<16xi32>
      %parallel_loop3A_415 = tpu.vector_load_idx %arg5[%parallel_loop3A_414] : memref<4160xf32, #tpu.memory_space<vmem>>[vector<16xi32>], vector<16xf32>,
      %parallel_loop3A_416 = tpu.assume_multiple %parallel_loop3A_408, 16 : i32
      %parallel_loop3A_417 = arith.constant 0 : i32
      %parallel_loop3A_418 = arith.index_cast %parallel_loop3A_404 : i32 to index
      %parallel_loop3A_419 = arith.index_cast %parallel_loop3A_417 : i32 to index
      %parallel_loop3A_420 = arith.index_cast %parallel_loop3A_416 : i32 to index
      %parallel_loop3A_421 = tpu.vector_load %arg7[%parallel_loop3A_418, %parallel_loop3A_419, %parallel_loop3A_420] {strides = array<i32>} : memref<16x8x128xf32, #tpu.memory_space<vmem>>, vector<16xf32>,
      tpu.vector_store %arg7[%parallel_loop3A_418, %parallel_loop3A_419, %parallel_loop3A_420], %parallel_loop3A_415 {strides = array<i32>} : memref<16x8x128xf32, #tpu.memory_space<vmem>>, vector<16xf32>,
      %parallel_loop3A_422 = arith.constant 4 : i32
      %parallel_loop3A_423 = vector.broadcast %parallel_loop3A_422 : i32 to vector<16xi32>
      %parallel_loop3A_424 = arith.addi %parallel_loop3A_402, %parallel_loop3A_423 : vector<16xi32>
      %parallel_loop3A_425 = arith.constant 4159 : i32
      %parallel_loop3A_426 = vector.broadcast %parallel_loop3A_425 : i32 to vector<16xi32>
      %parallel_loop3A_427 = arith.minsi %parallel_loop3A_424, %parallel_loop3A_426 : vector<16xi32>
      %parallel_loop3A_428 = tpu.vector_load_idx %arg5[%parallel_loop3A_427] : memref<4160xf32, #tpu.memory_space<vmem>>[vector<16xi32>], vector<16xf32>,
      %parallel_loop3A_429 = tpu.assume_multiple %parallel_loop3A_408, 16 : i32
      %parallel_loop3A_430 = arith.constant 1 : i32
      %parallel_loop3A_431 = arith.index_cast %parallel_loop3A_404 : i32 to index
      %parallel_loop3A_432 = arith.index_cast %parallel_loop3A_430 : i32 to index
      %parallel_loop3A_433 = arith.index_cast %parallel_loop3A_429 : i32 to index
      %parallel_loop3A_434 = tpu.vector_load %arg7[%parallel_loop3A_431, %parallel_loop3A_432, %parallel_loop3A_433] {strides = array<i32>} : memref<16x8x128xf32, #tpu.memory_space<vmem>>, vector<16xf32>,
      tpu.vector_store %arg7[%parallel_loop3A_431, %parallel_loop3A_432, %parallel_loop3A_433], %parallel_loop3A_428 {strides = array<i32>} : memref<16x8x128xf32, #tpu.memory_space<vmem>>, vector<16xf32>,
      %parallel_loop3A_435 = arith.constant 8 : i32
      %parallel_loop3A_436 = vector.broadcast %parallel_loop3A_435 : i32 to vector<16xi32>
      %parallel_loop3A_437 = arith.addi %parallel_loop3A_402, %parallel_loop3A_436 : vector<16xi32>
      %parallel_loop3A_438 = arith.constant 4159 : i32
      %parallel_loop3A_439 = vector.broadcast %parallel_loop3A_438 : i32 to vector<16xi32>
      %parallel_loop3A_440 = arith.minsi %parallel_loop3A_437, %parallel_loop3A_439 : vector<16xi32>
      %parallel_loop3A_441 = tpu.vector_load_idx %arg5[%parallel_loop3A_440] : memref<4160xf32, #tpu.memory_space<vmem>>[vector<16xi32>], vector<16xf32>,
      %parallel_loop3A_442 = tpu.assume_multiple %parallel_loop3A_408, 16 : i32
      %parallel_loop3A_443 = arith.constant 2 : i32
      %parallel_loop3A_444 = arith.index_cast %parallel_loop3A_404 : i32 to index
      %parallel_loop3A_445 = arith.index_cast %parallel_loop3A_443 : i32 to index
      %parallel_loop3A_446 = arith.index_cast %parallel_loop3A_442 : i32 to index
      %parallel_loop3A_447 = tpu.vector_load %arg7[%parallel_loop3A_444, %parallel_loop3A_445, %parallel_loop3A_446] {strides = array<i32>} : memref<16x8x128xf32, #tpu.memory_space<vmem>>, vector<16xf32>,
      tpu.vector_store %arg7[%parallel_loop3A_444, %parallel_loop3A_445, %parallel_loop3A_446], %parallel_loop3A_441 {strides = array<i32>} : memref<16x8x128xf32, #tpu.memory_space<vmem>>, vector<16xf32>,
      %parallel_loop3A_448 = arith.constant 12 : i32
      %parallel_loop3A_449 = vector.broadcast %parallel_loop3A_448 : i32 to vector<16xi32>
      %parallel_loop3A_450 = arith.addi %parallel_loop3A_402, %parallel_loop3A_449 : vector<16xi32>
      %parallel_loop3A_451 = arith.constant 4159 : i32
      %parallel_loop3A_452 = vector.broadcast %parallel_loop3A_451 : i32 to vector<16xi32>
      %parallel_loop3A_453 = arith.minsi %parallel_loop3A_450, %parallel_loop3A_452 : vector<16xi32>
      %parallel_loop3A_454 = tpu.vector_load_idx %arg5[%parallel_loop3A_453] : memref<4160xf32, #tpu.memory_space<vmem>>[vector<16xi32>], vector<16xf32>,
      %parallel_loop3A_455 = tpu.assume_multiple %parallel_loop3A_408, 16 : i32
      %parallel_loop3A_456 = arith.constant 3 : i32
      %parallel_loop3A_457 = arith.index_cast %parallel_loop3A_404 : i32 to index
      %parallel_loop3A_458 = arith.index_cast %parallel_loop3A_456 : i32 to index
      %parallel_loop3A_459 = arith.index_cast %parallel_loop3A_455 : i32 to index
      %parallel_loop3A_460 = tpu.vector_load %arg7[%parallel_loop3A_457, %parallel_loop3A_458, %parallel_loop3A_459] {strides = array<i32>} : memref<16x8x128xf32, #tpu.memory_space<vmem>>, vector<16xf32>,
      tpu.vector_store %arg7[%parallel_loop3A_457, %parallel_loop3A_458, %parallel_loop3A_459], %parallel_loop3A_454 {strides = array<i32>} : memref<16x8x128xf32, #tpu.memory_space<vmem>>, vector<16xf32>,
      %parallel_loop3A_461 = arith.constant 16 : i32
      %parallel_loop3A_462 = vector.broadcast %parallel_loop3A_461 : i32 to vector<16xi32>
      %parallel_loop3A_463 = arith.addi %parallel_loop3A_402, %parallel_loop3A_462 : vector<16xi32>
      %parallel_loop3A_464 = arith.constant 4159 : i32
      %parallel_loop3A_465 = vector.broadcast %parallel_loop3A_464 : i32 to vector<16xi32>
      %parallel_loop3A_466 = arith.minsi %parallel_loop3A_463, %parallel_loop3A_465 : vector<16xi32>
      %parallel_loop3A_467 = tpu.vector_load_idx %arg5[%parallel_loop3A_466] : memref<4160xf32, #tpu.memory_space<vmem>>[vector<16xi32>], vector<16xf32>,
      %parallel_loop3A_468 = tpu.assume_multiple %parallel_loop3A_408, 16 : i32
      %parallel_loop3A_469 = arith.constant 4 : i32
      %parallel_loop3A_470 = arith.index_cast %parallel_loop3A_404 : i32 to index
      %parallel_loop3A_471 = arith.index_cast %parallel_loop3A_469 : i32 to index
      %parallel_loop3A_472 = arith.index_cast %parallel_loop3A_468 : i32 to index
      %parallel_loop3A_473 = tpu.vector_load %arg7[%parallel_loop3A_470, %parallel_loop3A_471, %parallel_loop3A_472] {strides = array<i32>} : memref<16x8x128xf32, #tpu.memory_space<vmem>>, vector<16xf32>,
      tpu.vector_store %arg7[%parallel_loop3A_470, %parallel_loop3A_471, %parallel_loop3A_472], %parallel_loop3A_467 {strides = array<i32>} : memref<16x8x128xf32, #tpu.memory_space<vmem>>, vector<16xf32>,
      %parallel_loop3A_474 = arith.constant 20 : i32
      %parallel_loop3A_475 = vector.broadcast %parallel_loop3A_474 : i32 to vector<16xi32>
      %parallel_loop3A_476 = arith.addi %parallel_loop3A_402, %parallel_loop3A_475 : vector<16xi32>
      %parallel_loop3A_477 = arith.constant 4159 : i32
      %parallel_loop3A_478 = vector.broadcast %parallel_loop3A_477 : i32 to vector<16xi32>
      %parallel_loop3A_479 = arith.minsi %parallel_loop3A_476, %parallel_loop3A_478 : vector<16xi32>
      %parallel_loop3A_480 = tpu.vector_load_idx %arg5[%parallel_loop3A_479] : memref<4160xf32, #tpu.memory_space<vmem>>[vector<16xi32>], vector<16xf32>,
      %parallel_loop3A_481 = tpu.assume_multiple %parallel_loop3A_408, 16 : i32
      %parallel_loop3A_482 = arith.constant 5 : i32
      %parallel_loop3A_483 = arith.index_cast %parallel_loop3A_404 : i32 to index
      %parallel_loop3A_484 = arith.index_cast %parallel_loop3A_482 : i32 to index
      %parallel_loop3A_485 = arith.index_cast %parallel_loop3A_481 : i32 to index
      %parallel_loop3A_486 = tpu.vector_load %arg7[%parallel_loop3A_483, %parallel_loop3A_484, %parallel_loop3A_485] {strides = array<i32>} : memref<16x8x128xf32, #tpu.memory_space<vmem>>, vector<16xf32>,
      tpu.vector_store %arg7[%parallel_loop3A_483, %parallel_loop3A_484, %parallel_loop3A_485], %parallel_loop3A_480 {strides = array<i32>} : memref<16x8x128xf32, #tpu.memory_space<vmem>>, vector<16xf32>,
      %parallel_loop3A_487 = arith.constant 24 : i32
      %parallel_loop3A_488 = vector.broadcast %parallel_loop3A_487 : i32 to vector<16xi32>
      %parallel_loop3A_489 = arith.addi %parallel_loop3A_402, %parallel_loop3A_488 : vector<16xi32>
      %parallel_loop3A_490 = arith.constant 4159 : i32
      %parallel_loop3A_491 = vector.broadcast %parallel_loop3A_490 : i32 to vector<16xi32>
      %parallel_loop3A_492 = arith.minsi %parallel_loop3A_489, %parallel_loop3A_491 : vector<16xi32>
      %parallel_loop3A_493 = tpu.vector_load_idx %arg5[%parallel_loop3A_492] : memref<4160xf32, #tpu.memory_space<vmem>>[vector<16xi32>], vector<16xf32>,
      %parallel_loop3A_494 = tpu.assume_multiple %parallel_loop3A_408, 16 : i32
      %parallel_loop3A_495 = arith.constant 6 : i32
      %parallel_loop3A_496 = arith.index_cast %parallel_loop3A_404 : i32 to index
      %parallel_loop3A_497 = arith.index_cast %parallel_loop3A_495 : i32 to index
      %parallel_loop3A_498 = arith.index_cast %parallel_loop3A_494 : i32 to index
      %parallel_loop3A_499 = tpu.vector_load %arg7[%parallel_loop3A_496, %parallel_loop3A_497, %parallel_loop3A_498] {strides = array<i32>} : memref<16x8x128xf32, #tpu.memory_space<vmem>>, vector<16xf32>,
      tpu.vector_store %arg7[%parallel_loop3A_496, %parallel_loop3A_497, %parallel_loop3A_498], %parallel_loop3A_493 {strides = array<i32>} : memref<16x8x128xf32, #tpu.memory_space<vmem>>, vector<16xf32>,
      %parallel_loop3A_500 = arith.constant 28 : i32
      %parallel_loop3A_501 = vector.broadcast %parallel_loop3A_500 : i32 to vector<16xi32>
      %parallel_loop3A_502 = arith.addi %parallel_loop3A_402, %parallel_loop3A_501 : vector<16xi32>
      %parallel_loop3A_503 = arith.constant 4159 : i32
      %parallel_loop3A_504 = vector.broadcast %parallel_loop3A_503 : i32 to vector<16xi32>
      %parallel_loop3A_505 = arith.minsi %parallel_loop3A_502, %parallel_loop3A_504 : vector<16xi32>
      %parallel_loop3A_506 = tpu.vector_load_idx %arg5[%parallel_loop3A_505] : memref<4160xf32, #tpu.memory_space<vmem>>[vector<16xi32>], vector<16xf32>,
      %parallel_loop3A_507 = tpu.assume_multiple %parallel_loop3A_408, 16 : i32
      %parallel_loop3A_508 = arith.constant 7 : i32
      %parallel_loop3A_509 = arith.index_cast %parallel_loop3A_404 : i32 to index
      %parallel_loop3A_510 = arith.index_cast %parallel_loop3A_508 : i32 to index
      %parallel_loop3A_511 = arith.index_cast %parallel_loop3A_507 : i32 to index
      %parallel_loop3A_512 = tpu.vector_load %arg7[%parallel_loop3A_509, %parallel_loop3A_510, %parallel_loop3A_511] {strides = array<i32>} : memref<16x8x128xf32, #tpu.memory_space<vmem>>, vector<16xf32>,
      tpu.vector_store %arg7[%parallel_loop3A_509, %parallel_loop3A_510, %parallel_loop3A_511], %parallel_loop3A_506 {strides = array<i32>} : memref<16x8x128xf32, #tpu.memory_space<vmem>>, vector<16xf32>,
      %parallel_loop3A_513 = arith.constant 32 : i32
      %parallel_loop3A_514 = vector.broadcast %parallel_loop3A_513 : i32 to vector<16xi32>
      %parallel_loop3A_515 = arith.addi %parallel_loop3A_402, %parallel_loop3A_514 : vector<16xi32>
      scf.yield %parallel_loop3A_515 : vector<16xi32>
    } {sc.loop_unroll_factor = 1 : i64, sc.parallel_access}
    %dma_start3A_201 = arith.constant 0 : i32
    %dma_start3A_202 = arith.constant 0 : i32
    %dma_start3A_203 = tpu.memref_slice %arg3[%min3A_183, %dma_start3A_201, %dma_start3A_202] : memref<3907x8x128xf32, #tpu.memory_space<hbm>> -> memref<16x8x128xf32, #tpu.memory_space<hbm>>
    %dma_start3A_204 = arith.constant 0 : i32
    %dma_start3A_205 = arith.constant 0 : i32
    %dma_start3A_206 = tpu.memref_slice %arg3[%min3A_183, %dma_start3A_204, %dma_start3A_205] : memref<3907x8x128xf32, #tpu.memory_space<hbm>> -> memref<16x8x128xf32, #tpu.memory_space<hbm>>
    tpu.enqueue_dma source(%arg7 : memref<16x8x128xf32, #tpu.memory_space<vmem>>) target(%dma_start3A_206 : memref<16x8x128xf32, #tpu.memory_space<hbm>>) target_semaphore(%arg11 : memref<!tpu.dma_semaphore, #tpu.memory_space<semaphore_mem>>)
    %add3A_207 = arith.constant 80 : i32
    %add3A_208 = arith.addi %min3A_3, %add3A_207 : i32
    %add3A_209 = arith.constant 123 : i32
    %add3A_210 = arith.addi %min3A_3, %add3A_209 : i32
    %sub3A_211 = arith.constant 16 : i32
    %sub3A_212 = arith.subi %add3A_210, %sub3A_211 : i32
    %min3A_213 = arith.minsi %add3A_208, %sub3A_212 : i32
    %mul3A_214 = arith.constant 128 : i32
    %mul3A_215 = arith.muli %min3A_213, %mul3A_214 : i32
    %mul3A_216 = arith.constant 2 : i32
    %mul3A_217 = arith.muli %mul3A_216, %mul3A_215 : i32
    %and3A_218 = arith.constant -8 : i32
    %and3A_219 = arith.andi %mul3A_217, %and3A_218 : i32
    %min3A_220 = arith.constant 995840 : i32
    %min3A_221 = arith.minsi %and3A_219, %min3A_220 : i32
    %multiple_of3A_222 = tpu.assume_multiple %min3A_221, 8 : i32
    %dma_start3A_223 = tpu.memref_slice %arg2[%multiple_of3A_222] : memref<1000000xf32, #tpu.memory_space<hbm>> -> memref<4160xf32, #tpu.memory_space<hbm>>
    %dma_start3A_224 = tpu.memref_slice %arg2[%multiple_of3A_222] : memref<1000000xf32, #tpu.memory_space<hbm>> -> memref<4160xf32, #tpu.memory_space<hbm>>
    tpu.enqueue_dma source(%dma_start3A_224 : memref<4160xf32, #tpu.memory_space<hbm>>) target(%arg5 : memref<4160xf32, #tpu.memory_space<vmem>>) target_semaphore(%arg9 : memref<!tpu.dma_semaphore, #tpu.memory_space<semaphore_mem>>)
    %dma_wait3A_225 = tpu.memref_slice %arg2[%multiple_of3A_172] : memref<1000000xf32, #tpu.memory_space<hbm>> -> memref<4160xf32, #tpu.memory_space<hbm>>
    %dma_wait3A_226 = tpu.memref_slice %arg2[%multiple_of3A_172] : memref<1000000xf32, #tpu.memory_space<hbm>> -> memref<4160xf32, #tpu.memory_space<hbm>>
    tpu.wait_dma2 semaphore(%arg8 : memref<!tpu.dma_semaphore, #tpu.memory_space<semaphore_mem>>) src(%dma_wait3A_226 : memref<4160xf32, #tpu.memory_space<hbm>>) dst(%arg4 : memref<4160xf32, #tpu.memory_space<vmem>>)
    %add3A_227 = arith.constant 64 : i32
    %add3A_228 = arith.addi %min3A_3, %add3A_227 : i32
    %add3A_229 = arith.constant 123 : i32
    %add3A_230 = arith.addi %min3A_3, %add3A_229 : i32
    %sub3A_231 = arith.constant 16 : i32
    %sub3A_232 = arith.subi %add3A_230, %sub3A_231 : i32
    %min3A_233 = arith.minsi %add3A_228, %sub3A_232 : i32
    %mul3A_234 = arith.constant 2 : i32
    %mul3A_235 = arith.muli %mul3A_234, %min3A_233 : i32
    %mul3A_236 = arith.constant 128 : i32
    %mul3A_237 = arith.muli %mul3A_235, %mul3A_236 : i32
    %sub3A_238 = arith.subi %mul3A_237, %min3A_171 : i32
    %dma_wait3A_239 = arith.constant 0 : i32
    %dma_wait3A_240 = arith.constant 0 : i32
    %dma_wait3A_241 = tpu.memref_slice %arg3[%min3A_133, %dma_wait3A_239, %dma_wait3A_240] : memref<3907x8x128xf32, #tpu.memory_space<hbm>> -> memref<16x8x128xf32, #tpu.memory_space<hbm>>
    %dma_wait3A_242 = arith.constant 0 : i32
    %dma_wait3A_243 = arith.constant 0 : i32
    %dma_wait3A_244 = tpu.memref_slice %arg3[%min3A_133, %dma_wait3A_242, %dma_wait3A_243] : memref<3907x8x128xf32, #tpu.memory_space<hbm>> -> memref<16x8x128xf32, #tpu.memory_space<hbm>>
    tpu.wait_dma2 semaphore(%arg10 : memref<!tpu.dma_semaphore, #tpu.memory_space<semaphore_mem>>) src(%arg6 : memref<16x8x128xf32, #tpu.memory_space<vmem>>) dst(%dma_wait3A_244 : memref<16x8x128xf32, #tpu.memory_space<hbm>>)
    %add3A_245 = vector.broadcast %sub3A_238 : i32 to vector<16xi32>
    %add3A_246 = arith.addi %add3A_245, %mul3A_6 : vector<16xi32>
    %parallel_loop3A_247 = arith.constant 0 : i32
    %parallel_loop3A_248 = arith.constant 128 : i32
    %parallel_loop3A_249 = arith.constant 1 : i32
    %parallel_loop3A_250 = scf.for %parallel_loop3A_401 = %parallel_loop3A_247 to %parallel_loop3A_248 step %parallel_loop3A_249 iter_args(%parallel_loop3A_402 = %add3A_246) -> (vector<16xi32>)  : i32 {
      %parallel_loop3A_403 = arith.constant 3 : i32
      %parallel_loop3A_404 = arith.shrsi %parallel_loop3A_401, %parallel_loop3A_403 : i32
      %parallel_loop3A_405 = arith.constant 7 : i32
      %parallel_loop3A_406 = arith.andi %parallel_loop3A_401, %parallel_loop3A_405 : i32
      %parallel_loop3A_407 = arith.constant 16 : i32
      %parallel_loop3A_408 = arith.muli %parallel_loop3A_406, %parallel_loop3A_407 : i32
      %parallel_loop3A_409 = arith.constant 0 : i32
      %parallel_loop3A_410 = vector.broadcast %parallel_loop3A_409 : i32 to vector<16xi32>
      %parallel_loop3A_411 = arith.addi %parallel_loop3A_402, %parallel_loop3A_410 : vector<16xi32>
      %parallel_loop3A_412 = arith.constant 4159 : i32
      %parallel_loop3A_413 = vector.broadcast %parallel_loop3A_412 : i32 to vector<16xi32>
      %parallel_loop3A_414 = arith.minsi %parallel_loop3A_411, %parallel_loop3A_413 : vector<16xi32>
      %parallel_loop3A_415 = tpu.vector_load_idx %arg4[%parallel_loop3A_414] : memref<4160xf32, #tpu.memory_space<vmem>>[vector<16xi32>], vector<16xf32>,
      %parallel_loop3A_416 = tpu.assume_multiple %parallel_loop3A_408, 16 : i32
      %parallel_loop3A_417 = arith.constant 0 : i32
      %parallel_loop3A_418 = arith.index_cast %parallel_loop3A_404 : i32 to index
      %parallel_loop3A_419 = arith.index_cast %parallel_loop3A_417 : i32 to index
      %parallel_loop3A_420 = arith.index_cast %parallel_loop3A_416 : i32 to index
      %parallel_loop3A_421 = tpu.vector_load %arg6[%parallel_loop3A_418, %parallel_loop3A_419, %parallel_loop3A_420] {strides = array<i32>} : memref<16x8x128xf32, #tpu.memory_space<vmem>>, vector<16xf32>,
      tpu.vector_store %arg6[%parallel_loop3A_418, %parallel_loop3A_419, %parallel_loop3A_420], %parallel_loop3A_415 {strides = array<i32>} : memref<16x8x128xf32, #tpu.memory_space<vmem>>, vector<16xf32>,
      %parallel_loop3A_422 = arith.constant 4 : i32
      %parallel_loop3A_423 = vector.broadcast %parallel_loop3A_422 : i32 to vector<16xi32>
      %parallel_loop3A_424 = arith.addi %parallel_loop3A_402, %parallel_loop3A_423 : vector<16xi32>
      %parallel_loop3A_425 = arith.constant 4159 : i32
      %parallel_loop3A_426 = vector.broadcast %parallel_loop3A_425 : i32 to vector<16xi32>
      %parallel_loop3A_427 = arith.minsi %parallel_loop3A_424, %parallel_loop3A_426 : vector<16xi32>
      %parallel_loop3A_428 = tpu.vector_load_idx %arg4[%parallel_loop3A_427] : memref<4160xf32, #tpu.memory_space<vmem>>[vector<16xi32>], vector<16xf32>,
      %parallel_loop3A_429 = tpu.assume_multiple %parallel_loop3A_408, 16 : i32
      %parallel_loop3A_430 = arith.constant 1 : i32
      %parallel_loop3A_431 = arith.index_cast %parallel_loop3A_404 : i32 to index
      %parallel_loop3A_432 = arith.index_cast %parallel_loop3A_430 : i32 to index
      %parallel_loop3A_433 = arith.index_cast %parallel_loop3A_429 : i32 to index
      %parallel_loop3A_434 = tpu.vector_load %arg6[%parallel_loop3A_431, %parallel_loop3A_432, %parallel_loop3A_433] {strides = array<i32>} : memref<16x8x128xf32, #tpu.memory_space<vmem>>, vector<16xf32>,
      tpu.vector_store %arg6[%parallel_loop3A_431, %parallel_loop3A_432, %parallel_loop3A_433], %parallel_loop3A_428 {strides = array<i32>} : memref<16x8x128xf32, #tpu.memory_space<vmem>>, vector<16xf32>,
      %parallel_loop3A_435 = arith.constant 8 : i32
      %parallel_loop3A_436 = vector.broadcast %parallel_loop3A_435 : i32 to vector<16xi32>
      %parallel_loop3A_437 = arith.addi %parallel_loop3A_402, %parallel_loop3A_436 : vector<16xi32>
      %parallel_loop3A_438 = arith.constant 4159 : i32
      %parallel_loop3A_439 = vector.broadcast %parallel_loop3A_438 : i32 to vector<16xi32>
      %parallel_loop3A_440 = arith.minsi %parallel_loop3A_437, %parallel_loop3A_439 : vector<16xi32>
      %parallel_loop3A_441 = tpu.vector_load_idx %arg4[%parallel_loop3A_440] : memref<4160xf32, #tpu.memory_space<vmem>>[vector<16xi32>], vector<16xf32>,
      %parallel_loop3A_442 = tpu.assume_multiple %parallel_loop3A_408, 16 : i32
      %parallel_loop3A_443 = arith.constant 2 : i32
      %parallel_loop3A_444 = arith.index_cast %parallel_loop3A_404 : i32 to index
      %parallel_loop3A_445 = arith.index_cast %parallel_loop3A_443 : i32 to index
      %parallel_loop3A_446 = arith.index_cast %parallel_loop3A_442 : i32 to index
      %parallel_loop3A_447 = tpu.vector_load %arg6[%parallel_loop3A_444, %parallel_loop3A_445, %parallel_loop3A_446] {strides = array<i32>} : memref<16x8x128xf32, #tpu.memory_space<vmem>>, vector<16xf32>,
      tpu.vector_store %arg6[%parallel_loop3A_444, %parallel_loop3A_445, %parallel_loop3A_446], %parallel_loop3A_441 {strides = array<i32>} : memref<16x8x128xf32, #tpu.memory_space<vmem>>, vector<16xf32>,
      %parallel_loop3A_448 = arith.constant 12 : i32
      %parallel_loop3A_449 = vector.broadcast %parallel_loop3A_448 : i32 to vector<16xi32>
      %parallel_loop3A_450 = arith.addi %parallel_loop3A_402, %parallel_loop3A_449 : vector<16xi32>
      %parallel_loop3A_451 = arith.constant 4159 : i32
      %parallel_loop3A_452 = vector.broadcast %parallel_loop3A_451 : i32 to vector<16xi32>
      %parallel_loop3A_453 = arith.minsi %parallel_loop3A_450, %parallel_loop3A_452 : vector<16xi32>
      %parallel_loop3A_454 = tpu.vector_load_idx %arg4[%parallel_loop3A_453] : memref<4160xf32, #tpu.memory_space<vmem>>[vector<16xi32>], vector<16xf32>,
      %parallel_loop3A_455 = tpu.assume_multiple %parallel_loop3A_408, 16 : i32
      %parallel_loop3A_456 = arith.constant 3 : i32
      %parallel_loop3A_457 = arith.index_cast %parallel_loop3A_404 : i32 to index
      %parallel_loop3A_458 = arith.index_cast %parallel_loop3A_456 : i32 to index
      %parallel_loop3A_459 = arith.index_cast %parallel_loop3A_455 : i32 to index
      %parallel_loop3A_460 = tpu.vector_load %arg6[%parallel_loop3A_457, %parallel_loop3A_458, %parallel_loop3A_459] {strides = array<i32>} : memref<16x8x128xf32, #tpu.memory_space<vmem>>, vector<16xf32>,
      tpu.vector_store %arg6[%parallel_loop3A_457, %parallel_loop3A_458, %parallel_loop3A_459], %parallel_loop3A_454 {strides = array<i32>} : memref<16x8x128xf32, #tpu.memory_space<vmem>>, vector<16xf32>,
      %parallel_loop3A_461 = arith.constant 16 : i32
      %parallel_loop3A_462 = vector.broadcast %parallel_loop3A_461 : i32 to vector<16xi32>
      %parallel_loop3A_463 = arith.addi %parallel_loop3A_402, %parallel_loop3A_462 : vector<16xi32>
      %parallel_loop3A_464 = arith.constant 4159 : i32
      %parallel_loop3A_465 = vector.broadcast %parallel_loop3A_464 : i32 to vector<16xi32>
      %parallel_loop3A_466 = arith.minsi %parallel_loop3A_463, %parallel_loop3A_465 : vector<16xi32>
      %parallel_loop3A_467 = tpu.vector_load_idx %arg4[%parallel_loop3A_466] : memref<4160xf32, #tpu.memory_space<vmem>>[vector<16xi32>], vector<16xf32>,
      %parallel_loop3A_468 = tpu.assume_multiple %parallel_loop3A_408, 16 : i32
      %parallel_loop3A_469 = arith.constant 4 : i32
      %parallel_loop3A_470 = arith.index_cast %parallel_loop3A_404 : i32 to index
      %parallel_loop3A_471 = arith.index_cast %parallel_loop3A_469 : i32 to index
      %parallel_loop3A_472 = arith.index_cast %parallel_loop3A_468 : i32 to index
      %parallel_loop3A_473 = tpu.vector_load %arg6[%parallel_loop3A_470, %parallel_loop3A_471, %parallel_loop3A_472] {strides = array<i32>} : memref<16x8x128xf32, #tpu.memory_space<vmem>>, vector<16xf32>,
      tpu.vector_store %arg6[%parallel_loop3A_470, %parallel_loop3A_471, %parallel_loop3A_472], %parallel_loop3A_467 {strides = array<i32>} : memref<16x8x128xf32, #tpu.memory_space<vmem>>, vector<16xf32>,
      %parallel_loop3A_474 = arith.constant 20 : i32
      %parallel_loop3A_475 = vector.broadcast %parallel_loop3A_474 : i32 to vector<16xi32>
      %parallel_loop3A_476 = arith.addi %parallel_loop3A_402, %parallel_loop3A_475 : vector<16xi32>
      %parallel_loop3A_477 = arith.constant 4159 : i32
      %parallel_loop3A_478 = vector.broadcast %parallel_loop3A_477 : i32 to vector<16xi32>
      %parallel_loop3A_479 = arith.minsi %parallel_loop3A_476, %parallel_loop3A_478 : vector<16xi32>
      %parallel_loop3A_480 = tpu.vector_load_idx %arg4[%parallel_loop3A_479] : memref<4160xf32, #tpu.memory_space<vmem>>[vector<16xi32>], vector<16xf32>,
      %parallel_loop3A_481 = tpu.assume_multiple %parallel_loop3A_408, 16 : i32
      %parallel_loop3A_482 = arith.constant 5 : i32
      %parallel_loop3A_483 = arith.index_cast %parallel_loop3A_404 : i32 to index
      %parallel_loop3A_484 = arith.index_cast %parallel_loop3A_482 : i32 to index
      %parallel_loop3A_485 = arith.index_cast %parallel_loop3A_481 : i32 to index
      %parallel_loop3A_486 = tpu.vector_load %arg6[%parallel_loop3A_483, %parallel_loop3A_484, %parallel_loop3A_485] {strides = array<i32>} : memref<16x8x128xf32, #tpu.memory_space<vmem>>, vector<16xf32>,
      tpu.vector_store %arg6[%parallel_loop3A_483, %parallel_loop3A_484, %parallel_loop3A_485], %parallel_loop3A_480 {strides = array<i32>} : memref<16x8x128xf32, #tpu.memory_space<vmem>>, vector<16xf32>,
      %parallel_loop3A_487 = arith.constant 24 : i32
      %parallel_loop3A_488 = vector.broadcast %parallel_loop3A_487 : i32 to vector<16xi32>
      %parallel_loop3A_489 = arith.addi %parallel_loop3A_402, %parallel_loop3A_488 : vector<16xi32>
      %parallel_loop3A_490 = arith.constant 4159 : i32
      %parallel_loop3A_491 = vector.broadcast %parallel_loop3A_490 : i32 to vector<16xi32>
      %parallel_loop3A_492 = arith.minsi %parallel_loop3A_489, %parallel_loop3A_491 : vector<16xi32>
      %parallel_loop3A_493 = tpu.vector_load_idx %arg4[%parallel_loop3A_492] : memref<4160xf32, #tpu.memory_space<vmem>>[vector<16xi32>], vector<16xf32>,
      %parallel_loop3A_494 = tpu.assume_multiple %parallel_loop3A_408, 16 : i32
      %parallel_loop3A_495 = arith.constant 6 : i32
      %parallel_loop3A_496 = arith.index_cast %parallel_loop3A_404 : i32 to index
      %parallel_loop3A_497 = arith.index_cast %parallel_loop3A_495 : i32 to index
      %parallel_loop3A_498 = arith.index_cast %parallel_loop3A_494 : i32 to index
      %parallel_loop3A_499 = tpu.vector_load %arg6[%parallel_loop3A_496, %parallel_loop3A_497, %parallel_loop3A_498] {strides = array<i32>} : memref<16x8x128xf32, #tpu.memory_space<vmem>>, vector<16xf32>,
      tpu.vector_store %arg6[%parallel_loop3A_496, %parallel_loop3A_497, %parallel_loop3A_498], %parallel_loop3A_493 {strides = array<i32>} : memref<16x8x128xf32, #tpu.memory_space<vmem>>, vector<16xf32>,
      %parallel_loop3A_500 = arith.constant 28 : i32
      %parallel_loop3A_501 = vector.broadcast %parallel_loop3A_500 : i32 to vector<16xi32>
      %parallel_loop3A_502 = arith.addi %parallel_loop3A_402, %parallel_loop3A_501 : vector<16xi32>
      %parallel_loop3A_503 = arith.constant 4159 : i32
      %parallel_loop3A_504 = vector.broadcast %parallel_loop3A_503 : i32 to vector<16xi32>
      %parallel_loop3A_505 = arith.minsi %parallel_loop3A_502, %parallel_loop3A_504 : vector<16xi32>
      %parallel_loop3A_506 = tpu.vector_load_idx %arg4[%parallel_loop3A_505] : memref<4160xf32, #tpu.memory_space<vmem>>[vector<16xi32>], vector<16xf32>,
      %parallel_loop3A_507 = tpu.assume_multiple %parallel_loop3A_408, 16 : i32
      %parallel_loop3A_508 = arith.constant 7 : i32
      %parallel_loop3A_509 = arith.index_cast %parallel_loop3A_404 : i32 to index
      %parallel_loop3A_510 = arith.index_cast %parallel_loop3A_508 : i32 to index
      %parallel_loop3A_511 = arith.index_cast %parallel_loop3A_507 : i32 to index
      %parallel_loop3A_512 = tpu.vector_load %arg6[%parallel_loop3A_509, %parallel_loop3A_510, %parallel_loop3A_511] {strides = array<i32>} : memref<16x8x128xf32, #tpu.memory_space<vmem>>, vector<16xf32>,
      tpu.vector_store %arg6[%parallel_loop3A_509, %parallel_loop3A_510, %parallel_loop3A_511], %parallel_loop3A_506 {strides = array<i32>} : memref<16x8x128xf32, #tpu.memory_space<vmem>>, vector<16xf32>,
      %parallel_loop3A_513 = arith.constant 32 : i32
      %parallel_loop3A_514 = vector.broadcast %parallel_loop3A_513 : i32 to vector<16xi32>
      %parallel_loop3A_515 = arith.addi %parallel_loop3A_402, %parallel_loop3A_514 : vector<16xi32>
      scf.yield %parallel_loop3A_515 : vector<16xi32>
    } {sc.loop_unroll_factor = 1 : i64, sc.parallel_access}
    %dma_start3A_251 = arith.constant 0 : i32
    %dma_start3A_252 = arith.constant 0 : i32
    %dma_start3A_253 = tpu.memref_slice %arg3[%min3A_233, %dma_start3A_251, %dma_start3A_252] : memref<3907x8x128xf32, #tpu.memory_space<hbm>> -> memref<16x8x128xf32, #tpu.memory_space<hbm>>
    %dma_start3A_254 = arith.constant 0 : i32
    %dma_start3A_255 = arith.constant 0 : i32
    %dma_start3A_256 = tpu.memref_slice %arg3[%min3A_233, %dma_start3A_254, %dma_start3A_255] : memref<3907x8x128xf32, #tpu.memory_space<hbm>> -> memref<16x8x128xf32, #tpu.memory_space<hbm>>
    tpu.enqueue_dma source(%arg6 : memref<16x8x128xf32, #tpu.memory_space<vmem>>) target(%dma_start3A_256 : memref<16x8x128xf32, #tpu.memory_space<hbm>>) target_semaphore(%arg10 : memref<!tpu.dma_semaphore, #tpu.memory_space<semaphore_mem>>)
    %add3A_257 = arith.constant 96 : i32
    %add3A_258 = arith.addi %min3A_3, %add3A_257 : i32
    %add3A_259 = arith.constant 123 : i32
    %add3A_260 = arith.addi %min3A_3, %add3A_259 : i32
    %sub3A_261 = arith.constant 16 : i32
    %sub3A_262 = arith.subi %add3A_260, %sub3A_261 : i32
    %min3A_263 = arith.minsi %add3A_258, %sub3A_262 : i32
    %mul3A_264 = arith.constant 128 : i32
    %mul3A_265 = arith.muli %min3A_263, %mul3A_264 : i32
    %mul3A_266 = arith.constant 2 : i32
    %mul3A_267 = arith.muli %mul3A_266, %mul3A_265 : i32
    %and3A_268 = arith.constant -8 : i32
    %and3A_269 = arith.andi %mul3A_267, %and3A_268 : i32
    %min3A_270 = arith.constant 995840 : i32
    %min3A_271 = arith.minsi %and3A_269, %min3A_270 : i32
    %multiple_of3A_272 = tpu.assume_multiple %min3A_271, 8 : i32
    %dma_start3A_273 = tpu.memref_slice %arg2[%multiple_of3A_272] : memref<1000000xf32, #tpu.memory_space<hbm>> -> memref<4160xf32, #tpu.memory_space<hbm>>
    %dma_start3A_274 = tpu.memref_slice %arg2[%multiple_of3A_272] : memref<1000000xf32, #tpu.memory_space<hbm>> -> memref<4160xf32, #tpu.memory_space<hbm>>
    tpu.enqueue_dma source(%dma_start3A_274 : memref<4160xf32, #tpu.memory_space<hbm>>) target(%arg4 : memref<4160xf32, #tpu.memory_space<vmem>>) target_semaphore(%arg8 : memref<!tpu.dma_semaphore, #tpu.memory_space<semaphore_mem>>)
    %dma_wait3A_275 = tpu.memref_slice %arg2[%multiple_of3A_222] : memref<1000000xf32, #tpu.memory_space<hbm>> -> memref<4160xf32, #tpu.memory_space<hbm>>
    %dma_wait3A_276 = tpu.memref_slice %arg2[%multiple_of3A_222] : memref<1000000xf32, #tpu.memory_space<hbm>> -> memref<4160xf32, #tpu.memory_space<hbm>>
    tpu.wait_dma2 semaphore(%arg9 : memref<!tpu.dma_semaphore, #tpu.memory_space<semaphore_mem>>) src(%dma_wait3A_276 : memref<4160xf32, #tpu.memory_space<hbm>>) dst(%arg5 : memref<4160xf32, #tpu.memory_space<vmem>>)
    %add3A_277 = arith.constant 80 : i32
    %add3A_278 = arith.addi %min3A_3, %add3A_277 : i32
    %add3A_279 = arith.constant 123 : i32
    %add3A_280 = arith.addi %min3A_3, %add3A_279 : i32
    %sub3A_281 = arith.constant 16 : i32
    %sub3A_282 = arith.subi %add3A_280, %sub3A_281 : i32
    %min3A_283 = arith.minsi %add3A_278, %sub3A_282 : i32
    %mul3A_284 = arith.constant 2 : i32
    %mul3A_285 = arith.muli %mul3A_284, %min3A_283 : i32
    %mul3A_286 = arith.constant 128 : i32
    %mul3A_287 = arith.muli %mul3A_285, %mul3A_286 : i32
    %sub3A_288 = arith.subi %mul3A_287, %min3A_221 : i32
    %dma_wait3A_289 = arith.constant 0 : i32
    %dma_wait3A_290 = arith.constant 0 : i32
    %dma_wait3A_291 = tpu.memref_slice %arg3[%min3A_183, %dma_wait3A_289, %dma_wait3A_290] : memref<3907x8x128xf32, #tpu.memory_space<hbm>> -> memref<16x8x128xf32, #tpu.memory_space<hbm>>
    %dma_wait3A_292 = arith.constant 0 : i32
    %dma_wait3A_293 = arith.constant 0 : i32
    %dma_wait3A_294 = tpu.memref_slice %arg3[%min3A_183, %dma_wait3A_292, %dma_wait3A_293] : memref<3907x8x128xf32, #tpu.memory_space<hbm>> -> memref<16x8x128xf32, #tpu.memory_space<hbm>>
    tpu.wait_dma2 semaphore(%arg11 : memref<!tpu.dma_semaphore, #tpu.memory_space<semaphore_mem>>) src(%arg7 : memref<16x8x128xf32, #tpu.memory_space<vmem>>) dst(%dma_wait3A_294 : memref<16x8x128xf32, #tpu.memory_space<hbm>>)
    %add3A_295 = vector.broadcast %sub3A_288 : i32 to vector<16xi32>
    %add3A_296 = arith.addi %add3A_295, %mul3A_6 : vector<16xi32>
    %parallel_loop3A_297 = arith.constant 0 : i32
    %parallel_loop3A_298 = arith.constant 128 : i32
    %parallel_loop3A_299 = arith.constant 1 : i32
    %parallel_loop3A_300 = scf.for %parallel_loop3A_401 = %parallel_loop3A_297 to %parallel_loop3A_298 step %parallel_loop3A_299 iter_args(%parallel_loop3A_402 = %add3A_296) -> (vector<16xi32>)  : i32 {
      %parallel_loop3A_403 = arith.constant 3 : i32
      %parallel_loop3A_404 = arith.shrsi %parallel_loop3A_401, %parallel_loop3A_403 : i32
      %parallel_loop3A_405 = arith.constant 7 : i32
      %parallel_loop3A_406 = arith.andi %parallel_loop3A_401, %parallel_loop3A_405 : i32
      %parallel_loop3A_407 = arith.constant 16 : i32
      %parallel_loop3A_408 = arith.muli %parallel_loop3A_406, %parallel_loop3A_407 : i32
      %parallel_loop3A_409 = arith.constant 0 : i32
      %parallel_loop3A_410 = vector.broadcast %parallel_loop3A_409 : i32 to vector<16xi32>
      %parallel_loop3A_411 = arith.addi %parallel_loop3A_402, %parallel_loop3A_410 : vector<16xi32>
      %parallel_loop3A_412 = arith.constant 4159 : i32
      %parallel_loop3A_413 = vector.broadcast %parallel_loop3A_412 : i32 to vector<16xi32>
      %parallel_loop3A_414 = arith.minsi %parallel_loop3A_411, %parallel_loop3A_413 : vector<16xi32>
      %parallel_loop3A_415 = tpu.vector_load_idx %arg5[%parallel_loop3A_414] : memref<4160xf32, #tpu.memory_space<vmem>>[vector<16xi32>], vector<16xf32>,
      %parallel_loop3A_416 = tpu.assume_multiple %parallel_loop3A_408, 16 : i32
      %parallel_loop3A_417 = arith.constant 0 : i32
      %parallel_loop3A_418 = arith.index_cast %parallel_loop3A_404 : i32 to index
      %parallel_loop3A_419 = arith.index_cast %parallel_loop3A_417 : i32 to index
      %parallel_loop3A_420 = arith.index_cast %parallel_loop3A_416 : i32 to index
      %parallel_loop3A_421 = tpu.vector_load %arg7[%parallel_loop3A_418, %parallel_loop3A_419, %parallel_loop3A_420] {strides = array<i32>} : memref<16x8x128xf32, #tpu.memory_space<vmem>>, vector<16xf32>,
      tpu.vector_store %arg7[%parallel_loop3A_418, %parallel_loop3A_419, %parallel_loop3A_420], %parallel_loop3A_415 {strides = array<i32>} : memref<16x8x128xf32, #tpu.memory_space<vmem>>, vector<16xf32>,
      %parallel_loop3A_422 = arith.constant 4 : i32
      %parallel_loop3A_423 = vector.broadcast %parallel_loop3A_422 : i32 to vector<16xi32>
      %parallel_loop3A_424 = arith.addi %parallel_loop3A_402, %parallel_loop3A_423 : vector<16xi32>
      %parallel_loop3A_425 = arith.constant 4159 : i32
      %parallel_loop3A_426 = vector.broadcast %parallel_loop3A_425 : i32 to vector<16xi32>
      %parallel_loop3A_427 = arith.minsi %parallel_loop3A_424, %parallel_loop3A_426 : vector<16xi32>
      %parallel_loop3A_428 = tpu.vector_load_idx %arg5[%parallel_loop3A_427] : memref<4160xf32, #tpu.memory_space<vmem>>[vector<16xi32>], vector<16xf32>,
      %parallel_loop3A_429 = tpu.assume_multiple %parallel_loop3A_408, 16 : i32
      %parallel_loop3A_430 = arith.constant 1 : i32
      %parallel_loop3A_431 = arith.index_cast %parallel_loop3A_404 : i32 to index
      %parallel_loop3A_432 = arith.index_cast %parallel_loop3A_430 : i32 to index
      %parallel_loop3A_433 = arith.index_cast %parallel_loop3A_429 : i32 to index
      %parallel_loop3A_434 = tpu.vector_load %arg7[%parallel_loop3A_431, %parallel_loop3A_432, %parallel_loop3A_433] {strides = array<i32>} : memref<16x8x128xf32, #tpu.memory_space<vmem>>, vector<16xf32>,
      tpu.vector_store %arg7[%parallel_loop3A_431, %parallel_loop3A_432, %parallel_loop3A_433], %parallel_loop3A_428 {strides = array<i32>} : memref<16x8x128xf32, #tpu.memory_space<vmem>>, vector<16xf32>,
      %parallel_loop3A_435 = arith.constant 8 : i32
      %parallel_loop3A_436 = vector.broadcast %parallel_loop3A_435 : i32 to vector<16xi32>
      %parallel_loop3A_437 = arith.addi %parallel_loop3A_402, %parallel_loop3A_436 : vector<16xi32>
      %parallel_loop3A_438 = arith.constant 4159 : i32
      %parallel_loop3A_439 = vector.broadcast %parallel_loop3A_438 : i32 to vector<16xi32>
      %parallel_loop3A_440 = arith.minsi %parallel_loop3A_437, %parallel_loop3A_439 : vector<16xi32>
      %parallel_loop3A_441 = tpu.vector_load_idx %arg5[%parallel_loop3A_440] : memref<4160xf32, #tpu.memory_space<vmem>>[vector<16xi32>], vector<16xf32>,
      %parallel_loop3A_442 = tpu.assume_multiple %parallel_loop3A_408, 16 : i32
      %parallel_loop3A_443 = arith.constant 2 : i32
      %parallel_loop3A_444 = arith.index_cast %parallel_loop3A_404 : i32 to index
      %parallel_loop3A_445 = arith.index_cast %parallel_loop3A_443 : i32 to index
      %parallel_loop3A_446 = arith.index_cast %parallel_loop3A_442 : i32 to index
      %parallel_loop3A_447 = tpu.vector_load %arg7[%parallel_loop3A_444, %parallel_loop3A_445, %parallel_loop3A_446] {strides = array<i32>} : memref<16x8x128xf32, #tpu.memory_space<vmem>>, vector<16xf32>,
      tpu.vector_store %arg7[%parallel_loop3A_444, %parallel_loop3A_445, %parallel_loop3A_446], %parallel_loop3A_441 {strides = array<i32>} : memref<16x8x128xf32, #tpu.memory_space<vmem>>, vector<16xf32>,
      %parallel_loop3A_448 = arith.constant 12 : i32
      %parallel_loop3A_449 = vector.broadcast %parallel_loop3A_448 : i32 to vector<16xi32>
      %parallel_loop3A_450 = arith.addi %parallel_loop3A_402, %parallel_loop3A_449 : vector<16xi32>
      %parallel_loop3A_451 = arith.constant 4159 : i32
      %parallel_loop3A_452 = vector.broadcast %parallel_loop3A_451 : i32 to vector<16xi32>
      %parallel_loop3A_453 = arith.minsi %parallel_loop3A_450, %parallel_loop3A_452 : vector<16xi32>
      %parallel_loop3A_454 = tpu.vector_load_idx %arg5[%parallel_loop3A_453] : memref<4160xf32, #tpu.memory_space<vmem>>[vector<16xi32>], vector<16xf32>,
      %parallel_loop3A_455 = tpu.assume_multiple %parallel_loop3A_408, 16 : i32
      %parallel_loop3A_456 = arith.constant 3 : i32
      %parallel_loop3A_457 = arith.index_cast %parallel_loop3A_404 : i32 to index
      %parallel_loop3A_458 = arith.index_cast %parallel_loop3A_456 : i32 to index
      %parallel_loop3A_459 = arith.index_cast %parallel_loop3A_455 : i32 to index
      %parallel_loop3A_460 = tpu.vector_load %arg7[%parallel_loop3A_457, %parallel_loop3A_458, %parallel_loop3A_459] {strides = array<i32>} : memref<16x8x128xf32, #tpu.memory_space<vmem>>, vector<16xf32>,
      tpu.vector_store %arg7[%parallel_loop3A_457, %parallel_loop3A_458, %parallel_loop3A_459], %parallel_loop3A_454 {strides = array<i32>} : memref<16x8x128xf32, #tpu.memory_space<vmem>>, vector<16xf32>,
      %parallel_loop3A_461 = arith.constant 16 : i32
      %parallel_loop3A_462 = vector.broadcast %parallel_loop3A_461 : i32 to vector<16xi32>
      %parallel_loop3A_463 = arith.addi %parallel_loop3A_402, %parallel_loop3A_462 : vector<16xi32>
      %parallel_loop3A_464 = arith.constant 4159 : i32
      %parallel_loop3A_465 = vector.broadcast %parallel_loop3A_464 : i32 to vector<16xi32>
      %parallel_loop3A_466 = arith.minsi %parallel_loop3A_463, %parallel_loop3A_465 : vector<16xi32>
      %parallel_loop3A_467 = tpu.vector_load_idx %arg5[%parallel_loop3A_466] : memref<4160xf32, #tpu.memory_space<vmem>>[vector<16xi32>], vector<16xf32>,
      %parallel_loop3A_468 = tpu.assume_multiple %parallel_loop3A_408, 16 : i32
      %parallel_loop3A_469 = arith.constant 4 : i32
      %parallel_loop3A_470 = arith.index_cast %parallel_loop3A_404 : i32 to index
      %parallel_loop3A_471 = arith.index_cast %parallel_loop3A_469 : i32 to index
      %parallel_loop3A_472 = arith.index_cast %parallel_loop3A_468 : i32 to index
      %parallel_loop3A_473 = tpu.vector_load %arg7[%parallel_loop3A_470, %parallel_loop3A_471, %parallel_loop3A_472] {strides = array<i32>} : memref<16x8x128xf32, #tpu.memory_space<vmem>>, vector<16xf32>,
      tpu.vector_store %arg7[%parallel_loop3A_470, %parallel_loop3A_471, %parallel_loop3A_472], %parallel_loop3A_467 {strides = array<i32>} : memref<16x8x128xf32, #tpu.memory_space<vmem>>, vector<16xf32>,
      %parallel_loop3A_474 = arith.constant 20 : i32
      %parallel_loop3A_475 = vector.broadcast %parallel_loop3A_474 : i32 to vector<16xi32>
      %parallel_loop3A_476 = arith.addi %parallel_loop3A_402, %parallel_loop3A_475 : vector<16xi32>
      %parallel_loop3A_477 = arith.constant 4159 : i32
      %parallel_loop3A_478 = vector.broadcast %parallel_loop3A_477 : i32 to vector<16xi32>
      %parallel_loop3A_479 = arith.minsi %parallel_loop3A_476, %parallel_loop3A_478 : vector<16xi32>
      %parallel_loop3A_480 = tpu.vector_load_idx %arg5[%parallel_loop3A_479] : memref<4160xf32, #tpu.memory_space<vmem>>[vector<16xi32>], vector<16xf32>,
      %parallel_loop3A_481 = tpu.assume_multiple %parallel_loop3A_408, 16 : i32
      %parallel_loop3A_482 = arith.constant 5 : i32
      %parallel_loop3A_483 = arith.index_cast %parallel_loop3A_404 : i32 to index
      %parallel_loop3A_484 = arith.index_cast %parallel_loop3A_482 : i32 to index
      %parallel_loop3A_485 = arith.index_cast %parallel_loop3A_481 : i32 to index
      %parallel_loop3A_486 = tpu.vector_load %arg7[%parallel_loop3A_483, %parallel_loop3A_484, %parallel_loop3A_485] {strides = array<i32>} : memref<16x8x128xf32, #tpu.memory_space<vmem>>, vector<16xf32>,
      tpu.vector_store %arg7[%parallel_loop3A_483, %parallel_loop3A_484, %parallel_loop3A_485], %parallel_loop3A_480 {strides = array<i32>} : memref<16x8x128xf32, #tpu.memory_space<vmem>>, vector<16xf32>,
      %parallel_loop3A_487 = arith.constant 24 : i32
      %parallel_loop3A_488 = vector.broadcast %parallel_loop3A_487 : i32 to vector<16xi32>
      %parallel_loop3A_489 = arith.addi %parallel_loop3A_402, %parallel_loop3A_488 : vector<16xi32>
      %parallel_loop3A_490 = arith.constant 4159 : i32
      %parallel_loop3A_491 = vector.broadcast %parallel_loop3A_490 : i32 to vector<16xi32>
      %parallel_loop3A_492 = arith.minsi %parallel_loop3A_489, %parallel_loop3A_491 : vector<16xi32>
      %parallel_loop3A_493 = tpu.vector_load_idx %arg5[%parallel_loop3A_492] : memref<4160xf32, #tpu.memory_space<vmem>>[vector<16xi32>], vector<16xf32>,
      %parallel_loop3A_494 = tpu.assume_multiple %parallel_loop3A_408, 16 : i32
      %parallel_loop3A_495 = arith.constant 6 : i32
      %parallel_loop3A_496 = arith.index_cast %parallel_loop3A_404 : i32 to index
      %parallel_loop3A_497 = arith.index_cast %parallel_loop3A_495 : i32 to index
      %parallel_loop3A_498 = arith.index_cast %parallel_loop3A_494 : i32 to index
      %parallel_loop3A_499 = tpu.vector_load %arg7[%parallel_loop3A_496, %parallel_loop3A_497, %parallel_loop3A_498] {strides = array<i32>} : memref<16x8x128xf32, #tpu.memory_space<vmem>>, vector<16xf32>,
      tpu.vector_store %arg7[%parallel_loop3A_496, %parallel_loop3A_497, %parallel_loop3A_498], %parallel_loop3A_493 {strides = array<i32>} : memref<16x8x128xf32, #tpu.memory_space<vmem>>, vector<16xf32>,
      %parallel_loop3A_500 = arith.constant 28 : i32
      %parallel_loop3A_501 = vector.broadcast %parallel_loop3A_500 : i32 to vector<16xi32>
      %parallel_loop3A_502 = arith.addi %parallel_loop3A_402, %parallel_loop3A_501 : vector<16xi32>
      %parallel_loop3A_503 = arith.constant 4159 : i32
      %parallel_loop3A_504 = vector.broadcast %parallel_loop3A_503 : i32 to vector<16xi32>
      %parallel_loop3A_505 = arith.minsi %parallel_loop3A_502, %parallel_loop3A_504 : vector<16xi32>
      %parallel_loop3A_506 = tpu.vector_load_idx %arg5[%parallel_loop3A_505] : memref<4160xf32, #tpu.memory_space<vmem>>[vector<16xi32>], vector<16xf32>,
      %parallel_loop3A_507 = tpu.assume_multiple %parallel_loop3A_408, 16 : i32
      %parallel_loop3A_508 = arith.constant 7 : i32
      %parallel_loop3A_509 = arith.index_cast %parallel_loop3A_404 : i32 to index
      %parallel_loop3A_510 = arith.index_cast %parallel_loop3A_508 : i32 to index
      %parallel_loop3A_511 = arith.index_cast %parallel_loop3A_507 : i32 to index
      %parallel_loop3A_512 = tpu.vector_load %arg7[%parallel_loop3A_509, %parallel_loop3A_510, %parallel_loop3A_511] {strides = array<i32>} : memref<16x8x128xf32, #tpu.memory_space<vmem>>, vector<16xf32>,
      tpu.vector_store %arg7[%parallel_loop3A_509, %parallel_loop3A_510, %parallel_loop3A_511], %parallel_loop3A_506 {strides = array<i32>} : memref<16x8x128xf32, #tpu.memory_space<vmem>>, vector<16xf32>,
      %parallel_loop3A_513 = arith.constant 32 : i32
      %parallel_loop3A_514 = vector.broadcast %parallel_loop3A_513 : i32 to vector<16xi32>
      %parallel_loop3A_515 = arith.addi %parallel_loop3A_402, %parallel_loop3A_514 : vector<16xi32>
      scf.yield %parallel_loop3A_515 : vector<16xi32>
    } {sc.loop_unroll_factor = 1 : i64, sc.parallel_access}
    %dma_start3A_301 = arith.constant 0 : i32
    %dma_start3A_302 = arith.constant 0 : i32
    %dma_start3A_303 = tpu.memref_slice %arg3[%min3A_283, %dma_start3A_301, %dma_start3A_302] : memref<3907x8x128xf32, #tpu.memory_space<hbm>> -> memref<16x8x128xf32, #tpu.memory_space<hbm>>
    %dma_start3A_304 = arith.constant 0 : i32
    %dma_start3A_305 = arith.constant 0 : i32
    %dma_start3A_306 = tpu.memref_slice %arg3[%min3A_283, %dma_start3A_304, %dma_start3A_305] : memref<3907x8x128xf32, #tpu.memory_space<hbm>> -> memref<16x8x128xf32, #tpu.memory_space<hbm>>
    tpu.enqueue_dma source(%arg7 : memref<16x8x128xf32, #tpu.memory_space<vmem>>) target(%dma_start3A_306 : memref<16x8x128xf32, #tpu.memory_space<hbm>>) target_semaphore(%arg11 : memref<!tpu.dma_semaphore, #tpu.memory_space<semaphore_mem>>)
    %add3A_307 = arith.constant 112 : i32
    %add3A_308 = arith.addi %min3A_3, %add3A_307 : i32
    %add3A_309 = arith.constant 123 : i32
    %add3A_310 = arith.addi %min3A_3, %add3A_309 : i32
    %sub3A_311 = arith.constant 16 : i32
    %sub3A_312 = arith.subi %add3A_310, %sub3A_311 : i32
    %min3A_313 = arith.minsi %add3A_308, %sub3A_312 : i32
    %mul3A_314 = arith.constant 128 : i32
    %mul3A_315 = arith.muli %min3A_313, %mul3A_314 : i32
    %mul3A_316 = arith.constant 2 : i32
    %mul3A_317 = arith.muli %mul3A_316, %mul3A_315 : i32
    %and3A_318 = arith.constant -8 : i32
    %and3A_319 = arith.andi %mul3A_317, %and3A_318 : i32
    %min3A_320 = arith.constant 995840 : i32
    %min3A_321 = arith.minsi %and3A_319, %min3A_320 : i32
    %multiple_of3A_322 = tpu.assume_multiple %min3A_321, 8 : i32
    %dma_start3A_323 = tpu.memref_slice %arg2[%multiple_of3A_322] : memref<1000000xf32, #tpu.memory_space<hbm>> -> memref<4160xf32, #tpu.memory_space<hbm>>
    %dma_start3A_324 = tpu.memref_slice %arg2[%multiple_of3A_322] : memref<1000000xf32, #tpu.memory_space<hbm>> -> memref<4160xf32, #tpu.memory_space<hbm>>
    tpu.enqueue_dma source(%dma_start3A_324 : memref<4160xf32, #tpu.memory_space<hbm>>) target(%arg5 : memref<4160xf32, #tpu.memory_space<vmem>>) target_semaphore(%arg9 : memref<!tpu.dma_semaphore, #tpu.memory_space<semaphore_mem>>)
    %dma_wait3A_325 = tpu.memref_slice %arg2[%multiple_of3A_272] : memref<1000000xf32, #tpu.memory_space<hbm>> -> memref<4160xf32, #tpu.memory_space<hbm>>
    %dma_wait3A_326 = tpu.memref_slice %arg2[%multiple_of3A_272] : memref<1000000xf32, #tpu.memory_space<hbm>> -> memref<4160xf32, #tpu.memory_space<hbm>>
    tpu.wait_dma2 semaphore(%arg8 : memref<!tpu.dma_semaphore, #tpu.memory_space<semaphore_mem>>) src(%dma_wait3A_326 : memref<4160xf32, #tpu.memory_space<hbm>>) dst(%arg4 : memref<4160xf32, #tpu.memory_space<vmem>>)
    %add3A_327 = arith.constant 96 : i32
    %add3A_328 = arith.addi %min3A_3, %add3A_327 : i32
    %add3A_329 = arith.constant 123 : i32
    %add3A_330 = arith.addi %min3A_3, %add3A_329 : i32
    %sub3A_331 = arith.constant 16 : i32
    %sub3A_332 = arith.subi %add3A_330, %sub3A_331 : i32
    %min3A_333 = arith.minsi %add3A_328, %sub3A_332 : i32
    %mul3A_334 = arith.constant 2 : i32
    %mul3A_335 = arith.muli %mul3A_334, %min3A_333 : i32
    %mul3A_336 = arith.constant 128 : i32
    %mul3A_337 = arith.muli %mul3A_335, %mul3A_336 : i32
    %sub3A_338 = arith.subi %mul3A_337, %min3A_271 : i32
    %dma_wait3A_339 = arith.constant 0 : i32
    %dma_wait3A_340 = arith.constant 0 : i32
    %dma_wait3A_341 = tpu.memref_slice %arg3[%min3A_233, %dma_wait3A_339, %dma_wait3A_340] : memref<3907x8x128xf32, #tpu.memory_space<hbm>> -> memref<16x8x128xf32, #tpu.memory_space<hbm>>
    %dma_wait3A_342 = arith.constant 0 : i32
    %dma_wait3A_343 = arith.constant 0 : i32
    %dma_wait3A_344 = tpu.memref_slice %arg3[%min3A_233, %dma_wait3A_342, %dma_wait3A_343] : memref<3907x8x128xf32, #tpu.memory_space<hbm>> -> memref<16x8x128xf32, #tpu.memory_space<hbm>>
    tpu.wait_dma2 semaphore(%arg10 : memref<!tpu.dma_semaphore, #tpu.memory_space<semaphore_mem>>) src(%arg6 : memref<16x8x128xf32, #tpu.memory_space<vmem>>) dst(%dma_wait3A_344 : memref<16x8x128xf32, #tpu.memory_space<hbm>>)
    %add3A_345 = vector.broadcast %sub3A_338 : i32 to vector<16xi32>
    %add3A_346 = arith.addi %add3A_345, %mul3A_6 : vector<16xi32>
    %parallel_loop3A_347 = arith.constant 0 : i32
    %parallel_loop3A_348 = arith.constant 128 : i32
    %parallel_loop3A_349 = arith.constant 1 : i32
    %parallel_loop3A_350 = scf.for %parallel_loop3A_401 = %parallel_loop3A_347 to %parallel_loop3A_348 step %parallel_loop3A_349 iter_args(%parallel_loop3A_402 = %add3A_346) -> (vector<16xi32>)  : i32 {
      %parallel_loop3A_403 = arith.constant 3 : i32
      %parallel_loop3A_404 = arith.shrsi %parallel_loop3A_401, %parallel_loop3A_403 : i32
      %parallel_loop3A_405 = arith.constant 7 : i32
      %parallel_loop3A_406 = arith.andi %parallel_loop3A_401, %parallel_loop3A_405 : i32
      %parallel_loop3A_407 = arith.constant 16 : i32
      %parallel_loop3A_408 = arith.muli %parallel_loop3A_406, %parallel_loop3A_407 : i32
      %parallel_loop3A_409 = arith.constant 0 : i32
      %parallel_loop3A_410 = vector.broadcast %parallel_loop3A_409 : i32 to vector<16xi32>
      %parallel_loop3A_411 = arith.addi %parallel_loop3A_402, %parallel_loop3A_410 : vector<16xi32>
      %parallel_loop3A_412 = arith.constant 4159 : i32
      %parallel_loop3A_413 = vector.broadcast %parallel_loop3A_412 : i32 to vector<16xi32>
      %parallel_loop3A_414 = arith.minsi %parallel_loop3A_411, %parallel_loop3A_413 : vector<16xi32>
      %parallel_loop3A_415 = tpu.vector_load_idx %arg4[%parallel_loop3A_414] : memref<4160xf32, #tpu.memory_space<vmem>>[vector<16xi32>], vector<16xf32>,
      %parallel_loop3A_416 = tpu.assume_multiple %parallel_loop3A_408, 16 : i32
      %parallel_loop3A_417 = arith.constant 0 : i32
      %parallel_loop3A_418 = arith.index_cast %parallel_loop3A_404 : i32 to index
      %parallel_loop3A_419 = arith.index_cast %parallel_loop3A_417 : i32 to index
      %parallel_loop3A_420 = arith.index_cast %parallel_loop3A_416 : i32 to index
      %parallel_loop3A_421 = tpu.vector_load %arg6[%parallel_loop3A_418, %parallel_loop3A_419, %parallel_loop3A_420] {strides = array<i32>} : memref<16x8x128xf32, #tpu.memory_space<vmem>>, vector<16xf32>,
      tpu.vector_store %arg6[%parallel_loop3A_418, %parallel_loop3A_419, %parallel_loop3A_420], %parallel_loop3A_415 {strides = array<i32>} : memref<16x8x128xf32, #tpu.memory_space<vmem>>, vector<16xf32>,
      %parallel_loop3A_422 = arith.constant 4 : i32
      %parallel_loop3A_423 = vector.broadcast %parallel_loop3A_422 : i32 to vector<16xi32>
      %parallel_loop3A_424 = arith.addi %parallel_loop3A_402, %parallel_loop3A_423 : vector<16xi32>
      %parallel_loop3A_425 = arith.constant 4159 : i32
      %parallel_loop3A_426 = vector.broadcast %parallel_loop3A_425 : i32 to vector<16xi32>
      %parallel_loop3A_427 = arith.minsi %parallel_loop3A_424, %parallel_loop3A_426 : vector<16xi32>
      %parallel_loop3A_428 = tpu.vector_load_idx %arg4[%parallel_loop3A_427] : memref<4160xf32, #tpu.memory_space<vmem>>[vector<16xi32>], vector<16xf32>,
      %parallel_loop3A_429 = tpu.assume_multiple %parallel_loop3A_408, 16 : i32
      %parallel_loop3A_430 = arith.constant 1 : i32
      %parallel_loop3A_431 = arith.index_cast %parallel_loop3A_404 : i32 to index
      %parallel_loop3A_432 = arith.index_cast %parallel_loop3A_430 : i32 to index
      %parallel_loop3A_433 = arith.index_cast %parallel_loop3A_429 : i32 to index
      %parallel_loop3A_434 = tpu.vector_load %arg6[%parallel_loop3A_431, %parallel_loop3A_432, %parallel_loop3A_433] {strides = array<i32>} : memref<16x8x128xf32, #tpu.memory_space<vmem>>, vector<16xf32>,
      tpu.vector_store %arg6[%parallel_loop3A_431, %parallel_loop3A_432, %parallel_loop3A_433], %parallel_loop3A_428 {strides = array<i32>} : memref<16x8x128xf32, #tpu.memory_space<vmem>>, vector<16xf32>,
      %parallel_loop3A_435 = arith.constant 8 : i32
      %parallel_loop3A_436 = vector.broadcast %parallel_loop3A_435 : i32 to vector<16xi32>
      %parallel_loop3A_437 = arith.addi %parallel_loop3A_402, %parallel_loop3A_436 : vector<16xi32>
      %parallel_loop3A_438 = arith.constant 4159 : i32
      %parallel_loop3A_439 = vector.broadcast %parallel_loop3A_438 : i32 to vector<16xi32>
      %parallel_loop3A_440 = arith.minsi %parallel_loop3A_437, %parallel_loop3A_439 : vector<16xi32>
      %parallel_loop3A_441 = tpu.vector_load_idx %arg4[%parallel_loop3A_440] : memref<4160xf32, #tpu.memory_space<vmem>>[vector<16xi32>], vector<16xf32>,
      %parallel_loop3A_442 = tpu.assume_multiple %parallel_loop3A_408, 16 : i32
      %parallel_loop3A_443 = arith.constant 2 : i32
      %parallel_loop3A_444 = arith.index_cast %parallel_loop3A_404 : i32 to index
      %parallel_loop3A_445 = arith.index_cast %parallel_loop3A_443 : i32 to index
      %parallel_loop3A_446 = arith.index_cast %parallel_loop3A_442 : i32 to index
      %parallel_loop3A_447 = tpu.vector_load %arg6[%parallel_loop3A_444, %parallel_loop3A_445, %parallel_loop3A_446] {strides = array<i32>} : memref<16x8x128xf32, #tpu.memory_space<vmem>>, vector<16xf32>,
      tpu.vector_store %arg6[%parallel_loop3A_444, %parallel_loop3A_445, %parallel_loop3A_446], %parallel_loop3A_441 {strides = array<i32>} : memref<16x8x128xf32, #tpu.memory_space<vmem>>, vector<16xf32>,
      %parallel_loop3A_448 = arith.constant 12 : i32
      %parallel_loop3A_449 = vector.broadcast %parallel_loop3A_448 : i32 to vector<16xi32>
      %parallel_loop3A_450 = arith.addi %parallel_loop3A_402, %parallel_loop3A_449 : vector<16xi32>
      %parallel_loop3A_451 = arith.constant 4159 : i32
      %parallel_loop3A_452 = vector.broadcast %parallel_loop3A_451 : i32 to vector<16xi32>
      %parallel_loop3A_453 = arith.minsi %parallel_loop3A_450, %parallel_loop3A_452 : vector<16xi32>
      %parallel_loop3A_454 = tpu.vector_load_idx %arg4[%parallel_loop3A_453] : memref<4160xf32, #tpu.memory_space<vmem>>[vector<16xi32>], vector<16xf32>,
      %parallel_loop3A_455 = tpu.assume_multiple %parallel_loop3A_408, 16 : i32
      %parallel_loop3A_456 = arith.constant 3 : i32
      %parallel_loop3A_457 = arith.index_cast %parallel_loop3A_404 : i32 to index
      %parallel_loop3A_458 = arith.index_cast %parallel_loop3A_456 : i32 to index
      %parallel_loop3A_459 = arith.index_cast %parallel_loop3A_455 : i32 to index
      %parallel_loop3A_460 = tpu.vector_load %arg6[%parallel_loop3A_457, %parallel_loop3A_458, %parallel_loop3A_459] {strides = array<i32>} : memref<16x8x128xf32, #tpu.memory_space<vmem>>, vector<16xf32>,
      tpu.vector_store %arg6[%parallel_loop3A_457, %parallel_loop3A_458, %parallel_loop3A_459], %parallel_loop3A_454 {strides = array<i32>} : memref<16x8x128xf32, #tpu.memory_space<vmem>>, vector<16xf32>,
      %parallel_loop3A_461 = arith.constant 16 : i32
      %parallel_loop3A_462 = vector.broadcast %parallel_loop3A_461 : i32 to vector<16xi32>
      %parallel_loop3A_463 = arith.addi %parallel_loop3A_402, %parallel_loop3A_462 : vector<16xi32>
      %parallel_loop3A_464 = arith.constant 4159 : i32
      %parallel_loop3A_465 = vector.broadcast %parallel_loop3A_464 : i32 to vector<16xi32>
      %parallel_loop3A_466 = arith.minsi %parallel_loop3A_463, %parallel_loop3A_465 : vector<16xi32>
      %parallel_loop3A_467 = tpu.vector_load_idx %arg4[%parallel_loop3A_466] : memref<4160xf32, #tpu.memory_space<vmem>>[vector<16xi32>], vector<16xf32>,
      %parallel_loop3A_468 = tpu.assume_multiple %parallel_loop3A_408, 16 : i32
      %parallel_loop3A_469 = arith.constant 4 : i32
      %parallel_loop3A_470 = arith.index_cast %parallel_loop3A_404 : i32 to index
      %parallel_loop3A_471 = arith.index_cast %parallel_loop3A_469 : i32 to index
      %parallel_loop3A_472 = arith.index_cast %parallel_loop3A_468 : i32 to index
      %parallel_loop3A_473 = tpu.vector_load %arg6[%parallel_loop3A_470, %parallel_loop3A_471, %parallel_loop3A_472] {strides = array<i32>} : memref<16x8x128xf32, #tpu.memory_space<vmem>>, vector<16xf32>,
      tpu.vector_store %arg6[%parallel_loop3A_470, %parallel_loop3A_471, %parallel_loop3A_472], %parallel_loop3A_467 {strides = array<i32>} : memref<16x8x128xf32, #tpu.memory_space<vmem>>, vector<16xf32>,
      %parallel_loop3A_474 = arith.constant 20 : i32
      %parallel_loop3A_475 = vector.broadcast %parallel_loop3A_474 : i32 to vector<16xi32>
      %parallel_loop3A_476 = arith.addi %parallel_loop3A_402, %parallel_loop3A_475 : vector<16xi32>
      %parallel_loop3A_477 = arith.constant 4159 : i32
      %parallel_loop3A_478 = vector.broadcast %parallel_loop3A_477 : i32 to vector<16xi32>
      %parallel_loop3A_479 = arith.minsi %parallel_loop3A_476, %parallel_loop3A_478 : vector<16xi32>
      %parallel_loop3A_480 = tpu.vector_load_idx %arg4[%parallel_loop3A_479] : memref<4160xf32, #tpu.memory_space<vmem>>[vector<16xi32>], vector<16xf32>,
      %parallel_loop3A_481 = tpu.assume_multiple %parallel_loop3A_408, 16 : i32
      %parallel_loop3A_482 = arith.constant 5 : i32
      %parallel_loop3A_483 = arith.index_cast %parallel_loop3A_404 : i32 to index
      %parallel_loop3A_484 = arith.index_cast %parallel_loop3A_482 : i32 to index
      %parallel_loop3A_485 = arith.index_cast %parallel_loop3A_481 : i32 to index
      %parallel_loop3A_486 = tpu.vector_load %arg6[%parallel_loop3A_483, %parallel_loop3A_484, %parallel_loop3A_485] {strides = array<i32>} : memref<16x8x128xf32, #tpu.memory_space<vmem>>, vector<16xf32>,
      tpu.vector_store %arg6[%parallel_loop3A_483, %parallel_loop3A_484, %parallel_loop3A_485], %parallel_loop3A_480 {strides = array<i32>} : memref<16x8x128xf32, #tpu.memory_space<vmem>>, vector<16xf32>,
      %parallel_loop3A_487 = arith.constant 24 : i32
      %parallel_loop3A_488 = vector.broadcast %parallel_loop3A_487 : i32 to vector<16xi32>
      %parallel_loop3A_489 = arith.addi %parallel_loop3A_402, %parallel_loop3A_488 : vector<16xi32>
      %parallel_loop3A_490 = arith.constant 4159 : i32
      %parallel_loop3A_491 = vector.broadcast %parallel_loop3A_490 : i32 to vector<16xi32>
      %parallel_loop3A_492 = arith.minsi %parallel_loop3A_489, %parallel_loop3A_491 : vector<16xi32>
      %parallel_loop3A_493 = tpu.vector_load_idx %arg4[%parallel_loop3A_492] : memref<4160xf32, #tpu.memory_space<vmem>>[vector<16xi32>], vector<16xf32>,
      %parallel_loop3A_494 = tpu.assume_multiple %parallel_loop3A_408, 16 : i32
      %parallel_loop3A_495 = arith.constant 6 : i32
      %parallel_loop3A_496 = arith.index_cast %parallel_loop3A_404 : i32 to index
      %parallel_loop3A_497 = arith.index_cast %parallel_loop3A_495 : i32 to index
      %parallel_loop3A_498 = arith.index_cast %parallel_loop3A_494 : i32 to index
      %parallel_loop3A_499 = tpu.vector_load %arg6[%parallel_loop3A_496, %parallel_loop3A_497, %parallel_loop3A_498] {strides = array<i32>} : memref<16x8x128xf32, #tpu.memory_space<vmem>>, vector<16xf32>,
      tpu.vector_store %arg6[%parallel_loop3A_496, %parallel_loop3A_497, %parallel_loop3A_498], %parallel_loop3A_493 {strides = array<i32>} : memref<16x8x128xf32, #tpu.memory_space<vmem>>, vector<16xf32>,
      %parallel_loop3A_500 = arith.constant 28 : i32
      %parallel_loop3A_501 = vector.broadcast %parallel_loop3A_500 : i32 to vector<16xi32>
      %parallel_loop3A_502 = arith.addi %parallel_loop3A_402, %parallel_loop3A_501 : vector<16xi32>
      %parallel_loop3A_503 = arith.constant 4159 : i32
      %parallel_loop3A_504 = vector.broadcast %parallel_loop3A_503 : i32 to vector<16xi32>
      %parallel_loop3A_505 = arith.minsi %parallel_loop3A_502, %parallel_loop3A_504 : vector<16xi32>
      %parallel_loop3A_506 = tpu.vector_load_idx %arg4[%parallel_loop3A_505] : memref<4160xf32, #tpu.memory_space<vmem>>[vector<16xi32>], vector<16xf32>,
      %parallel_loop3A_507 = tpu.assume_multiple %parallel_loop3A_408, 16 : i32
      %parallel_loop3A_508 = arith.constant 7 : i32
      %parallel_loop3A_509 = arith.index_cast %parallel_loop3A_404 : i32 to index
      %parallel_loop3A_510 = arith.index_cast %parallel_loop3A_508 : i32 to index
      %parallel_loop3A_511 = arith.index_cast %parallel_loop3A_507 : i32 to index
      %parallel_loop3A_512 = tpu.vector_load %arg6[%parallel_loop3A_509, %parallel_loop3A_510, %parallel_loop3A_511] {strides = array<i32>} : memref<16x8x128xf32, #tpu.memory_space<vmem>>, vector<16xf32>,
      tpu.vector_store %arg6[%parallel_loop3A_509, %parallel_loop3A_510, %parallel_loop3A_511], %parallel_loop3A_506 {strides = array<i32>} : memref<16x8x128xf32, #tpu.memory_space<vmem>>, vector<16xf32>,
      %parallel_loop3A_513 = arith.constant 32 : i32
      %parallel_loop3A_514 = vector.broadcast %parallel_loop3A_513 : i32 to vector<16xi32>
      %parallel_loop3A_515 = arith.addi %parallel_loop3A_402, %parallel_loop3A_514 : vector<16xi32>
      scf.yield %parallel_loop3A_515 : vector<16xi32>
    } {sc.loop_unroll_factor = 1 : i64, sc.parallel_access}
    %dma_start3A_351 = arith.constant 0 : i32
    %dma_start3A_352 = arith.constant 0 : i32
    %dma_start3A_353 = tpu.memref_slice %arg3[%min3A_333, %dma_start3A_351, %dma_start3A_352] : memref<3907x8x128xf32, #tpu.memory_space<hbm>> -> memref<16x8x128xf32, #tpu.memory_space<hbm>>
    %dma_start3A_354 = arith.constant 0 : i32
    %dma_start3A_355 = arith.constant 0 : i32
    %dma_start3A_356 = tpu.memref_slice %arg3[%min3A_333, %dma_start3A_354, %dma_start3A_355] : memref<3907x8x128xf32, #tpu.memory_space<hbm>> -> memref<16x8x128xf32, #tpu.memory_space<hbm>>
    tpu.enqueue_dma source(%arg6 : memref<16x8x128xf32, #tpu.memory_space<vmem>>) target(%dma_start3A_356 : memref<16x8x128xf32, #tpu.memory_space<hbm>>) target_semaphore(%arg10 : memref<!tpu.dma_semaphore, #tpu.memory_space<semaphore_mem>>)
    %dma_wait3A_357 = tpu.memref_slice %arg2[%multiple_of3A_322] : memref<1000000xf32, #tpu.memory_space<hbm>> -> memref<4160xf32, #tpu.memory_space<hbm>>
    %dma_wait3A_358 = tpu.memref_slice %arg2[%multiple_of3A_322] : memref<1000000xf32, #tpu.memory_space<hbm>> -> memref<4160xf32, #tpu.memory_space<hbm>>
    tpu.wait_dma2 semaphore(%arg9 : memref<!tpu.dma_semaphore, #tpu.memory_space<semaphore_mem>>) src(%dma_wait3A_358 : memref<4160xf32, #tpu.memory_space<hbm>>) dst(%arg5 : memref<4160xf32, #tpu.memory_space<vmem>>)
    %add3A_359 = arith.constant 112 : i32
    %add3A_360 = arith.addi %min3A_3, %add3A_359 : i32
    %add3A_361 = arith.constant 123 : i32
    %add3A_362 = arith.addi %min3A_3, %add3A_361 : i32
    %sub3A_363 = arith.constant 16 : i32
    %sub3A_364 = arith.subi %add3A_362, %sub3A_363 : i32
    %min3A_365 = arith.minsi %add3A_360, %sub3A_364 : i32
    %mul3A_366 = arith.constant 2 : i32
    %mul3A_367 = arith.muli %mul3A_366, %min3A_365 : i32
    %mul3A_368 = arith.constant 128 : i32
    %mul3A_369 = arith.muli %mul3A_367, %mul3A_368 : i32
    %sub3A_370 = arith.subi %mul3A_369, %min3A_321 : i32
    %dma_wait3A_371 = arith.constant 0 : i32
    %dma_wait3A_372 = arith.constant 0 : i32
    %dma_wait3A_373 = tpu.memref_slice %arg3[%min3A_283, %dma_wait3A_371, %dma_wait3A_372] : memref<3907x8x128xf32, #tpu.memory_space<hbm>> -> memref<16x8x128xf32, #tpu.memory_space<hbm>>
    %dma_wait3A_374 = arith.constant 0 : i32
    %dma_wait3A_375 = arith.constant 0 : i32
    %dma_wait3A_376 = tpu.memref_slice %arg3[%min3A_283, %dma_wait3A_374, %dma_wait3A_375] : memref<3907x8x128xf32, #tpu.memory_space<hbm>> -> memref<16x8x128xf32, #tpu.memory_space<hbm>>
    tpu.wait_dma2 semaphore(%arg11 : memref<!tpu.dma_semaphore, #tpu.memory_space<semaphore_mem>>) src(%arg7 : memref<16x8x128xf32, #tpu.memory_space<vmem>>) dst(%dma_wait3A_376 : memref<16x8x128xf32, #tpu.memory_space<hbm>>)
    %add3A_377 = vector.broadcast %sub3A_370 : i32 to vector<16xi32>
    %add3A_378 = arith.addi %add3A_377, %mul3A_6 : vector<16xi32>
    %parallel_loop3A_379 = arith.constant 0 : i32
    %parallel_loop3A_380 = arith.constant 128 : i32
    %parallel_loop3A_381 = arith.constant 1 : i32
    %parallel_loop3A_382 = scf.for %parallel_loop3A_401 = %parallel_loop3A_379 to %parallel_loop3A_380 step %parallel_loop3A_381 iter_args(%parallel_loop3A_402 = %add3A_378) -> (vector<16xi32>)  : i32 {
      %parallel_loop3A_403 = arith.constant 3 : i32
      %parallel_loop3A_404 = arith.shrsi %parallel_loop3A_401, %parallel_loop3A_403 : i32
      %parallel_loop3A_405 = arith.constant 7 : i32
      %parallel_loop3A_406 = arith.andi %parallel_loop3A_401, %parallel_loop3A_405 : i32
      %parallel_loop3A_407 = arith.constant 16 : i32
      %parallel_loop3A_408 = arith.muli %parallel_loop3A_406, %parallel_loop3A_407 : i32
      %parallel_loop3A_409 = arith.constant 0 : i32
      %parallel_loop3A_410 = vector.broadcast %parallel_loop3A_409 : i32 to vector<16xi32>
      %parallel_loop3A_411 = arith.addi %parallel_loop3A_402, %parallel_loop3A_410 : vector<16xi32>
      %parallel_loop3A_412 = arith.constant 4159 : i32
      %parallel_loop3A_413 = vector.broadcast %parallel_loop3A_412 : i32 to vector<16xi32>
      %parallel_loop3A_414 = arith.minsi %parallel_loop3A_411, %parallel_loop3A_413 : vector<16xi32>
      %parallel_loop3A_415 = tpu.vector_load_idx %arg5[%parallel_loop3A_414] : memref<4160xf32, #tpu.memory_space<vmem>>[vector<16xi32>], vector<16xf32>,
      %parallel_loop3A_416 = tpu.assume_multiple %parallel_loop3A_408, 16 : i32
      %parallel_loop3A_417 = arith.constant 0 : i32
      %parallel_loop3A_418 = arith.index_cast %parallel_loop3A_404 : i32 to index
      %parallel_loop3A_419 = arith.index_cast %parallel_loop3A_417 : i32 to index
      %parallel_loop3A_420 = arith.index_cast %parallel_loop3A_416 : i32 to index
      %parallel_loop3A_421 = tpu.vector_load %arg7[%parallel_loop3A_418, %parallel_loop3A_419, %parallel_loop3A_420] {strides = array<i32>} : memref<16x8x128xf32, #tpu.memory_space<vmem>>, vector<16xf32>,
      tpu.vector_store %arg7[%parallel_loop3A_418, %parallel_loop3A_419, %parallel_loop3A_420], %parallel_loop3A_415 {strides = array<i32>} : memref<16x8x128xf32, #tpu.memory_space<vmem>>, vector<16xf32>,
      %parallel_loop3A_422 = arith.constant 4 : i32
      %parallel_loop3A_423 = vector.broadcast %parallel_loop3A_422 : i32 to vector<16xi32>
      %parallel_loop3A_424 = arith.addi %parallel_loop3A_402, %parallel_loop3A_423 : vector<16xi32>
      %parallel_loop3A_425 = arith.constant 4159 : i32
      %parallel_loop3A_426 = vector.broadcast %parallel_loop3A_425 : i32 to vector<16xi32>
      %parallel_loop3A_427 = arith.minsi %parallel_loop3A_424, %parallel_loop3A_426 : vector<16xi32>
      %parallel_loop3A_428 = tpu.vector_load_idx %arg5[%parallel_loop3A_427] : memref<4160xf32, #tpu.memory_space<vmem>>[vector<16xi32>], vector<16xf32>,
      %parallel_loop3A_429 = tpu.assume_multiple %parallel_loop3A_408, 16 : i32
      %parallel_loop3A_430 = arith.constant 1 : i32
      %parallel_loop3A_431 = arith.index_cast %parallel_loop3A_404 : i32 to index
      %parallel_loop3A_432 = arith.index_cast %parallel_loop3A_430 : i32 to index
      %parallel_loop3A_433 = arith.index_cast %parallel_loop3A_429 : i32 to index
      %parallel_loop3A_434 = tpu.vector_load %arg7[%parallel_loop3A_431, %parallel_loop3A_432, %parallel_loop3A_433] {strides = array<i32>} : memref<16x8x128xf32, #tpu.memory_space<vmem>>, vector<16xf32>,
      tpu.vector_store %arg7[%parallel_loop3A_431, %parallel_loop3A_432, %parallel_loop3A_433], %parallel_loop3A_428 {strides = array<i32>} : memref<16x8x128xf32, #tpu.memory_space<vmem>>, vector<16xf32>,
      %parallel_loop3A_435 = arith.constant 8 : i32
      %parallel_loop3A_436 = vector.broadcast %parallel_loop3A_435 : i32 to vector<16xi32>
      %parallel_loop3A_437 = arith.addi %parallel_loop3A_402, %parallel_loop3A_436 : vector<16xi32>
      %parallel_loop3A_438 = arith.constant 4159 : i32
      %parallel_loop3A_439 = vector.broadcast %parallel_loop3A_438 : i32 to vector<16xi32>
      %parallel_loop3A_440 = arith.minsi %parallel_loop3A_437, %parallel_loop3A_439 : vector<16xi32>
      %parallel_loop3A_441 = tpu.vector_load_idx %arg5[%parallel_loop3A_440] : memref<4160xf32, #tpu.memory_space<vmem>>[vector<16xi32>], vector<16xf32>,
      %parallel_loop3A_442 = tpu.assume_multiple %parallel_loop3A_408, 16 : i32
      %parallel_loop3A_443 = arith.constant 2 : i32
      %parallel_loop3A_444 = arith.index_cast %parallel_loop3A_404 : i32 to index
      %parallel_loop3A_445 = arith.index_cast %parallel_loop3A_443 : i32 to index
      %parallel_loop3A_446 = arith.index_cast %parallel_loop3A_442 : i32 to index
      %parallel_loop3A_447 = tpu.vector_load %arg7[%parallel_loop3A_444, %parallel_loop3A_445, %parallel_loop3A_446] {strides = array<i32>} : memref<16x8x128xf32, #tpu.memory_space<vmem>>, vector<16xf32>,
      tpu.vector_store %arg7[%parallel_loop3A_444, %parallel_loop3A_445, %parallel_loop3A_446], %parallel_loop3A_441 {strides = array<i32>} : memref<16x8x128xf32, #tpu.memory_space<vmem>>, vector<16xf32>,
      %parallel_loop3A_448 = arith.constant 12 : i32
      %parallel_loop3A_449 = vector.broadcast %parallel_loop3A_448 : i32 to vector<16xi32>
      %parallel_loop3A_450 = arith.addi %parallel_loop3A_402, %parallel_loop3A_449 : vector<16xi32>
      %parallel_loop3A_451 = arith.constant 4159 : i32
      %parallel_loop3A_452 = vector.broadcast %parallel_loop3A_451 : i32 to vector<16xi32>
      %parallel_loop3A_453 = arith.minsi %parallel_loop3A_450, %parallel_loop3A_452 : vector<16xi32>
      %parallel_loop3A_454 = tpu.vector_load_idx %arg5[%parallel_loop3A_453] : memref<4160xf32, #tpu.memory_space<vmem>>[vector<16xi32>], vector<16xf32>,
      %parallel_loop3A_455 = tpu.assume_multiple %parallel_loop3A_408, 16 : i32
      %parallel_loop3A_456 = arith.constant 3 : i32
      %parallel_loop3A_457 = arith.index_cast %parallel_loop3A_404 : i32 to index
      %parallel_loop3A_458 = arith.index_cast %parallel_loop3A_456 : i32 to index
      %parallel_loop3A_459 = arith.index_cast %parallel_loop3A_455 : i32 to index
      %parallel_loop3A_460 = tpu.vector_load %arg7[%parallel_loop3A_457, %parallel_loop3A_458, %parallel_loop3A_459] {strides = array<i32>} : memref<16x8x128xf32, #tpu.memory_space<vmem>>, vector<16xf32>,
      tpu.vector_store %arg7[%parallel_loop3A_457, %parallel_loop3A_458, %parallel_loop3A_459], %parallel_loop3A_454 {strides = array<i32>} : memref<16x8x128xf32, #tpu.memory_space<vmem>>, vector<16xf32>,
      %parallel_loop3A_461 = arith.constant 16 : i32
      %parallel_loop3A_462 = vector.broadcast %parallel_loop3A_461 : i32 to vector<16xi32>
      %parallel_loop3A_463 = arith.addi %parallel_loop3A_402, %parallel_loop3A_462 : vector<16xi32>
      %parallel_loop3A_464 = arith.constant 4159 : i32
      %parallel_loop3A_465 = vector.broadcast %parallel_loop3A_464 : i32 to vector<16xi32>
      %parallel_loop3A_466 = arith.minsi %parallel_loop3A_463, %parallel_loop3A_465 : vector<16xi32>
      %parallel_loop3A_467 = tpu.vector_load_idx %arg5[%parallel_loop3A_466] : memref<4160xf32, #tpu.memory_space<vmem>>[vector<16xi32>], vector<16xf32>,
      %parallel_loop3A_468 = tpu.assume_multiple %parallel_loop3A_408, 16 : i32
      %parallel_loop3A_469 = arith.constant 4 : i32
      %parallel_loop3A_470 = arith.index_cast %parallel_loop3A_404 : i32 to index
      %parallel_loop3A_471 = arith.index_cast %parallel_loop3A_469 : i32 to index
      %parallel_loop3A_472 = arith.index_cast %parallel_loop3A_468 : i32 to index
      %parallel_loop3A_473 = tpu.vector_load %arg7[%parallel_loop3A_470, %parallel_loop3A_471, %parallel_loop3A_472] {strides = array<i32>} : memref<16x8x128xf32, #tpu.memory_space<vmem>>, vector<16xf32>,
      tpu.vector_store %arg7[%parallel_loop3A_470, %parallel_loop3A_471, %parallel_loop3A_472], %parallel_loop3A_467 {strides = array<i32>} : memref<16x8x128xf32, #tpu.memory_space<vmem>>, vector<16xf32>,
      %parallel_loop3A_474 = arith.constant 20 : i32
      %parallel_loop3A_475 = vector.broadcast %parallel_loop3A_474 : i32 to vector<16xi32>
      %parallel_loop3A_476 = arith.addi %parallel_loop3A_402, %parallel_loop3A_475 : vector<16xi32>
      %parallel_loop3A_477 = arith.constant 4159 : i32
      %parallel_loop3A_478 = vector.broadcast %parallel_loop3A_477 : i32 to vector<16xi32>
      %parallel_loop3A_479 = arith.minsi %parallel_loop3A_476, %parallel_loop3A_478 : vector<16xi32>
      %parallel_loop3A_480 = tpu.vector_load_idx %arg5[%parallel_loop3A_479] : memref<4160xf32, #tpu.memory_space<vmem>>[vector<16xi32>], vector<16xf32>,
      %parallel_loop3A_481 = tpu.assume_multiple %parallel_loop3A_408, 16 : i32
      %parallel_loop3A_482 = arith.constant 5 : i32
      %parallel_loop3A_483 = arith.index_cast %parallel_loop3A_404 : i32 to index
      %parallel_loop3A_484 = arith.index_cast %parallel_loop3A_482 : i32 to index
      %parallel_loop3A_485 = arith.index_cast %parallel_loop3A_481 : i32 to index
      %parallel_loop3A_486 = tpu.vector_load %arg7[%parallel_loop3A_483, %parallel_loop3A_484, %parallel_loop3A_485] {strides = array<i32>} : memref<16x8x128xf32, #tpu.memory_space<vmem>>, vector<16xf32>,
      tpu.vector_store %arg7[%parallel_loop3A_483, %parallel_loop3A_484, %parallel_loop3A_485], %parallel_loop3A_480 {strides = array<i32>} : memref<16x8x128xf32, #tpu.memory_space<vmem>>, vector<16xf32>,
      %parallel_loop3A_487 = arith.constant 24 : i32
      %parallel_loop3A_488 = vector.broadcast %parallel_loop3A_487 : i32 to vector<16xi32>
      %parallel_loop3A_489 = arith.addi %parallel_loop3A_402, %parallel_loop3A_488 : vector<16xi32>
      %parallel_loop3A_490 = arith.constant 4159 : i32
      %parallel_loop3A_491 = vector.broadcast %parallel_loop3A_490 : i32 to vector<16xi32>
      %parallel_loop3A_492 = arith.minsi %parallel_loop3A_489, %parallel_loop3A_491 : vector<16xi32>
      %parallel_loop3A_493 = tpu.vector_load_idx %arg5[%parallel_loop3A_492] : memref<4160xf32, #tpu.memory_space<vmem>>[vector<16xi32>], vector<16xf32>,
      %parallel_loop3A_494 = tpu.assume_multiple %parallel_loop3A_408, 16 : i32
      %parallel_loop3A_495 = arith.constant 6 : i32
      %parallel_loop3A_496 = arith.index_cast %parallel_loop3A_404 : i32 to index
      %parallel_loop3A_497 = arith.index_cast %parallel_loop3A_495 : i32 to index
      %parallel_loop3A_498 = arith.index_cast %parallel_loop3A_494 : i32 to index
      %parallel_loop3A_499 = tpu.vector_load %arg7[%parallel_loop3A_496, %parallel_loop3A_497, %parallel_loop3A_498] {strides = array<i32>} : memref<16x8x128xf32, #tpu.memory_space<vmem>>, vector<16xf32>,
      tpu.vector_store %arg7[%parallel_loop3A_496, %parallel_loop3A_497, %parallel_loop3A_498], %parallel_loop3A_493 {strides = array<i32>} : memref<16x8x128xf32, #tpu.memory_space<vmem>>, vector<16xf32>,
      %parallel_loop3A_500 = arith.constant 28 : i32
      %parallel_loop3A_501 = vector.broadcast %parallel_loop3A_500 : i32 to vector<16xi32>
      %parallel_loop3A_502 = arith.addi %parallel_loop3A_402, %parallel_loop3A_501 : vector<16xi32>
      %parallel_loop3A_503 = arith.constant 4159 : i32
      %parallel_loop3A_504 = vector.broadcast %parallel_loop3A_503 : i32 to vector<16xi32>
      %parallel_loop3A_505 = arith.minsi %parallel_loop3A_502, %parallel_loop3A_504 : vector<16xi32>
      %parallel_loop3A_506 = tpu.vector_load_idx %arg5[%parallel_loop3A_505] : memref<4160xf32, #tpu.memory_space<vmem>>[vector<16xi32>], vector<16xf32>,
      %parallel_loop3A_507 = tpu.assume_multiple %parallel_loop3A_408, 16 : i32
      %parallel_loop3A_508 = arith.constant 7 : i32
      %parallel_loop3A_509 = arith.index_cast %parallel_loop3A_404 : i32 to index
      %parallel_loop3A_510 = arith.index_cast %parallel_loop3A_508 : i32 to index
      %parallel_loop3A_511 = arith.index_cast %parallel_loop3A_507 : i32 to index
      %parallel_loop3A_512 = tpu.vector_load %arg7[%parallel_loop3A_509, %parallel_loop3A_510, %parallel_loop3A_511] {strides = array<i32>} : memref<16x8x128xf32, #tpu.memory_space<vmem>>, vector<16xf32>,
      tpu.vector_store %arg7[%parallel_loop3A_509, %parallel_loop3A_510, %parallel_loop3A_511], %parallel_loop3A_506 {strides = array<i32>} : memref<16x8x128xf32, #tpu.memory_space<vmem>>, vector<16xf32>,
      %parallel_loop3A_513 = arith.constant 32 : i32
      %parallel_loop3A_514 = vector.broadcast %parallel_loop3A_513 : i32 to vector<16xi32>
      %parallel_loop3A_515 = arith.addi %parallel_loop3A_402, %parallel_loop3A_514 : vector<16xi32>
      scf.yield %parallel_loop3A_515 : vector<16xi32>
    } {sc.loop_unroll_factor = 1 : i64, sc.parallel_access}
    %dma_start3A_383 = arith.constant 0 : i32
    %dma_start3A_384 = arith.constant 0 : i32
    %dma_start3A_385 = tpu.memref_slice %arg3[%min3A_365, %dma_start3A_383, %dma_start3A_384] : memref<3907x8x128xf32, #tpu.memory_space<hbm>> -> memref<16x8x128xf32, #tpu.memory_space<hbm>>
    %dma_start3A_386 = arith.constant 0 : i32
    %dma_start3A_387 = arith.constant 0 : i32
    %dma_start3A_388 = tpu.memref_slice %arg3[%min3A_365, %dma_start3A_386, %dma_start3A_387] : memref<3907x8x128xf32, #tpu.memory_space<hbm>> -> memref<16x8x128xf32, #tpu.memory_space<hbm>>
    tpu.enqueue_dma source(%arg7 : memref<16x8x128xf32, #tpu.memory_space<vmem>>) target(%dma_start3A_388 : memref<16x8x128xf32, #tpu.memory_space<hbm>>) target_semaphore(%arg11 : memref<!tpu.dma_semaphore, #tpu.memory_space<semaphore_mem>>)
    %dma_wait3A_389 = arith.constant 0 : i32
    %dma_wait3A_390 = arith.constant 0 : i32
    %dma_wait3A_391 = tpu.memref_slice %arg3[%min3A_333, %dma_wait3A_389, %dma_wait3A_390] : memref<3907x8x128xf32, #tpu.memory_space<hbm>> -> memref<16x8x128xf32, #tpu.memory_space<hbm>>
    %dma_wait3A_392 = arith.constant 0 : i32
    %dma_wait3A_393 = arith.constant 0 : i32
    %dma_wait3A_394 = tpu.memref_slice %arg3[%min3A_333, %dma_wait3A_392, %dma_wait3A_393] : memref<3907x8x128xf32, #tpu.memory_space<hbm>> -> memref<16x8x128xf32, #tpu.memory_space<hbm>>
    tpu.wait_dma2 semaphore(%arg10 : memref<!tpu.dma_semaphore, #tpu.memory_space<semaphore_mem>>) src(%arg6 : memref<16x8x128xf32, #tpu.memory_space<vmem>>) dst(%dma_wait3A_394 : memref<16x8x128xf32, #tpu.memory_space<hbm>>)
    %dma_wait3A_395 = arith.constant 0 : i32
    %dma_wait3A_396 = arith.constant 0 : i32
    %dma_wait3A_397 = tpu.memref_slice %arg3[%min3A_365, %dma_wait3A_395, %dma_wait3A_396] : memref<3907x8x128xf32, #tpu.memory_space<hbm>> -> memref<16x8x128xf32, #tpu.memory_space<hbm>>
    %dma_wait3A_398 = arith.constant 0 : i32
    %dma_wait3A_399 = arith.constant 0 : i32
    %dma_wait3A_400 = tpu.memref_slice %arg3[%min3A_365, %dma_wait3A_398, %dma_wait3A_399] : memref<3907x8x128xf32, #tpu.memory_space<hbm>> -> memref<16x8x128xf32, #tpu.memory_space<hbm>>
    tpu.wait_dma2 semaphore(%arg11 : memref<!tpu.dma_semaphore, #tpu.memory_space<semaphore_mem>>) src(%arg7 : memref<16x8x128xf32, #tpu.memory_space<vmem>>) dst(%dma_wait3A_400 : memref<16x8x128xf32, #tpu.memory_space<hbm>>)
    return
  }
}

</mosaic_0001>

<sc_bundles>
// kernel: kernel.3.cloned.1.call-start
scs
__scs_entry_jumppad:
0x0: {  	(pc) =	sbr.rel $0x88, $3  }
0x1: {  	(tag) =	ssettag $0x0;
	lr =	simm.s32 $0x1  }
0x2: {  	[smem:$0x3FA0] =	sst lr;
	_ =	strace $0xD0000000  }
0x3: {  	_ = 	snop  }
0x4: {  	_ = 	snop  }
0x5: {  	_ = 	snop  }
0x6: {  	_ = 	snop  }
0x7: {  	_ = 	snop  }
__scs_overlays_trampoline_lowered:
0x8: {  	[smem:$0x3FAF] =	sst s0  }
0x9: {  	[smem:$0x3FB0] =	sst s1  }
0xa: {  	[smem:$0x3FB1] =	sst s2  }
0xb: {  	[smem:$0x3FB2] =	sst s3  }
0xc: {  	[smem:$0x3FB3] =	sst s4  }
0xd: {  	[smem:$0x3FB4] =	sst s5  }
0xe: {  	[smem:$0x3FB5] =	sst s6  }
0xf: {  	[smem:$0x3FB6] =	sst s7  }
0x10: {  	[smem:$0x3FB7] =	sst s8  }
0x11: {  	[smem:$0x3FB8] =	sst s9;
	s0 =	simm.s32 @!p0 $0x0  }
0x12: {  	s1 =	sld [smem:$0x3F9E];
	s0 =	simm.s32 @p0 $0x1  }
0x13: {  	[smem:$0x3FB9] =	sst s0;
	s0 =	simm.s32 @!p1 $0x0  }
0x14: {  	s2 =	sld [smem:$0x3F9D];
	s0 =	simm.s32 @p1 $0x1  }
0x15: {  	[smem:$0x3FBA] =	sst s0;
	s0 =	simm.s32 @!p2 $0x0  }
0x16: {  	s3 =	sld [smem:$0x3FDB];
	s0 =	simm.s32 @p2 $0x1  }
0x17: {  	s4 =	simm.s32 $0x1BF5;
	[smem:$0x3FBC] =	sst s0  }
0x18: {  	s0 =	sld [smem:$0x3F9F];
	_ =	swait.ge [sflag:s4], $0x0  }
0x19: {  	s7 =	sld [smem:$0x3FA0]  }
0x1a: {  	s8 =	sadd.s32 $0xFFFFE003, lr  }
0x1b: {  	s9 =	sadd.s32 $0xFFFFFEF7, lr;
	s5 =	simm.s32 $0xFFFFFFFF;
	p2 =	slt.u32 s8, $0xFFFFF086  }
0x1c: {  	p1 =	slt.u32 s9, $0xF7A;
	s5 =	simm.s32 @!p2 $0x0  }
0x1d: {  	s5 =	simm.s32 @p1 $0x1;
	p0 =	seq.s32 s7, s2  }
0x1e: {  	s7 =	smul.u32 @!p0 $0xF7A, s2;
	p2 =	seq.s32 @!p0 s5, $0x0  }
0x1f: {  	s9 =	smul.u32 $0xF7A, s1;
	s8 =	simm.s32 @!p0 $0x1BF5;
	p2 =	por !p2, p0  }
0x20: {  	[sflag:s8] =	ssyncset.s32 @!p0 $0xFFFFF086;
	s6 =	sadd.s32 @!p0 s3, s7;
	s7 =	simm.s32 @!p0 $0x108  }
0x21: {  	s3 =	sadd.s32 s3, s9;
	s6 =	sadd.s32 @!p0 $0x88, s6;
	s7 =	simm.s32 @p2 $0x1082  }
0x22: {  	[simem:s7], [sflag:s8] =	dma.local @!p0 [hbm:s6], $0xF7A  }
0x23: {  	s9 =	sor.u32 $0xD0000000, s2;
	s6 =	simm.s32 $0x108;
	_ =	swait.ge @!p0 [sflag:s8], $0x0  }
0x24: {  	s3 =	sadd.s32 $0x88, s3;
	s6 =	simm.s32 @!p1 $0x1082;
	[sflag:s4] =	ssyncset.s32 $0xFFFFF086  }
0x25: {  	[simem:s6], [sflag:s4] =	dma.local [hbm:s3], $0xF7A  }
0x26: {  	[smem:$0x3FA0] =	sst s1;
	(tag) =	ssettag s2;
	_ =	strace s9  }
0x27: {  	s1 =	sld [smem:$0x3FB0]  }
0x28: {  	s2 =	sld [smem:$0x3FB1]  }
0x29: {  	s4 =	sld [smem:$0x3FB3]  }
0x2a: {  	p0 =	seq.s32 s5, $0x0;
	s5 =	sld [smem:$0x3FB4]  }
0x2b: {  	s6 =	sld [smem:$0x3FB5]  }
0x2c: {  	s7 =	sld [smem:$0x3FB6]  }
0x2d: {  	s3 =	simm.s32 $0x108;
	s8 =	sld [smem:$0x3FB7]  }
0x2e: {  	s3 =	simm.s32 @!p0 $0x1082;
	s9 =	sld [smem:$0x3FB8]  }
0x2f: {  	lr =	sadd.s32 s0, s3;
	s0 =	sld [smem:$0x3FAF]  }
0x30: {  	s3 =	sld [smem:$0x3FB2]  }
0x31: {  	[smem:$0x3FBB] =	sst s10  }
0x32: {  	s10 =	sld [smem:$0x3FB9];
	_ =	sdelay $0x3  }
0x33: {  	p0 =	seq.s32 s10, $0x1;
	s10 =	sld [smem:$0x3FBB];
	_ =	sdelay $0x3  }
0x34: {  	[smem:$0x3FBB] =	sst s10  }
0x35: {  	s10 =	sld [smem:$0x3FBA];
	_ =	sdelay $0x3  }
0x36: {  	p1 =	seq.s32 s10, $0x1;
	s10 =	sld [smem:$0x3FBB];
	_ =	sdelay $0x3  }
0x37: {  	[smem:$0x3FBB] =	sst s10  }
0x38: {  	s10 =	sld [smem:$0x3FBC]  }
0x39: {  	_ = 	snop;
	(pc) =	sbr.ind lr, $3  }
0x3a: {  	_ = 	snop  }
0x3b: {  	_ = 	snop  }
0x3c: {  	p2 =	seq.s32 s10, $0x1;
	s10 =	sld [smem:$0x3FBB]  }
0x3d: {  	_ =	shalt  }
0x3e: {  	_ =	shalt  }
0x3f: {  	_ =	shalt  }
0x40: {  	_ =	shalt  }
0x41: {  	_ =	shalt  }
0x42: {  	_ =	shalt  }
0x43: {  	_ =	shalt  }
0x44: {  	_ =	shalt  }
0x45: {  	_ =	shalt  }
0x46: {  	_ =	shalt  }
0x47: {  	_ =	shalt  }
0x48: {  	_ =	shalt  }
0x49: {  	_ =	shalt  }
0x4a: {  	_ =	shalt  }
0x4b: {  	_ =	shalt  }
0x4c: {  	_ =	shalt  }
0x4d: {  	_ =	shalt  }
0x4e: {  	_ =	shalt  }
0x4f: {  	_ =	shalt  }
0x50: {  	_ =	shalt  }
0x51: {  	_ =	shalt  }
0x52: {  	_ =	shalt  }
0x53: {  	_ =	shalt  }
0x54: {  	_ =	shalt  }
0x55: {  	_ =	shalt  }
0x56: {  	_ =	shalt  }
0x57: {  	_ =	shalt  }
0x58: {  	_ =	shalt  }
0x59: {  	_ =	shalt  }
0x5a: {  	_ =	shalt  }
0x5b: {  	_ =	shalt  }
0x5c: {  	_ =	shalt  }
0x5d: {  	_ =	shalt  }
0x5e: {  	_ =	shalt  }
0x5f: {  	_ =	shalt  }
0x60: {  	_ =	shalt  }
0x61: {  	_ =	shalt  }
0x62: {  	_ =	shalt  }
0x63: {  	_ =	shalt  }
0x64: {  	_ =	shalt  }
0x65: {  	_ =	shalt  }
0x66: {  	_ =	shalt  }
0x67: {  	_ =	shalt  }
0x68: {  	_ =	shalt  }
0x69: {  	_ =	shalt  }
0x6a: {  	_ =	shalt  }
0x6b: {  	_ =	shalt  }
0x6c: {  	_ =	shalt  }
0x6d: {  	_ =	shalt  }
0x6e: {  	_ =	shalt  }
0x6f: {  	_ =	shalt  }
0x70: {  	_ =	shalt  }
0x71: {  	_ =	shalt  }
0x72: {  	_ =	shalt  }
0x73: {  	_ =	shalt  }
0x74: {  	_ =	shalt  }
0x75: {  	_ =	shalt  }
0x76: {  	_ =	shalt  }
0x77: {  	_ =	shalt  }
0x78: {  	_ =	shalt  }
0x79: {  	_ =	shalt  }
0x7a: {  	_ =	shalt  }
0x7b: {  	_ =	shalt  }
0x7c: {  	_ =	shalt  }
0x7d: {  	_ =	shalt  }
0x7e: {  	_ =	shalt  }
0x7f: {  	_ =	shalt  }
0x80: {  	_ =	shalt  }
0x81: {  	_ =	shalt  }
0x82: {  	_ =	shalt  }
0x83: {  	_ =	shalt  }
0x84: {  	_ =	shalt  }
0x85: {  	_ =	shalt  }
0x86: {  	_ =	shalt  }
0x87: {  	_ =	shalt  }
.Lfunc_end0:
.L_simem_size_0:
called_computation_lowered:
.L_overlay_start_0:
0x88: {  	s2 =	sld [smem:$0x3FD9]  }
0x89: {  	s3 =	sld [smem:$0x3FFE];
	_ =	sdelay $0x1  }
0x8a: {  	s1 =	srdreg.scid  }
0x8b: {  	s0 =	sand.u32 $0x1, s1  }
0x8c: {  	s18 =	sshll.u32 s0, $0xA;
	s2 =	sadd.s32 s3, s2  }
0x8d: {  	s2 =	sadd.s32 s2, s18  }
0x8e: {  	[smem:$0x3FC7] =	sst s2  }
0x8f: {  	_ = 	snop  }
0x90: {  	s2 =	sld [smem:$0x3FC9]  }
0x91: {  	s19 =	sld [smem:$0x3FD0];
	(tm) =	ssettm $0x1  }
0x92: {  	s4 =	sld [smem:$0x3FFB];
	_ =	sdelay $0x3  }
0x93: {  	_ =	strace s4  }
0x94: {  	s4 =	sld [smem:$0x3FFC];
	_ =	sdelay $0x3  }
0x95: {  	_ =	strace s4  }
0x96: {  	s4 =	sld [smem:$0x3FFD];
	_ =	sdelay $0x3  }
0x97: {  	_ =	strace s4  }
0x98: {  	_ =	strace $0x8FFFFFFF  }
0x99: {  	s20 =	sld [smem:$0x3FDB];
	_ =	sdelay $0x1  }
0x9a: {  	s5 =	simm.s32 $_scs_section_size  }
0x9b: {  	s6 =	simm.s32 $_size__tile_overlayer_lowered;
	s7 =	simm.s32 $_tile_overlayer_lowered  }
0x9c: {  	s23 =	simm.s32 $0x1BFF;
	s22 =	sshll.u32 s7, $0x1;
	s4 =	sadd.s32 s5, s20  }
0x9d: {  	s8 =	simm.s32 $0x0;
	s21 =	sshll.u32 s6, $0x1;
	s6 =	sadd.s32 s22, s4  }
0x9e: {  	[timem:s8], [sflag:s23] =	dma.local [hbm:s6], s21  }
0x9f: {  	_ =	swait.ge [sflag:s23], s21  }
0xa0: {  	s5 =	ssub.s32 $0x0, s21;
	[sflag:s23] =	ssyncset.done $0x0  }
0xa1: {  	[sflag:s23] =	ssyncadd.s32 s5;
	_ =	sdelay $0x1  }
0xa2: {  	s24 =	simm.s32 $0x1B8B  }
0xa3: {  	_ =	swait.ge [sflag:s24], $0x1  }
0xa4: {  	[sflag:s24] =	ssyncset.done $0x0  }
0xa5: {  	s25 =	simm.s32 $0x1B8E;
	[sflag:s24] =	ssyncadd.s32 $0xFFFFFFFF  }
0xa6: {  	s26 =	simm.s32 $execute0_lowered;
	[smem:$0x3FD2] =	sst s25  }
0xa7: {  	s5 =	sshll.u32 s26, $0x1;
	_ =	strace $0x80000046;
	[dreg:$0x1] =	wrdreg $0xFFFFFFFF  }
0xa8: {  	s28 =	simm.s32 $_size_execute0_lowered;
	s4 =	sadd.s32 s4, s5;
	[dreg:$0x0] =	wrdreg $0x0  }
0xa9: {  	s5 =	sshll.u32 s28, $0x1;
	[dreg:$0x2] =	wrdreg s4  }
0xaa: {  	[dreg:$0x3] =	wrdreg s5  }
0xab: {  	[dreg:$0x4] =	wrdreg $0xC0  }
0xac: {  	_ =	task [dreg:s8], $0x5FFFF  }
0xad: {  	[dreg:$0x1] =	wrdreg $0xFFFFFFFF  }
0xae: {  	[dreg:$0x0] =	wrdreg $0x60  }
0xaf: {  	[dreg:$0x2] =	wrdreg s2  }
0xb0: {  	[dreg:$0x3] =	wrdreg s19  }
0xb1: {  	[dreg:$0x4] =	wrdreg $0x9  }
0xb2: {  	_ =	task.clear_ibuf [dreg:s8], $0x5FFFF;
	_ =	strace $0x90000046  }
0xb3: {  	s29 =	simm.s32 $0x9;
	_ =	strace $0x80000048  }
0xb4: {  	_ =	swait.ge [sflag:s29], $0x1  }
0xb5: {  	[sflag:s29] =	ssyncadd.s32 $0xFFFFFFFF  }
0xb6: {  	_ =	strace $0x90000048  }
0xb7: {  	_ =	sfence  }
0xb8: {  	s30 =	sld [smem:$0x0];
	_ =	sdelay $0x2  }
0xb9: {  	s31 =	sshll.u32 s1, $0xD;
	s1 =	sshrl.u32 s1, $0x2  }
0xba: {  	s3 =	sand.u32 $0x4000, s31;
	s1 =	sadd.s32 s1, s30  }
0xbb: {  	s0 =	sor.u32 s3, s0;
	s1 =	sshll.u32 s1, $0x11  }
0xbc: {  	s0 =	sor.u32 s1, s0  }
0xbd: {  	s0 =	sadd.s32 $0x8F2B, s0  }
0xbe: {  	[sflag:s0] =	ssyncadd.remote.s32 $0x1  }
0xbf: {  	_ =	sfence.sel $0xFFFF  }
0xc0: {  	[dreg:$0x0] =	wrdreg $0xFFFFFFFF;
	(pc) =	sbr.abs _section_cstart, $3  }
0xc1: {  	[dreg:$0x1] =	wrdreg $0xFFFFFFFF  }
0xc2: {  	_ =	task.clear_ibuf [dreg:s8], $0x2FFFF;
	_ =	strace $0x9FFFFFFF  }
0xc3: {  	(tm) =	ssettm $0x7FFFFFFF  }
tec
execute0_lowered:
.L_overlay_start_1:
0x0: {  	(tag) =	ssettag $0x1  }
0x1: {  	s1 =	srdreg.scid;
	s2 =	stileid.u32  }
0x2: {  	s1 =	sand.u32 $0x1, s1;
	s2 =	sshll.u32 s2, $0x1  }
0x3: {  	s0 =	rddreg [dreg:$0x0];
	s4 =	sor.u32 s1, s2  }
0x4: {  	s3 =	rddreg [dreg:$0x1];
	s4 =	smul.u32 $0x7B, s4  }
0x5: {  	s28 =	simm.s32 $0x0;
	s2 =	simm.s32 $0x0;
	s1 =	ssub.s32 $0x2, s1  }
0x6: {  	[smem:$0x7FF] =	sst s2;
	s5 =	sshrl.u32 s1, $0x1;
	s4 =	smin.u32 s4, $0xEC8  }
0x7: {  	_ =	strace $0x80000047;
	s1 =	ssub.s32 s1, s5;
	s31 =	sadd.s32 $0x6B, s4  }
0x8: {  	s6 =	sshll.u32 s4, $0x5;
	s7 =	sadd.s32 $0x10, s4;
	s8 =	sshll.u32 s4, $0x7  }
0x9: {  	s12 =	sadd.s32 $0x20, s4;
	s9 =	sadd.s32 $0x30, s4;
	s15 =	sadd.s32 $0x40, s4  }
0xa: {  	s17 =	sadd.s32 $0x50, s4;
	s4 =	sadd.s32 $0x60, s4;
	s6 =	sadd.s32 s0, s6  }
0xb: {  	s10 =	sshll.u32 s7, $0x5;
	s11 =	sadd.s32 s3, s8;
	s13 =	sshll.u32 s12, $0x5  }
0xc: {  	s7 =	sshll.u32 s7, $0x7;
	s14 =	sshll.u32 s9, $0x5;
	s16 =	sshll.u32 s15, $0x5  }
0xd: {  	s18 =	sshll.u32 s9, $0x7;
	s19 =	sshll.u32 s17, $0x5;
	s21 =	sshll.u32 s15, $0x7  }
0xe: {  	s22 =	sshll.u32 s31, $0x8;
	s23 =	sshll.u32 s4, $0x5;
	[dreg:$0x3] =	wrdreg s6  }
0xf: {  	s29 =	sshll.u32 s4, $0x7;
	s6 =	sadd.s32 s0, s10;
	[dreg:$0x5] =	wrdreg s11  }
0x10: {  	s30 =	sshll.u32 s31, $0x7;
	s8 =	sadd.s32 s0, s13;
	[dreg:$0x4] =	wrdreg s6  }
0x11: {  	s7 =	sadd.s32 s3, s7;
	s20 =	sadd.s32 s0, s19;
	[dreg:$0x6] =	wrdreg s8  }
0x12: {  	s24 =	smin.u32 s22, $0xF3200;
	s19 =	smax.u32 s1, $0x1;
	[dreg:$0x7] =	wrdreg s7  }
0x13: {  	s7 =	sadd.s32 s0, s14;
	s6 =	sshll.u32 s12, $0x7;
	[dreg:$0xc] =	wrdreg s20  }
0x14: {  	s8 =	sshll.u32 s17, $0x7;
	s26 =	sshrl.u32 s24, $0x3;
	s17 =	sadd.s32 s3, s29  }
0x15: {  	s31 =	ssub.s32 s22, s24;
	[dreg:$0x8] =	wrdreg s7;
	s6 =	sadd.s32 s3, s6  }
0x16: {  	s20 =	simm.s32 $0x1040;
	s7 =	sadd.s32 s0, s23;
	[dreg:$0x9] =	wrdreg s6  }
0x17: {  	s22 =	simm.s32 $0x2080;
	s25 =	sadd.s32 s3, s8;
	[dreg:$0xe] =	wrdreg s7  }
0x18: {  	s24 =	simm.s32 $0x6080;
	s6 =	sadd.s32 s0, s16;
	[dreg:$0xf] =	wrdreg s25  }
0x19: {  	v0 =	vlaneseq.u32;
	s23 =	simm.s32 $0x2;
	s0 =	sadd.s32 s0, s26;
	[dreg:$0xa] =	wrdreg s6  }
0x1a: {  	v0 =	vmul.u32 $0x2, v0;
	s25 =	simm.s32 $0x3;
	s6 =	sadd.s32 s3, s18;
	[dreg:$0x10] =	wrdreg s0  }
0x1b: {  	s26 =	simm.s32 $0x4;
	[dreg:$0xb] =	wrdreg s6;
	s6 =	sadd.s32 s3, s21  }
0x1c: {  	v1 =	vor.u32 s31, v0;
	s18 =	sadd.s32 s3, s30;
	s21 =	simm.s32 $0x1;
	[dreg:$0xd] =	wrdreg s6  }
.LBB2_1:
0x1d: {  	s0 =	rddreg [dreg:$0x3]  }
0x1e: {  	vm0 =	vlt.s32 v0, $0x103F;
	[tilespmem:s2], [sflag:$0x1] =	stream.linear.gather [hbm4b:s0+s2], $0x1040, $0x38;
	[tilespmem:$0xA080] =	vst v63  }
0x1f: {  	s9 =	rddreg [dreg:$0x4];
	v8 =	vnsel vm0, $0x103F, v0  }
0x20: {  	[tilespmem:s20], [sflag:$0x2] =	stream.linear.gather [hbm4b:s9+s2], $0x1040, $0x38;
	[tilespmem:$0xA080] =	vst v63  }
0x21: {  	v7 =	vadd.s32 $0x20, v0;
	_ =	swait.ge [sflag:s21], $0x1040  }
0x22: {  	vm1 =	vlt.s32 v7, $0x103F;
	[sflag:s21] =	ssyncset.done $0x0  }
0x23: {  	v2 =	vadd.s32 $0x4, v0;
	v10 =	vnsel vm1, $0x103F, v7;
	[sflag:s21] =	ssyncadd.s32 $0xFFFFEFC0  }
0x24: {  	vm0 =	vlt.s32 v2, $0x103F;
	v3 =	vld.idx.msk [tilespmem:v8+s2+$0x0], $0xffff  }
0x25: {  	v9 =	vnsel vm0, $0x103F, v2;
	_ =	sdelay $0x1  }
0x26: {  	s10 =	sand.u32 $0x70, s2;
	s1 =	sand.u32 $0x3C00, s2;
	v5 =	vadd.s32 $0x4, v7  }
0x27: {  	s7 =	sor.u32 s10, s1;
	vm1 =	vlt.s32 v5, $0x103F;
	v6 =	vld.idx.msk [tilespmem:v10+s2+$0x0], $0xffff  }
0x28: {  	v12 =	vnsel vm1, $0x103F, v5;
	[tilespmem:s7+$0x2080] =	vst v3;
	v3 =	vadd.s32 $0x8, v0  }
0x29: {  	s11 =	simm.s32 $0x10;
	s1 =	simm.s32 $0x80;
	v2 =	vadd.s32 $0x20, v7;
	v4 =	vld.idx.msk [tilespmem:v9+s2+$0x0], $0xffff;
	vm0 =	vlt.s32 v3, $0x103F  }
0x2a: {  	s0 =	sand.u32 $0x70, s11;
	s3 =	sand.u32 $0x3C00, s1;
	v11 =	vnsel vm0, $0x103F, v3;
	vm0 =	vlt.s32 v2, $0x103F  }
0x2b: {  	s5 =	sor.u32 s0, s3;
	v3 =	vadd.s32 $0xC, v0;
	v13 =	vnsel vm0, $0x103F, v2  }
0x2c: {  	v5 =	vadd.s32 $0x8, v7;
	[tilespmem:s5+$0x2080] =	vst v6;
	vm0 =	vlt.s32 v3, $0x103F  }
0x2d: {  	vm1 =	vlt.s32 v5, $0x103F;
	v6 =	vld.idx.msk [tilespmem:v12+s2+$0x0], $0xffff;
	v14 =	vnsel vm0, $0x103F, v3;
	v3 =	vadd.s32 $0x20, v2  }
0x2e: {  	v15 =	vnsel vm1, $0x103F, v5;
	vm1 =	vlt.s32 v3, $0x103F;
	[tilespmem:s7+$0x2100] =	vst v4  }
0x2f: {  	v16 =	vadd.s32 $0x4, v2;
	v17 =	vnsel vm1, $0x103F, v3;
	v4 =	vld.idx.msk [tilespmem:v11+s2+$0x0], $0xffff  }
0x30: {  	vm0 =	vlt.s32 v16, $0x103F;
	v18 =	vld.idx.msk [tilespmem:v13+s2+$0x0], $0xffff  }
0x31: {  	v16 =	vnsel vm0, $0x103F, v16  }
0x32: {  	s12 =	simm.s32 $0x20;
	s29 =	simm.s32 $0x100;
	[tilespmem:s5+$0x2100] =	vst v6;
	v6 =	vadd.s32 $0xC, v7  }
0x33: {  	s13 =	sand.u32 $0x3C00, s29;
	s0 =	sand.u32 $0x70, s12;
	v21 =	vadd.s32 $0x4, v3;
	v23 =	vld.idx.msk [tilespmem:v15+s2+$0x0], $0xffff;
	vm1 =	vlt.s32 v6, $0x103F  }
0x34: {  	s30 =	sor.u32 s0, s13;
	v19 =	vnsel vm1, $0x103F, v6;
	vm1 =	vlt.s32 v21, $0x103F;
	v6 =	vld.idx.msk [tilespmem:v17+s2+$0x0], $0xffff;
	[tilespmem:s7+$0x2180] =	vst v4;
	v4 =	vadd.s32 $0x10, v0  }
0x35: {  	v20 =	vadd.s32 $0x8, v2;
	v21 =	vnsel vm1, $0x103F, v21;
	v5 =	vld.idx.msk [tilespmem:v14+s2+$0x0], $0xffff;
	vm0 =	vlt.s32 v4, $0x103F;
	[tilespmem:s30+$0x2080] =	vst v18  }
0x36: {  	s14 =	simm.s32 $0x30;
	s31 =	simm.s32 $0x180;
	v18 =	vnsel vm0, $0x103F, v4;
	v24 =	vld.idx.msk [tilespmem:v16+s2+$0x0], $0xffff;
	vm0 =	vlt.s32 v20, $0x103F  }
0x37: {  	s15 =	sand.u32 $0x3C00, s31;
	s0 =	sand.u32 $0x70, s14;
	v4 =	vadd.s32 $0x20, v3;
	v20 =	vnsel vm0, $0x103F, v20  }
0x38: {  	s0 =	sor.u32 s0, s15;
	[tilespmem:s5+$0x2180] =	vst v23;
	vm0 =	vlt.s32 v4, $0x103F  }
0x39: {  	v25 =	vadd.s32 $0x10, v7;
	v29 =	vld.idx.msk [tilespmem:v19+s2+$0x0], $0xffff;
	v22 =	vnsel vm0, $0x103F, v4;
	[tilespmem:s0+$0x2080] =	vst v6  }
0x3a: {  	v61 =	vadd.s32 $0x1C, v0;
	vm1 =	vlt.s32 v25, $0x103F;
	v30 =	vld.idx.msk [tilespmem:v21+s2+$0x0], $0xffff;
	[tilespmem:s7+$0x2200] =	vst v5;
	v5 =	vadd.s32 $0x14, v0  }
0x3b: {  	v26 =	vadd.s32 $0xC, v2;
	v28 =	vld.idx.msk [tilespmem:v18+s2+$0x0], $0xffff;
	vm0 =	vlt.s32 v5, $0x103F;
	[tilespmem:s30+$0x2100] =	vst v24;
	v24 =	vnsel vm1, $0x103F, v25  }
0x3c: {  	v27 =	vadd.s32 $0x8, v3;
	v23 =	vnsel vm0, $0x103F, v5;
	v6 =	vld.idx.msk [tilespmem:v20+s2+$0x0], $0xffff;
	vm0 =	vlt.s32 v26, $0x103F  }
0x3d: {  	v31 =	vadd.s32 $0x4, v4;
	vm1 =	vlt.s32 v27, $0x103F;
	v25 =	vnsel vm0, $0x103F, v26  }
0x3e: {  	[tilespmem:s5+$0x2200] =	vst v29;
	v5 =	vadd.s32 $0x20, v4;
	v32 =	vld.idx.msk [tilespmem:v22+s2+$0x0], $0xffff;
	vm0 =	vlt.s32 v31, $0x103F;
	v26 =	vnsel vm1, $0x103F, v27  }
0x3f: {  	v33 =	vadd.s32 $0x14, v7;
	vm1 =	vlt.s32 v5, $0x103F;
	v27 =	vnsel vm0, $0x103F, v31;
	[tilespmem:s0+$0x2100] =	vst v30  }
0x40: {  	s4 =	simm.s32 $0x40;
	s3 =	simm.s32 $0x200;
	v31 =	vadd.s32 $0x18, v0;
	[tilespmem:s7+$0x2280] =	vst v28;
	v28 =	vnsel vm1, $0x103F, v5;
	v35 =	vld.idx.msk [tilespmem:v24+s2+$0x0], $0xffff;
	vm1 =	vlt.s32 v33, $0x103F  }
0x41: {  	s4 =	sand.u32 $0x70, s4;
	s6 =	sand.u32 $0x3C00, s3;
	vm0 =	vlt.s32 v31, $0x103F;
	v34 =	vld.idx.msk [tilespmem:v23+s2+$0x0], $0xffff;
	[tilespmem:s30+$0x2180] =	vst v6;
	v6 =	vadd.s32 $0x10, v2;
	v30 =	vnsel vm1, $0x103F, v33  }
0x42: {  	s4 =	sor.u32 s4, s6;
	v37 =	vadd.s32 $0xC, v3;
	v29 =	vnsel vm0, $0x103F, v31;
	v36 =	vld.idx.msk [tilespmem:v25+s2+$0x0], $0xffff;
	vm0 =	vlt.s32 v6, $0x103F  }
0x43: {  	v60 =	vadd.s32 $0x8, v4;
	vm1 =	vlt.s32 v37, $0x103F;
	[tilespmem:s4+$0x2080] =	vst v32;
	v38 =	vld.idx.msk [tilespmem:v26+s2+$0x0], $0xffff;
	v31 =	vnsel vm0, $0x103F, v6  }
0x44: {  	v32 =	vnsel vm1, $0x103F, v37;
	v39 =	vld.idx.msk [tilespmem:v27+s2+$0x0], $0xffff;
	vm0 =	vlt.s32 v60, $0x103F;
	v6 =	vadd.s32 $0x20, v5  }
0x45: {  	v40 =	vadd.s32 $0x4, v5;
	v33 =	vnsel vm0, $0x103F, v60;
	vm0 =	vlt.s32 v6, $0x103F;
	v41 =	vld.idx.msk [tilespmem:v28+s2+$0x0], $0xffff;
	[tilespmem:s5+$0x2280] =	vst v35  }
0x46: {  	v62 =	vadd.s32 $0x18, v7;
	vm1 =	vlt.s32 v40, $0x103F;
	v35 =	vnsel vm0, $0x103F, v6;
	[tilespmem:s7+$0x2300] =	vst v34;
	v43 =	vld.idx.msk [tilespmem:v30+s2+$0x0], $0xffff  }
0x47: {  	v63 =	vadd.s32 $0xC, v4;
	v34 =	vnsel vm1, $0x103F, v40;
	vm1 =	vlt.s32 v62, $0x103F;
	v42 =	vld.idx.msk [tilespmem:v29+s2+$0x0], $0xffff;
	[tilespmem:s30+$0x2200] =	vst v36  }
0x48: {  	s16 =	simm.s32 $0x50;
	s8 =	simm.s32 $0x280;
	vm0 =	vlt.s32 v61, $0x103F;
	[tilespmem:s0+$0x2180] =	vst v38;
	v38 =	vadd.s32 $0x14, v2;
	v37 =	vnsel vm1, $0x103F, v62;
	v44 =	vld.idx.msk [tilespmem:v31+s2+$0x0], $0xffff  }
0x49: {  	s9 =	sand.u32 $0x3C00, s8;
	s6 =	sand.u32 $0x70, s16;
	vm2 =	vlt.s32 v63, $0x103F;
	v36 =	vnsel vm0, $0x103F, v61;
	[tilespmem:s4+$0x2100] =	vst v39;
	v52 =	vld.idx.msk [tilespmem:v32+s2+$0x0], $0xffff;
	vm0 =	vlt.s32 v38, $0x103F  }
0x4a: {  	s6 =	sor.u32 s6, s9;
	v45 =	vadd.s32 $0x8, v5;
	v39 =	vadd.s32 $0x10, v3;
	v50 =	vld.idx.msk [tilespmem:v33+s2+$0x0], $0xffff;
	v48 =	vnsel vm0, $0x103F, v38  }
0x4b: {  	v55 =	vadd.s32 $0x1C, v7;
	v53 =	vnsel vm2, $0x103F, v63;
	vm1 =	vlt.s32 v39, $0x103F;
	[tilespmem:s6+$0x2080] =	vst v41;
	v56 =	vld.idx.msk [tilespmem:v35+s2+$0x0], $0xffff  }
0x4c: {  	vm3 =	vlt.s32 v45, $0x103F;
	v40 =	vadd.s32 $0x4, v6;
	v47 =	vnsel vm1, $0x103F, v39;
	v54 =	vld.idx.msk [tilespmem:v34+s2+$0x0], $0xffff;
	[tilespmem:s5+$0x2300] =	vst v43  }
0x4d: {  	s11 =	simm.s32 $0x70;
	s10 =	simm.s32 $0x0;
	v46 =	vmovc v2;
	s14 =	simm.s32 $0x60;
	v57 =	vnsel vm3, $0x103F, v45;
	v45 =	vmovc v3;
	vm2 =	vlt.s32 v40, $0x103F;
	v41 =	vadd.s32 $0x20, v6;
	[tilespmem:s7+$0x2380] =	vst v42;
	v49 =	vld.idx.msk [tilespmem:v37+s2+$0x0], $0xffff  }
0x4e: {  	s13 =	simm.s32 $0x0;
	s9 =	simm.s32 $0x80;
	v58 =	vnsel vm2, $0x103F, v40;
	vm3 =	vlt.s32 v41, $0x103F;
	v43 =	vmovc v5;
	v42 =	vmovc v6;
	s7 =	simm.s32 $0x280;
	v51 =	vld.idx.msk [tilespmem:v36+s2+$0x0], $0xffff;
	[tilespmem:s30+$0x2280] =	vst v44;
	v44 =	vmov v4  }
.LBB2_2:
0x4f: {  	p0 =	sne.s32 s9, $0x7F0;
	v59 =	vnsel vm3, $0x103F, v41;
	s8 =	sadd.s32 $0x80, s8;
	[tilespmem:s0+$0x2200] =	vst v52;
	v60 =	vld.idx.msk [tilespmem:v48+s2+$0x0], $0xffff;
	v48 =	vadd.s32 $0x18, v46  }
0x50: {  	vm3 =	vlt.s32 v55, $0x103F;
	s15 =	sand.u32 $0x7, s10;
	v61 =	vmovc v44;
	v44 =	vmovc v43;
	v43 =	vmov v42;
	v42 =	vmov v41;
	s12 =	smov.u32 s11;
	s11 =	smov.u32 s9  }
0x51: {  	s14 =	sand.u32 $0x70, s14;
	s16 =	sand.u32 $0x3C00, s8;
	[tilespmem:s4+$0x2180] =	vst v50;
	v62 =	vld.idx.msk [tilespmem:v47+s2+$0x0], $0xffff;
	v47 =	vadd.s32 $0x14, v45;
	vm4 =	vlt.s32 v48, $0x103F;
	v55 =	vnsel vm3, $0x103F, v55;
	s15 =	sshll.u32 s15, $0x4  }
0x52: {  	s14 =	sor.u32 s14, s16;
	[tilespmem:s6+$0x2100] =	vst v54;
	v52 =	vld.idx.msk [tilespmem:v53+s2+$0x0], $0xffff;
	v53 =	vadd.s32 $0x10, v61;
	vm3 =	vlt.s32 v47, $0x103F;
	v63 =	vnsel vm4, $0x103F, v48;
	s15 =	sadd.s32 s15, s13;
	s13 =	smov.u32 s1  }
.Ltmp0:
0x53: {  	s1 =	smov.u32 s29;
	[tilespmem:s14+$0x2080] =	vst v56;
	v50 =	vld.idx.msk [tilespmem:v57+s2+$0x0], $0xffff;
	v57 =	vadd.s32 $0xC, v44;
	vm4 =	vlt.s32 v53, $0x103F;
	v48 =	vnsel vm3, $0x103F, v47;
	s15 =	sor.u32 $0x380, s15;
	(pc) =	sbr.rel @p0 .LBB2_2-.Ltmp0, $4  }
0x54: {  	s29 =	smov.u32 s31;
	s31 =	smov.u32 s3;
	s3 =	smov.u32 s7;
	v54 =	vld.idx.msk [tilespmem:v58+s2+$0x0], $0xffff;
	v58 =	vadd.s32 $0x8, v43;
	vm3 =	vlt.s32 v57, $0x103F;
	v47 =	vnsel vm4, $0x103F, v53;
	[tilespmem:s15+$0x2080] =	vst v51  }
0x55: {  	s7 =	smov.u32 s8;
	v56 =	vld.idx.msk [tilespmem:v59+s2+$0x0], $0xffff;
	v59 =	vadd.s32 $0x4, v41;
	vm4 =	vlt.s32 v58, $0x103F;
	v53 =	vnsel vm3, $0x103F, v57;
	[tilespmem:s5+$0x2380] =	vst v49;
	s5 =	smov.u32 s30;
	s30 =	smov.u32 s0  }
0x56: {  	v41 =	vadd.s32 $0x20, v41;
	s0 =	smov.u32 s4;
	s4 =	smov.u32 s6;
	s6 =	smov.u32 s14;
	vm5 =	vlt.s32 v59, $0x103F;
	v57 =	vnsel vm4, $0x103F, v58;
	[tilespmem:s5+$0x2300] =	vst v60;
	v51 =	vld.idx.msk [tilespmem:v55+s2+$0x0], $0xffff  }
0x57: {  	s9 =	sadd.s32 $0x10, s9;
	s10 =	sadd.s32 $0x1, s10;
	s14 =	smov.u32 s12;
	vm3 =	vlt.s32 v41, $0x103F;
	v55 =	vadd.s32 $0x1C, v46;
	v46 =	vmovc v45;
	v45 =	vmovc v61;
	v58 =	vnsel vm5, $0x103F, v59;
	[tilespmem:s30+$0x2280] =	vst v62;
	v49 =	vld.idx.msk [tilespmem:v63+s2+$0x0], $0xffff  }
0x58: {  	v59 =	vnsel vm3, $0x103F, v41;
	_ =	sdelay $0x3  }
0x59: {  	v60 =	vadd.s32 $0x4, v41  }
0x5a: {  	vm3 =	vlt.s32 v60, $0x103F;
	v59 =	vld.idx.msk [tilespmem:v59+s2+$0x0], $0xffff  }
0x5b: {  	s9 =	sadd.s32 $0x80, s8;
	v60 =	vnsel vm3, $0x103F, v60  }
0x5c: {  	s12 =	sand.u32 $0x70, s14;
	s16 =	sand.u32 $0x3C00, s9;
	s8 =	sadd.s32 $0x80, s9  }
0x5d: {  	s11 =	sand.u32 $0x70, s11;
	s12 =	sor.u32 s12, s16;
	s15 =	sand.u32 $0x3C00, s8  }
0x5e: {  	v62 =	vadd.s32 $0x8, v42;
	[tilespmem:s12+$0x2080] =	vst v56;
	s11 =	sor.u32 s11, s15  }
0x5f: {  	vm3 =	vlt.s32 v62, $0x103F;
	v58 =	vld.idx.msk [tilespmem:v58+s2+$0x0], $0xffff;
	[tilespmem:s11+$0x2080] =	vst v59;
	v59 =	vadd.s32 $0x8, v41  }
0x60: {  	v56 =	vnsel vm3, $0x103F, v62;
	v60 =	vld.idx.msk [tilespmem:v60+s2+$0x0], $0xffff;
	vm3 =	vlt.s32 v59, $0x103F  }
0x61: {  	v59 =	vnsel vm3, $0x103F, v59;
	_ =	sdelay $0x1  }
0x62: {  	v63 =	vadd.s32 $0xC, v43;
	[tilespmem:s6+$0x2100] =	vst v54  }
0x63: {  	v57 =	vld.idx.msk [tilespmem:v57+s2+$0x0], $0xffff;
	[tilespmem:s12+$0x2100] =	vst v58;
	v58 =	vadd.s32 $0xC, v42;
	vm3 =	vlt.s32 v63, $0x103F  }
0x64: {  	v56 =	vld.idx.msk [tilespmem:v56+s2+$0x0], $0xffff;
	v54 =	vnsel vm3, $0x103F, v63;
	vm3 =	vlt.s32 v58, $0x103F;
	[tilespmem:s11+$0x2100] =	vst v60;
	v60 =	vadd.s32 $0xC, v41  }
0x65: {  	v58 =	vnsel vm3, $0x103F, v58;
	v59 =	vld.idx.msk [tilespmem:v59+s2+$0x0], $0xffff;
	vm3 =	vlt.s32 v60, $0x103F  }
0x66: {  	[tilespmem:s0+$0x2200] =	vst v52;
	v52 =	vnsel vm3, $0x103F, v60  }
0x67: {  	[tilespmem:s4+$0x2180] =	vst v50;
	s16 =	sand.u32 $0x7, s10;
	v60 =	vadd.s32 $0x10, v44  }
0x68: {  	v61 =	vadd.s32 $0x10, v43;
	v53 =	vld.idx.msk [tilespmem:v53+s2+$0x0], $0xffff;
	s14 =	sshll.u32 s16, $0x4;
	[tilespmem:s6+$0x2180] =	vst v57;
	vm3 =	vlt.s32 v60, $0x103F  }
0x69: {  	v62 =	vadd.s32 $0x10, v42;
	s13 =	sadd.s32 s14, s13;
	[tilespmem:s12+$0x2180] =	vst v56;
	v54 =	vld.idx.msk [tilespmem:v54+s2+$0x0], $0xffff;
	v50 =	vnsel vm3, $0x103F, v60;
	vm3 =	vlt.s32 v61, $0x103F  }
0x6a: {  	s13 =	sor.u32 $0x380, s13;
	v63 =	vadd.s32 $0x10, v41;
	v58 =	vld.idx.msk [tilespmem:v58+s2+$0x0], $0xffff;
	v57 =	vnsel vm3, $0x103F, v61;
	vm3 =	vlt.s32 v62, $0x103F;
	[tilespmem:s11+$0x2180] =	vst v59  }
0x6b: {  	[tilespmem:s13+$0x2080] =	vst v51;
	v51 =	vnsel vm3, $0x103F, v62;
	vm3 =	vlt.s32 v63, $0x103F;
	v52 =	vld.idx.msk [tilespmem:v52+s2+$0x0], $0xffff  }
0x6c: {  	v48 =	vld.idx.msk [tilespmem:v48+s2+$0x0], $0xffff;
	vm4 =	vlt.s32 v55, $0x103F;
	[tilespmem:s5+$0x2380] =	vst v49;
	v60 =	vadd.s32 $0x14, v45;
	v49 =	vnsel vm3, $0x103F, v63  }
0x6d: {  	v47 =	vld.idx.msk [tilespmem:v47+s2+$0x0], $0xffff;
	v55 =	vnsel vm4, $0x103F, v55;
	[tilespmem:s4+$0x2200] =	vst v53;
	v61 =	vadd.s32 $0x14, v44;
	vm3 =	vlt.s32 v60, $0x103F  }
0x6e: {  	v62 =	vadd.s32 $0x14, v43;
	[tilespmem:s6+$0x2200] =	vst v54;
	v56 =	vnsel vm3, $0x103F, v60;
	vm3 =	vlt.s32 v61, $0x103F;
	v50 =	vld.idx.msk [tilespmem:v50+s2+$0x0], $0xffff  }
0x6f: {  	v63 =	vadd.s32 $0x14, v42;
	[tilespmem:s12+$0x2200] =	vst v58;
	v53 =	vnsel vm3, $0x103F, v61;
	vm3 =	vlt.s32 v62, $0x103F;
	v57 =	vld.idx.msk [tilespmem:v57+s2+$0x0], $0xffff  }
0x70: {  	v60 =	vadd.s32 $0x14, v41;
	v54 =	vnsel vm3, $0x103F, v62;
	vm3 =	vlt.s32 v63, $0x103F;
	v51 =	vld.idx.msk [tilespmem:v51+s2+$0x0], $0xffff;
	[tilespmem:s11+$0x2200] =	vst v52  }
0x71: {  	[tilespmem:s30+$0x2300] =	vst v48;
	v61 =	vadd.s32 $0x18, v46;
	v48 =	vnsel vm3, $0x103F, v63;
	vm3 =	vlt.s32 v60, $0x103F;
	v49 =	vld.idx.msk [tilespmem:v49+s2+$0x0], $0xffff  }
0x72: {  	v55 =	vld.idx.msk [tilespmem:v55+s2+$0x0], $0xffff;
	[tilespmem:s0+$0x2280] =	vst v47;
	s13 =	sadd.s32 $0x1, s10;
	vm4 =	vlt.s32 v61, $0x103F;
	v62 =	vadd.s32 $0x18, v45;
	v52 =	vnsel vm3, $0x103F, v60  }
0x73: {  	s10 =	sand.u32 $0x7, s13;
	v58 =	vnsel vm4, $0x103F, v61;
	v63 =	vadd.s32 $0x18, v44;
	vm3 =	vlt.s32 v62, $0x103F;
	v56 =	vld.idx.msk [tilespmem:v56+s2+$0x0], $0xffff;
	[tilespmem:s4+$0x2280] =	vst v50  }
0x74: {  	s10 =	sshll.u32 s10, $0x4;
	v60 =	vadd.s32 $0x18, v43;
	v47 =	vnsel vm3, $0x103F, v62;
	vm3 =	vlt.s32 v63, $0x103F;
	v53 =	vld.idx.msk [tilespmem:v53+s2+$0x0], $0xffff;
	[tilespmem:s6+$0x2280] =	vst v57  }
0x75: {  	s1 =	sadd.s32 s10, s1;
	v61 =	vadd.s32 $0x18, v42;
	v50 =	vnsel vm3, $0x103F, v63;
	vm3 =	vlt.s32 v60, $0x103F;
	v54 =	vld.idx.msk [tilespmem:v54+s2+$0x0], $0xffff;
	[tilespmem:s12+$0x2280] =	vst v51  }
0x76: {  	s1 =	sor.u32 $0x380, s1;
	v62 =	vadd.s32 $0x18, v41;
	v57 =	vnsel vm3, $0x103F, v60;
	vm3 =	vlt.s32 v61, $0x103F;
	v48 =	vld.idx.msk [tilespmem:v48+s2+$0x0], $0xffff;
	[tilespmem:s11+$0x2280] =	vst v49  }
0x77: {  	[tilespmem:s1+$0x2080] =	vst v55;
	v63 =	vadd.s32 $0x1C, v46;
	v51 =	vnsel vm3, $0x103F, v61;
	vm3 =	vlt.s32 v62, $0x103F;
	v52 =	vld.idx.msk [tilespmem:v52+s2+$0x0], $0xffff  }
0x78: {  	v59 =	vadd.s32 $0x1C, v45;
	vm4 =	vlt.s32 v63, $0x103F;
	v58 =	vld.idx.msk [tilespmem:v58+s2+$0x0], $0xffff;
	[tilespmem:s0+$0x2300] =	vst v56;
	v49 =	vnsel vm3, $0x103F, v62  }
0x79: {  	v60 =	vadd.s32 $0x1C, v44;
	v46 =	vnsel vm4, $0x103F, v63;
	vm3 =	vlt.s32 v59, $0x103F;
	v47 =	vld.idx.msk [tilespmem:v47+s2+$0x0], $0xffff;
	[tilespmem:s4+$0x2300] =	vst v53  }
0x7a: {  	v61 =	vadd.s32 $0x1C, v43;
	v45 =	vnsel vm3, $0x103F, v59;
	vm3 =	vlt.s32 v60, $0x103F;
	v50 =	vld.idx.msk [tilespmem:v50+s2+$0x0], $0xffff;
	[tilespmem:s6+$0x2300] =	vst v54  }
0x7b: {  	v63 =	vadd.s32 $0x1C, v42;
	v44 =	vnsel vm3, $0x103F, v60;
	vm3 =	vlt.s32 v61, $0x103F;
	v62 =	vld.idx.msk [tilespmem:v57+s2+$0x0], $0xffff;
	[tilespmem:s12+$0x2300] =	vst v48  }
0x7c: {  	s14 =	sadd.s32 $0x1, s13;
	v43 =	vnsel vm3, $0x103F, v61;
	vm3 =	vlt.s32 v63, $0x103F;
	v54 =	vadd.s32 $0x1C, v41;
	v48 =	vld.idx.msk [tilespmem:v51+s2+$0x0], $0xffff;
	[tilespmem:s11+$0x2300] =	vst v52  }
0x7d: {  	s5 =	sand.u32 $0x7, s14;
	s1 =	sadd.s32 $0x1, s14;
	[tilespmem:s30+$0x2380] =	vst v58;
	v42 =	vnsel vm3, $0x103F, v63;
	vm3 =	vlt.s32 v54, $0x103F;
	v49 =	vld.idx.msk [tilespmem:v49+s2+$0x0], $0xffff  }
0x7e: {  	s5 =	sshll.u32 s5, $0x4;
	s15 =	sand.u32 $0x7, s1;
	s1 =	sadd.s32 $0x1, s1;
	v46 =	vld.idx.msk [tilespmem:v46+s2+$0x0], $0xffff;
	v41 =	vnsel vm3, $0x103F, v54;
	[tilespmem:s0+$0x2380] =	vst v47  }
0x7f: {  	s5 =	sadd.s32 s5, s29;
	s16 =	sand.u32 $0x7, s1;
	s1 =	sadd.s32 $0x1, s1;
	v45 =	vld.idx.msk [tilespmem:v45+s2+$0x0], $0xffff;
	[tilespmem:s4+$0x2380] =	vst v50  }
0x80: {  	s5 =	sor.u32 $0x380, s5;
	s10 =	sand.u32 $0x7, s1;
	s0 =	sshll.u32 s15, $0x4;
	v44 =	vld.idx.msk [tilespmem:v44+s2+$0x0], $0xffff;
	[tilespmem:s6+$0x2380] =	vst v62  }
0x81: {  	s1 =	sadd.s32 $0x1, s1;
	s0 =	sadd.s32 s0, s31;
	s4 =	sshll.u32 s16, $0x4;
	v43 =	vld.idx.msk [tilespmem:v43+s2+$0x0], $0xffff;
	[tilespmem:s12+$0x2380] =	vst v48  }
0x82: {  	s0 =	sor.u32 $0x380, s0;
	s3 =	sadd.s32 s4, s3;
	s4 =	sshll.u32 s10, $0x4;
	v42 =	vld.idx.msk [tilespmem:v42+s2+$0x0], $0xffff;
	[tilespmem:s11+$0x2380] =	vst v49  }
0x83: {  	[tilespmem:s5+$0x2080] =	vst v46;
	s3 =	sor.u32 $0x380, s3;
	s11 =	sand.u32 $0x7, s1;
	s1 =	sadd.s32 $0x1, s1;
	v41 =	vld.idx.msk [tilespmem:v41+s2+$0x0], $0xffff  }
0x84: {  	s12 =	sadd.s32 s4, s7;
	[tilespmem:s0+$0x2080] =	vst v45;
	s13 =	sshll.u32 s11, $0x4;
	s1 =	sand.u32 $0x7, s1  }
0x85: {  	s0 =	sor.u32 $0x380, s12;
	[tilespmem:s3+$0x2080] =	vst v44;
	s14 =	sadd.s32 s13, s9;
	s1 =	sshll.u32 s1, $0x4  }
0x86: {  	[tilespmem:s0+$0x2080] =	vst v43;
	s15 =	sor.u32 $0x380, s14;
	s1 =	sadd.s32 s1, s8  }
0x87: {  	[tilespmem:s15+$0x2080] =	vst v42;
	s16 =	sor.u32 $0x380, s1  }
0x88: {  	[tilespmem:s16+$0x2080] =	vst v41  }
0x89: {  	s29 =	simm.s32 $0x0;
	s0 =	rddreg [dreg:$0x5]  }
0x8a: {  	[hbm4b:s0+s29] =	stream.linear.scatter [tilespmem:s22], [sflag:$0x3], $0x4000, $0x38;
	[tilespmem:$0xA080] =	vst v63  }
0x8b: {  	s1 =	rddreg [dreg:$0x6]  }
0x8c: {  	[tilespmem:s29], [sflag:$0x1] =	stream.linear.gather [hbm4b:s1+s29], $0x1040, $0x38;
	[tilespmem:$0xA080] =	vst v63  }
0x8d: {  	_ =	swait.ge [sflag:s23], $0x1040  }
0x8e: {  	[sflag:s23] =	ssyncset.done $0x0  }
0x8f: {  	[sflag:s23] =	ssyncadd.s32 $0xFFFFEFC0  }
0x90: {  	v56 =	vld.idx.msk [tilespmem:v8+s20+$0x0], $0xffff;
	_ =	sdelay $0x2  }
0x91: {  	s4 =	sand.u32 $0x3C00, s29;
	s3 =	sand.u32 $0x70, s29  }
0x92: {  	s10 =	sor.u32 s3, s4  }
0x93: {  	v57 =	vld.idx.msk [tilespmem:v10+s20+$0x0], $0xffff;
	[tilespmem:s10+$0x6080] =	vst v56  }
0x94: {  	v41 =	vld.idx.msk [tilespmem:v9+s20+$0x0], $0xffff  }
0x95: {  	s30 =	simm.s32 $0x80;
	s5 =	simm.s32 $0x10  }
0x96: {  	s6 =	sand.u32 $0x3C00, s30;
	s0 =	sand.u32 $0x70, s5  }
0x97: {  	s8 =	sor.u32 s0, s6  }
0x98: {  	[tilespmem:s8+$0x6080] =	vst v57  }
0x99: {  	v42 =	vld.idx.msk [tilespmem:v12+s20+$0x0], $0xffff;
	[tilespmem:s10+$0x6100] =	vst v41  }
0x9a: {  	v41 =	vld.idx.msk [tilespmem:v11+s20+$0x0], $0xffff  }
0x9b: {  	v58 =	vld.idx.msk [tilespmem:v13+s20+$0x0], $0xffff;
	_ =	sdelay $0x1  }
0x9c: {  	s7 =	simm.s32 $0x20;
	s0 =	simm.s32 $0x100  }
0x9d: {  	s1 =	sand.u32 $0x70, s7;
	s9 =	sand.u32 $0x3C00, s0;
	[tilespmem:s8+$0x6100] =	vst v42  }
0x9e: {  	s4 =	sor.u32 s1, s9;
	v42 =	vld.idx.msk [tilespmem:v15+s20+$0x0], $0xffff;
	[tilespmem:s10+$0x6180] =	vst v41  }
0x9f: {  	[tilespmem:s4+$0x6080] =	vst v58;
	v41 =	vld.idx.msk [tilespmem:v14+s20+$0x0], $0xffff  }
0xa0: {  	v43 =	vld.idx.msk [tilespmem:v16+s20+$0x0], $0xffff  }
0xa1: {  	v59 =	vld.idx.msk [tilespmem:v17+s20+$0x0], $0xffff;
	_ =	sdelay $0x1  }
0xa2: {  	s11 =	simm.s32 $0x30;
	s1 =	simm.s32 $0x180;
	[tilespmem:s8+$0x6180] =	vst v42  }
0xa3: {  	s3 =	sand.u32 $0x70, s11;
	s12 =	sand.u32 $0x3C00, s1;
	v42 =	vld.idx.msk [tilespmem:v19+s20+$0x0], $0xffff;
	[tilespmem:s10+$0x6200] =	vst v41  }
0xa4: {  	s5 =	sor.u32 s3, s12;
	[tilespmem:s4+$0x6100] =	vst v43;
	v41 =	vld.idx.msk [tilespmem:v18+s20+$0x0], $0xffff  }
0xa5: {  	[tilespmem:s5+$0x6080] =	vst v59;
	v43 =	vld.idx.msk [tilespmem:v20+s20+$0x0], $0xffff  }
0xa6: {  	v44 =	vld.idx.msk [tilespmem:v21+s20+$0x0], $0xffff  }
0xa7: {  	v60 =	vld.idx.msk [tilespmem:v22+s20+$0x0], $0xffff  }
0xa8: {  	v61 =	vld.idx.msk [tilespmem:v28+s20+$0x0], $0xffff;
	[tilespmem:s8+$0x6200] =	vst v42  }
0xa9: {  	v42 =	vld.idx.msk [tilespmem:v24+s20+$0x0], $0xffff;
	[tilespmem:s10+$0x6280] =	vst v41  }
0xaa: {  	s13 =	simm.s32 $0x40;
	s3 =	simm.s32 $0x200;
	[tilespmem:s4+$0x6180] =	vst v43;
	v41 =	vld.idx.msk [tilespmem:v23+s20+$0x0], $0xffff  }
0xab: {  	s6 =	sand.u32 $0x70, s13;
	s14 =	sand.u32 $0x3C00, s3;
	[tilespmem:s5+$0x6100] =	vst v44;
	v43 =	vld.idx.msk [tilespmem:v25+s20+$0x0], $0xffff  }
0xac: {  	s6 =	sor.u32 s6, s14;
	v44 =	vld.idx.msk [tilespmem:v26+s20+$0x0], $0xffff  }
0xad: {  	[tilespmem:s6+$0x6080] =	vst v60;
	v56 =	vld.idx.msk [tilespmem:v35+s20+$0x0], $0xffff  }
0xae: {  	v45 =	vld.idx.msk [tilespmem:v27+s20+$0x0], $0xffff;
	[tilespmem:s8+$0x6280] =	vst v42  }
0xaf: {  	s15 =	simm.s32 $0x50;
	s9 =	simm.s32 $0x280;
	v42 =	vld.idx.msk [tilespmem:v30+s20+$0x0], $0xffff;
	[tilespmem:s10+$0x6300] =	vst v41  }
0xb0: {  	s7 =	sand.u32 $0x70, s15;
	s16 =	sand.u32 $0x3C00, s9;
	[tilespmem:s4+$0x6200] =	vst v43;
	v41 =	vld.idx.msk [tilespmem:v29+s20+$0x0], $0xffff  }
0xb1: {  	s7 =	sor.u32 s7, s16;
	[tilespmem:s5+$0x6180] =	vst v44;
	v43 =	vld.idx.msk [tilespmem:v31+s20+$0x0], $0xffff  }
0xb2: {  	v62 =	vadd.s32 $0xC, v4;
	v48 =	vnsel vm0, $0x103F, v38;
	[tilespmem:s7+$0x6080] =	vst v61;
	v52 =	vld.idx.msk [tilespmem:v32+s20+$0x0], $0xffff  }
0xb3: {  	v55 =	vadd.s32 $0x1C, v7;
	v63 =	vadd.s32 $0x8, v5;
	vm3 =	vlt.s32 v62, $0x103F;
	v53 =	vld.idx.msk [tilespmem:v34+s20+$0x0], $0xffff;
	[tilespmem:s6+$0x6100] =	vst v45  }
0xb4: {  	vm4 =	vlt.s32 v63, $0x103F;
	v47 =	vnsel vm1, $0x103F, v39;
	v54 =	vnsel vm3, $0x103F, v62;
	v51 =	vld.idx.msk [tilespmem:v33+s20+$0x0], $0xffff;
	[tilespmem:s8+$0x6300] =	vst v42  }
0xb5: {  	s31 =	simm.s32 $0x280;
	v46 =	vmovc v2;
	s11 =	simm.s32 $0x70;
	v57 =	vnsel vm4, $0x103F, v63;
	v58 =	vnsel vm2, $0x103F, v40;
	v49 =	vld.idx.msk [tilespmem:v37+s20+$0x0], $0xffff;
	[tilespmem:s10+$0x6380] =	vst v41;
	v41 =	vadd.s32 $0x20, v6  }
0xb6: {  	s13 =	simm.s32 $0x0;
	s14 =	simm.s32 $0x60;
	v45 =	vmovc v3;
	v44 =	vmovc v4;
	[tilespmem:s4+$0x6280] =	vst v43;
	v43 =	vmov v5;
	v42 =	vmov v6;
	s10 =	simm.s32 $0x80;
	v50 =	vld.idx.msk [tilespmem:v36+s20+$0x0], $0xffff;
	vm3 =	vlt.s32 v41, $0x103F  }
.LBB2_4:
0xb7: {  	p0 =	sne.s32 s10, $0x7F0;
	v59 =	vnsel vm3, $0x103F, v41;
	s9 =	sadd.s32 $0x80, s9;
	[tilespmem:s5+$0x6200] =	vst v52;
	v60 =	vld.idx.msk [tilespmem:v48+s20+$0x0], $0xffff;
	v48 =	vadd.s32 $0x18, v46  }
0xb8: {  	vm3 =	vlt.s32 v55, $0x103F;
	s15 =	sand.u32 $0x7, s29;
	v61 =	vmovc v44;
	v44 =	vmovc v43;
	v43 =	vmov v42;
	v42 =	vmov v41;
	s12 =	smov.u32 s11;
	s11 =	smov.u32 s10  }
0xb9: {  	s14 =	sand.u32 $0x70, s14;
	s16 =	sand.u32 $0x3C00, s9;
	[tilespmem:s6+$0x6180] =	vst v51;
	v62 =	vld.idx.msk [tilespmem:v47+s20+$0x0], $0xffff;
	v47 =	vadd.s32 $0x14, v45;
	vm4 =	vlt.s32 v48, $0x103F;
	v55 =	vnsel vm3, $0x103F, v55;
	s15 =	sshll.u32 s15, $0x4  }
0xba: {  	s14 =	sor.u32 s14, s16;
	[tilespmem:s7+$0x6100] =	vst v53;
	v52 =	vld.idx.msk [tilespmem:v54+s20+$0x0], $0xffff;
	v54 =	vadd.s32 $0x10, v61;
	vm3 =	vlt.s32 v47, $0x103F;
	v63 =	vnsel vm4, $0x103F, v48;
	s15 =	sadd.s32 s15, s13;
	s13 =	smov.u32 s30  }
.Ltmp1:
0xbb: {  	s30 =	smov.u32 s0;
	[tilespmem:s14+$0x6080] =	vst v56;
	v51 =	vld.idx.msk [tilespmem:v57+s20+$0x0], $0xffff;
	v57 =	vadd.s32 $0xC, v44;
	vm4 =	vlt.s32 v54, $0x103F;
	v48 =	vnsel vm3, $0x103F, v47;
	s15 =	sor.u32 $0x380, s15;
	(pc) =	sbr.rel @p0 .LBB2_4-.Ltmp1, $4  }
0xbc: {  	s0 =	smov.u32 s1;
	s1 =	smov.u32 s3;
	s3 =	smov.u32 s31;
	v53 =	vld.idx.msk [tilespmem:v58+s20+$0x0], $0xffff;
	v58 =	vadd.s32 $0x8, v43;
	vm3 =	vlt.s32 v57, $0x103F;
	v47 =	vnsel vm4, $0x103F, v54;
	[tilespmem:s15+$0x6080] =	vst v50  }
0xbd: {  	s31 =	smov.u32 s9;
	v56 =	vld.idx.msk [tilespmem:v59+s20+$0x0], $0xffff;
	v59 =	vadd.s32 $0x4, v41;
	vm4 =	vlt.s32 v58, $0x103F;
	v54 =	vnsel vm3, $0x103F, v57;
	[tilespmem:s8+$0x6380] =	vst v49;
	s8 =	smov.u32 s4;
	s4 =	smov.u32 s5  }
0xbe: {  	v41 =	vadd.s32 $0x20, v41;
	s5 =	smov.u32 s6;
	s6 =	smov.u32 s7;
	s7 =	smov.u32 s14;
	vm5 =	vlt.s32 v59, $0x103F;
	v57 =	vnsel vm4, $0x103F, v58;
	[tilespmem:s8+$0x6300] =	vst v60;
	v50 =	vld.idx.msk [tilespmem:v55+s20+$0x0], $0xffff  }
0xbf: {  	s10 =	sadd.s32 $0x10, s10;
	s29 =	sadd.s32 $0x1, s29;
	s14 =	smov.u32 s12;
	vm3 =	vlt.s32 v41, $0x103F;
	v55 =	vadd.s32 $0x1C, v46;
	v46 =	vmovc v45;
	v45 =	vmovc v61;
	v58 =	vnsel vm5, $0x103F, v59;
	[tilespmem:s4+$0x6280] =	vst v62;
	v49 =	vld.idx.msk [tilespmem:v63+s20+$0x0], $0xffff  }
0xc0: {  	v59 =	vnsel vm3, $0x103F, v41;
	_ =	sdelay $0x3  }
0xc1: {  	v60 =	vadd.s32 $0x4, v41  }
0xc2: {  	vm3 =	vlt.s32 v60, $0x103F;
	v59 =	vld.idx.msk [tilespmem:v59+s20+$0x0], $0xffff  }
0xc3: {  	s10 =	sadd.s32 $0x80, s9;
	v60 =	vnsel vm3, $0x103F, v60  }
0xc4: {  	s12 =	sand.u32 $0x70, s14;
	s16 =	sand.u32 $0x3C00, s10;
	s9 =	sadd.s32 $0x80, s10  }
0xc5: {  	s11 =	sand.u32 $0x70, s11;
	s12 =	sor.u32 s12, s16;
	s15 =	sand.u32 $0x3C00, s9  }
0xc6: {  	v62 =	vadd.s32 $0x8, v42;
	[tilespmem:s12+$0x6080] =	vst v56;
	s11 =	sor.u32 s11, s15  }
0xc7: {  	vm3 =	vlt.s32 v62, $0x103F;
	v58 =	vld.idx.msk [tilespmem:v58+s20+$0x0], $0xffff;
	[tilespmem:s11+$0x6080] =	vst v59;
	v59 =	vadd.s32 $0x8, v41  }
0xc8: {  	v56 =	vnsel vm3, $0x103F, v62;
	v60 =	vld.idx.msk [tilespmem:v60+s20+$0x0], $0xffff;
	vm3 =	vlt.s32 v59, $0x103F  }
0xc9: {  	v59 =	vnsel vm3, $0x103F, v59;
	_ =	sdelay $0x1  }
0xca: {  	v63 =	vadd.s32 $0xC, v43;
	[tilespmem:s7+$0x6100] =	vst v53  }
0xcb: {  	v57 =	vld.idx.msk [tilespmem:v57+s20+$0x0], $0xffff;
	[tilespmem:s12+$0x6100] =	vst v58;
	v58 =	vadd.s32 $0xC, v42;
	vm3 =	vlt.s32 v63, $0x103F  }
0xcc: {  	v56 =	vld.idx.msk [tilespmem:v56+s20+$0x0], $0xffff;
	v53 =	vnsel vm3, $0x103F, v63;
	vm3 =	vlt.s32 v58, $0x103F;
	[tilespmem:s11+$0x6100] =	vst v60;
	v60 =	vadd.s32 $0xC, v41  }
0xcd: {  	v58 =	vnsel vm3, $0x103F, v58;
	v59 =	vld.idx.msk [tilespmem:v59+s20+$0x0], $0xffff;
	vm3 =	vlt.s32 v60, $0x103F  }
0xce: {  	[tilespmem:s5+$0x6200] =	vst v52;
	v52 =	vnsel vm3, $0x103F, v60  }
0xcf: {  	[tilespmem:s6+$0x6180] =	vst v51;
	s16 =	sand.u32 $0x7, s29;
	v60 =	vadd.s32 $0x10, v44  }
0xd0: {  	v61 =	vadd.s32 $0x10, v43;
	v54 =	vld.idx.msk [tilespmem:v54+s20+$0x0], $0xffff;
	s14 =	sshll.u32 s16, $0x4;
	[tilespmem:s7+$0x6180] =	vst v57;
	vm3 =	vlt.s32 v60, $0x103F  }
0xd1: {  	v62 =	vadd.s32 $0x10, v42;
	s13 =	sadd.s32 s14, s13;
	[tilespmem:s12+$0x6180] =	vst v56;
	v53 =	vld.idx.msk [tilespmem:v53+s20+$0x0], $0xffff;
	v51 =	vnsel vm3, $0x103F, v60;
	vm3 =	vlt.s32 v61, $0x103F  }
0xd2: {  	s13 =	sor.u32 $0x380, s13;
	v63 =	vadd.s32 $0x10, v41;
	v58 =	vld.idx.msk [tilespmem:v58+s20+$0x0], $0xffff;
	v57 =	vnsel vm3, $0x103F, v61;
	vm3 =	vlt.s32 v62, $0x103F;
	[tilespmem:s11+$0x6180] =	vst v59  }
0xd3: {  	[tilespmem:s13+$0x6080] =	vst v50;
	v50 =	vnsel vm3, $0x103F, v62;
	vm3 =	vlt.s32 v63, $0x103F;
	v52 =	vld.idx.msk [tilespmem:v52+s20+$0x0], $0xffff  }
0xd4: {  	v48 =	vld.idx.msk [tilespmem:v48+s20+$0x0], $0xffff;
	vm4 =	vlt.s32 v55, $0x103F;
	[tilespmem:s8+$0x6380] =	vst v49;
	v60 =	vadd.s32 $0x14, v45;
	v49 =	vnsel vm3, $0x103F, v63  }
0xd5: {  	v47 =	vld.idx.msk [tilespmem:v47+s20+$0x0], $0xffff;
	v55 =	vnsel vm4, $0x103F, v55;
	[tilespmem:s6+$0x6200] =	vst v54;
	v61 =	vadd.s32 $0x14, v44;
	vm3 =	vlt.s32 v60, $0x103F  }
0xd6: {  	v62 =	vadd.s32 $0x14, v43;
	[tilespmem:s7+$0x6200] =	vst v53;
	v56 =	vnsel vm3, $0x103F, v60;
	vm3 =	vlt.s32 v61, $0x103F;
	v51 =	vld.idx.msk [tilespmem:v51+s20+$0x0], $0xffff  }
0xd7: {  	v63 =	vadd.s32 $0x14, v42;
	[tilespmem:s12+$0x6200] =	vst v58;
	v54 =	vnsel vm3, $0x103F, v61;
	vm3 =	vlt.s32 v62, $0x103F;
	v57 =	vld.idx.msk [tilespmem:v57+s20+$0x0], $0xffff  }
0xd8: {  	v60 =	vadd.s32 $0x14, v41;
	v53 =	vnsel vm3, $0x103F, v62;
	vm3 =	vlt.s32 v63, $0x103F;
	v50 =	vld.idx.msk [tilespmem:v50+s20+$0x0], $0xffff;
	[tilespmem:s11+$0x6200] =	vst v52  }
0xd9: {  	[tilespmem:s4+$0x6300] =	vst v48;
	v61 =	vadd.s32 $0x18, v46;
	v48 =	vnsel vm3, $0x103F, v63;
	vm3 =	vlt.s32 v60, $0x103F;
	v49 =	vld.idx.msk [tilespmem:v49+s20+$0x0], $0xffff  }
0xda: {  	s14 =	sadd.s32 $0x1, s29;
	v55 =	vld.idx.msk [tilespmem:v55+s20+$0x0], $0xffff;
	[tilespmem:s5+$0x6280] =	vst v47;
	vm4 =	vlt.s32 v61, $0x103F;
	v62 =	vadd.s32 $0x18, v45;
	v52 =	vnsel vm3, $0x103F, v60  }
0xdb: {  	s15 =	sand.u32 $0x7, s14;
	v58 =	vnsel vm4, $0x103F, v61;
	v63 =	vadd.s32 $0x18, v44;
	vm3 =	vlt.s32 v62, $0x103F;
	v56 =	vld.idx.msk [tilespmem:v56+s20+$0x0], $0xffff;
	[tilespmem:s6+$0x6280] =	vst v51  }
0xdc: {  	s13 =	sshll.u32 s15, $0x4;
	v60 =	vadd.s32 $0x18, v43;
	v47 =	vnsel vm3, $0x103F, v62;
	vm3 =	vlt.s32 v63, $0x103F;
	v54 =	vld.idx.msk [tilespmem:v54+s20+$0x0], $0xffff;
	[tilespmem:s7+$0x6280] =	vst v57  }
0xdd: {  	s13 =	sadd.s32 s13, s30;
	v61 =	vadd.s32 $0x18, v42;
	v51 =	vnsel vm3, $0x103F, v63;
	vm3 =	vlt.s32 v60, $0x103F;
	v53 =	vld.idx.msk [tilespmem:v53+s20+$0x0], $0xffff;
	[tilespmem:s12+$0x6280] =	vst v50  }
0xde: {  	s13 =	sor.u32 $0x380, s13;
	v62 =	vadd.s32 $0x18, v41;
	v57 =	vnsel vm3, $0x103F, v60;
	vm3 =	vlt.s32 v61, $0x103F;
	v48 =	vld.idx.msk [tilespmem:v48+s20+$0x0], $0xffff;
	[tilespmem:s11+$0x6280] =	vst v49  }
0xdf: {  	[tilespmem:s13+$0x6080] =	vst v55;
	v63 =	vadd.s32 $0x1C, v46;
	v50 =	vnsel vm3, $0x103F, v61;
	vm3 =	vlt.s32 v62, $0x103F;
	v52 =	vld.idx.msk [tilespmem:v52+s20+$0x0], $0xffff  }
0xe0: {  	vm4 =	vlt.s32 v63, $0x103F;
	v60 =	vadd.s32 $0x1C, v45;
	v59 =	vld.idx.msk [tilespmem:v58+s20+$0x0], $0xffff;
	[tilespmem:s5+$0x6300] =	vst v56;
	v49 =	vnsel vm3, $0x103F, v62  }
0xe1: {  	v46 =	vnsel vm4, $0x103F, v63;
	v61 =	vadd.s32 $0x1C, v44;
	vm3 =	vlt.s32 v60, $0x103F;
	v47 =	vld.idx.msk [tilespmem:v47+s20+$0x0], $0xffff;
	[tilespmem:s6+$0x6300] =	vst v54  }
0xe2: {  	v62 =	vadd.s32 $0x1C, v43;
	v45 =	vnsel vm3, $0x103F, v60;
	vm3 =	vlt.s32 v61, $0x103F;
	v51 =	vld.idx.msk [tilespmem:v51+s20+$0x0], $0xffff;
	[tilespmem:s7+$0x6300] =	vst v53  }
0xe3: {  	s8 =	sadd.s32 $0x1, s14;
	v63 =	vadd.s32 $0x1C, v42;
	v44 =	vnsel vm3, $0x103F, v61;
	vm3 =	vlt.s32 v62, $0x103F;
	v53 =	vld.idx.msk [tilespmem:v57+s20+$0x0], $0xffff;
	[tilespmem:s12+$0x6300] =	vst v48  }
0xe4: {  	s16 =	sand.u32 $0x7, s8;
	s8 =	sadd.s32 $0x1, s8;
	v54 =	vadd.s32 $0x1C, v41;
	v43 =	vnsel vm3, $0x103F, v62;
	vm3 =	vlt.s32 v63, $0x103F;
	v48 =	vld.idx.msk [tilespmem:v50+s20+$0x0], $0xffff;
	[tilespmem:s11+$0x6300] =	vst v52  }
0xe5: {  	s13 =	sand.u32 $0x7, s8;
	[tilespmem:s4+$0x6380] =	vst v59;
	v42 =	vnsel vm3, $0x103F, v63;
	vm3 =	vlt.s32 v54, $0x103F;
	v49 =	vld.idx.msk [tilespmem:v49+s20+$0x0], $0xffff  }
0xe6: {  	s8 =	sadd.s32 $0x1, s8;
	s14 =	sshll.u32 s13, $0x4;
	v46 =	vld.idx.msk [tilespmem:v46+s20+$0x0], $0xffff;
	v41 =	vnsel vm3, $0x103F, v54;
	[tilespmem:s5+$0x6380] =	vst v47  }
0xe7: {  	s15 =	sand.u32 $0x7, s8;
	s1 =	sadd.s32 s14, s1;
	s4 =	sshll.u32 s16, $0x4;
	v45 =	vld.idx.msk [tilespmem:v45+s20+$0x0], $0xffff;
	[tilespmem:s6+$0x6380] =	vst v51  }
0xe8: {  	s1 =	sor.u32 $0x380, s1;
	s16 =	sshll.u32 s15, $0x4;
	s0 =	sadd.s32 s4, s0;
	v44 =	vld.idx.msk [tilespmem:v44+s20+$0x0], $0xffff;
	[tilespmem:s7+$0x6380] =	vst v53  }
0xe9: {  	s3 =	sadd.s32 s16, s3;
	s0 =	sor.u32 $0x380, s0;
	s5 =	sadd.s32 $0x1, s8;
	v43 =	vld.idx.msk [tilespmem:v43+s20+$0x0], $0xffff;
	[tilespmem:s12+$0x6380] =	vst v48  }
0xea: {  	s3 =	sor.u32 $0x380, s3;
	s4 =	sadd.s32 $0x1, s5;
	s6 =	sand.u32 $0x7, s5;
	v42 =	vld.idx.msk [tilespmem:v42+s20+$0x0], $0xffff;
	[tilespmem:s11+$0x6380] =	vst v49  }
0xeb: {  	s8 =	sand.u32 $0x7, s4;
	s4 =	sadd.s32 $0x1, s4;
	[tilespmem:s0+$0x6080] =	vst v46;
	s7 =	sshll.u32 s6, $0x4;
	v41 =	vld.idx.msk [tilespmem:v41+s20+$0x0], $0xffff  }
0xec: {  	s4 =	sand.u32 $0x7, s4;
	s0 =	sadd.s32 s7, s31;
	[tilespmem:s1+$0x6080] =	vst v45;
	s11 =	sshll.u32 s8, $0x4  }
0xed: {  	s12 =	sshll.u32 s4, $0x4;
	s0 =	sor.u32 $0x380, s0;
	s1 =	sadd.s32 s11, s10;
	[tilespmem:s3+$0x6080] =	vst v44  }
0xee: {  	s14 =	sadd.s32 s12, s9;
	s13 =	sor.u32 $0x380, s1;
	[tilespmem:s0+$0x6080] =	vst v43  }
0xef: {  	s15 =	sor.u32 $0x380, s14;
	[tilespmem:s13+$0x6080] =	vst v42  }
0xf0: {  	[tilespmem:s15+$0x6080] =	vst v41  }
0xf1: {  	s7 =	simm.s32 $0x0;
	s0 =	rddreg [dreg:$0x7]  }
0xf2: {  	[hbm4b:s0+s7] =	stream.linear.scatter [tilespmem:s24], [sflag:$0x4], $0x4000, $0x38;
	[tilespmem:$0xA080] =	vst v63  }
0xf3: {  	s16 =	rddreg [dreg:$0x8]  }
0xf4: {  	[tilespmem:s20], [sflag:$0x2] =	stream.linear.gather [hbm4b:s16+s7], $0x1040, $0x38;
	[tilespmem:$0xA080] =	vst v63  }
0xf5: {  	_ =	swait.ge [sflag:s21], $0x1040  }
0xf6: {  	[sflag:s21] =	ssyncset.done $0x0  }
0xf7: {  	[sflag:s21] =	ssyncadd.s32 $0xFFFFEFC0  }
0xf8: {  	_ =	swait.ge [sflag:s25], $0x4000  }
0xf9: {  	[sflag:s25] =	ssyncset.done $0x0  }
0xfa: {  	[sflag:s25] =	ssyncadd.s32 $0xFFFFC000  }
0xfb: {  	v56 =	vld.idx.msk [tilespmem:v8+s2+$0x0], $0xffff;
	_ =	sdelay $0x2  }
0xfc: {  	s1 =	sand.u32 $0x70, s7;
	s3 =	sand.u32 $0x3C00, s7  }
0xfd: {  	s10 =	sor.u32 s1, s3  }
0xfe: {  	v57 =	vld.idx.msk [tilespmem:v10+s2+$0x0], $0xffff;
	[tilespmem:s10+$0x2080] =	vst v56  }
0xff: {  	v41 =	vld.idx.msk [tilespmem:v9+s2+$0x0], $0xffff  }
0x100: {  	s30 =	simm.s32 $0x80;
	s4 =	simm.s32 $0x10  }
0x101: {  	s5 =	sand.u32 $0x3C00, s30;
	s0 =	sand.u32 $0x70, s4  }
0x102: {  	s8 =	sor.u32 s0, s5  }
0x103: {  	[tilespmem:s8+$0x2080] =	vst v57  }
0x104: {  	v42 =	vld.idx.msk [tilespmem:v12+s2+$0x0], $0xffff;
	[tilespmem:s10+$0x2100] =	vst v41  }
0x105: {  	v41 =	vld.idx.msk [tilespmem:v11+s2+$0x0], $0xffff  }
0x106: {  	v58 =	vld.idx.msk [tilespmem:v13+s2+$0x0], $0xffff;
	_ =	sdelay $0x1  }
0x107: {  	s6 =	simm.s32 $0x20;
	s0 =	simm.s32 $0x100  }
0x108: {  	s1 =	sand.u32 $0x70, s6;
	s9 =	sand.u32 $0x3C00, s0;
	[tilespmem:s8+$0x2100] =	vst v42  }
0x109: {  	s4 =	sor.u32 s1, s9;
	v42 =	vld.idx.msk [tilespmem:v15+s2+$0x0], $0xffff;
	[tilespmem:s10+$0x2180] =	vst v41  }
0x10a: {  	[tilespmem:s4+$0x2080] =	vst v58;
	v41 =	vld.idx.msk [tilespmem:v14+s2+$0x0], $0xffff  }
0x10b: {  	v43 =	vld.idx.msk [tilespmem:v16+s2+$0x0], $0xffff  }
0x10c: {  	v59 =	vld.idx.msk [tilespmem:v17+s2+$0x0], $0xffff;
	_ =	sdelay $0x1  }
0x10d: {  	s11 =	simm.s32 $0x30;
	s1 =	simm.s32 $0x180;
	[tilespmem:s8+$0x2180] =	vst v42  }
0x10e: {  	s3 =	sand.u32 $0x70, s11;
	s12 =	sand.u32 $0x3C00, s1;
	v42 =	vld.idx.msk [tilespmem:v19+s2+$0x0], $0xffff;
	[tilespmem:s10+$0x2200] =	vst v41  }
0x10f: {  	s5 =	sor.u32 s3, s12;
	[tilespmem:s4+$0x2100] =	vst v43;
	v41 =	vld.idx.msk [tilespmem:v18+s2+$0x0], $0xffff  }
0x110: {  	[tilespmem:s5+$0x2080] =	vst v59;
	v43 =	vld.idx.msk [tilespmem:v20+s2+$0x0], $0xffff  }
0x111: {  	v44 =	vld.idx.msk [tilespmem:v21+s2+$0x0], $0xffff  }
0x112: {  	v60 =	vld.idx.msk [tilespmem:v22+s2+$0x0], $0xffff  }
0x113: {  	v61 =	vld.idx.msk [tilespmem:v28+s2+$0x0], $0xffff;
	[tilespmem:s8+$0x2200] =	vst v42  }
0x114: {  	v42 =	vld.idx.msk [tilespmem:v24+s2+$0x0], $0xffff;
	[tilespmem:s10+$0x2280] =	vst v41  }
0x115: {  	s13 =	simm.s32 $0x40;
	s3 =	simm.s32 $0x200;
	[tilespmem:s4+$0x2180] =	vst v43;
	v41 =	vld.idx.msk [tilespmem:v23+s2+$0x0], $0xffff  }
0x116: {  	s6 =	sand.u32 $0x70, s13;
	s14 =	sand.u32 $0x3C00, s3;
	[tilespmem:s5+$0x2100] =	vst v44;
	v43 =	vld.idx.msk [tilespmem:v25+s2+$0x0], $0xffff  }
0x117: {  	s6 =	sor.u32 s6, s14;
	v44 =	vld.idx.msk [tilespmem:v26+s2+$0x0], $0xffff  }
0x118: {  	[tilespmem:s6+$0x2080] =	vst v60;
	v56 =	vld.idx.msk [tilespmem:v35+s2+$0x0], $0xffff  }
0x119: {  	v45 =	vld.idx.msk [tilespmem:v27+s2+$0x0], $0xffff;
	[tilespmem:s8+$0x2280] =	vst v42  }
0x11a: {  	s15 =	simm.s32 $0x50;
	s9 =	simm.s32 $0x280;
	v42 =	vld.idx.msk [tilespmem:v30+s2+$0x0], $0xffff;
	[tilespmem:s10+$0x2300] =	vst v41  }
0x11b: {  	s11 =	sand.u32 $0x70, s15;
	s16 =	sand.u32 $0x3C00, s9;
	[tilespmem:s4+$0x2200] =	vst v43;
	v41 =	vld.idx.msk [tilespmem:v29+s2+$0x0], $0xffff  }
0x11c: {  	s29 =	sor.u32 s11, s16;
	[tilespmem:s5+$0x2180] =	vst v44;
	v43 =	vld.idx.msk [tilespmem:v31+s2+$0x0], $0xffff  }
0x11d: {  	v62 =	vadd.s32 $0xC, v4;
	v48 =	vnsel vm0, $0x103F, v38;
	[tilespmem:s29+$0x2080] =	vst v61;
	v52 =	vld.idx.msk [tilespmem:v32+s2+$0x0], $0xffff  }
0x11e: {  	v55 =	vadd.s32 $0x1C, v7;
	v63 =	vadd.s32 $0x8, v5;
	vm3 =	vlt.s32 v62, $0x103F;
	v53 =	vld.idx.msk [tilespmem:v34+s2+$0x0], $0xffff;
	[tilespmem:s6+$0x2100] =	vst v45  }
0x11f: {  	vm4 =	vlt.s32 v63, $0x103F;
	v47 =	vnsel vm1, $0x103F, v39;
	v54 =	vnsel vm3, $0x103F, v62;
	v51 =	vld.idx.msk [tilespmem:v33+s2+$0x0], $0xffff;
	[tilespmem:s8+$0x2300] =	vst v42  }
0x120: {  	v46 =	vmovc v2;
	s31 =	simm.s32 $0x280;
	s13 =	simm.s32 $0x0;
	v57 =	vnsel vm4, $0x103F, v63;
	v58 =	vnsel vm2, $0x103F, v40;
	v49 =	vld.idx.msk [tilespmem:v37+s2+$0x0], $0xffff;
	[tilespmem:s10+$0x2380] =	vst v41;
	v41 =	vadd.s32 $0x20, v6  }
0x121: {  	s11 =	simm.s32 $0x70;
	s14 =	simm.s32 $0x60;
	v45 =	vmovc v3;
	v44 =	vmovc v4;
	[tilespmem:s4+$0x2280] =	vst v43;
	v43 =	vmov v5;
	v42 =	vmov v6;
	s10 =	simm.s32 $0x80;
	v50 =	vld.idx.msk [tilespmem:v36+s2+$0x0], $0xffff;
	vm3 =	vlt.s32 v41, $0x103F  }
.LBB2_6:
0x122: {  	p0 =	sne.s32 s10, $0x7F0;
	v59 =	vnsel vm3, $0x103F, v41;
	s9 =	sadd.s32 $0x80, s9;
	[tilespmem:s5+$0x2200] =	vst v52;
	v60 =	vld.idx.msk [tilespmem:v48+s2+$0x0], $0xffff;
	v48 =	vadd.s32 $0x18, v46  }
0x123: {  	vm3 =	vlt.s32 v55, $0x103F;
	s15 =	sand.u32 $0x7, s7;
	v61 =	vmovc v44;
	v44 =	vmovc v43;
	v43 =	vmov v42;
	v42 =	vmov v41;
	s12 =	smov.u32 s11;
	s11 =	smov.u32 s10  }
0x124: {  	s14 =	sand.u32 $0x70, s14;
	s16 =	sand.u32 $0x3C00, s9;
	[tilespmem:s6+$0x2180] =	vst v51;
	v62 =	vld.idx.msk [tilespmem:v47+s2+$0x0], $0xffff;
	v47 =	vadd.s32 $0x14, v45;
	vm4 =	vlt.s32 v48, $0x103F;
	v55 =	vnsel vm3, $0x103F, v55;
	s15 =	sshll.u32 s15, $0x4  }
0x125: {  	s14 =	sor.u32 s14, s16;
	[tilespmem:s29+$0x2100] =	vst v53;
	v52 =	vld.idx.msk [tilespmem:v54+s2+$0x0], $0xffff;
	v54 =	vadd.s32 $0x10, v61;
	vm3 =	vlt.s32 v47, $0x103F;
	v63 =	vnsel vm4, $0x103F, v48;
	s15 =	sadd.s32 s15, s13;
	s13 =	smov.u32 s30  }
.Ltmp2:
0x126: {  	s30 =	smov.u32 s0;
	[tilespmem:s14+$0x2080] =	vst v56;
	v51 =	vld.idx.msk [tilespmem:v57+s2+$0x0], $0xffff;
	v57 =	vadd.s32 $0xC, v44;
	vm4 =	vlt.s32 v54, $0x103F;
	v48 =	vnsel vm3, $0x103F, v47;
	s15 =	sor.u32 $0x380, s15;
	(pc) =	sbr.rel @p0 .LBB2_6-.Ltmp2, $4  }
0x127: {  	s0 =	smov.u32 s1;
	s1 =	smov.u32 s3;
	s3 =	smov.u32 s31;
	v53 =	vld.idx.msk [tilespmem:v58+s2+$0x0], $0xffff;
	v58 =	vadd.s32 $0x8, v43;
	vm3 =	vlt.s32 v57, $0x103F;
	v47 =	vnsel vm4, $0x103F, v54;
	[tilespmem:s15+$0x2080] =	vst v50  }
0x128: {  	s31 =	smov.u32 s9;
	v56 =	vld.idx.msk [tilespmem:v59+s2+$0x0], $0xffff;
	v59 =	vadd.s32 $0x4, v41;
	vm4 =	vlt.s32 v58, $0x103F;
	v54 =	vnsel vm3, $0x103F, v57;
	[tilespmem:s8+$0x2380] =	vst v49;
	s8 =	smov.u32 s4;
	s4 =	smov.u32 s5  }
0x129: {  	v41 =	vadd.s32 $0x20, v41;
	s5 =	smov.u32 s6;
	s6 =	smov.u32 s29;
	s29 =	smov.u32 s14;
	vm5 =	vlt.s32 v59, $0x103F;
	v57 =	vnsel vm4, $0x103F, v58;
	[tilespmem:s8+$0x2300] =	vst v60;
	v50 =	vld.idx.msk [tilespmem:v55+s2+$0x0], $0xffff  }
0x12a: {  	s10 =	sadd.s32 $0x10, s10;
	s7 =	sadd.s32 $0x1, s7;
	s14 =	smov.u32 s12;
	vm3 =	vlt.s32 v41, $0x103F;
	v55 =	vadd.s32 $0x1C, v46;
	v46 =	vmovc v45;
	v45 =	vmovc v61;
	v58 =	vnsel vm5, $0x103F, v59;
	[tilespmem:s4+$0x2280] =	vst v62;
	v49 =	vld.idx.msk [tilespmem:v63+s2+$0x0], $0xffff  }
0x12b: {  	v59 =	vnsel vm3, $0x103F, v41;
	_ =	sdelay $0x3  }
0x12c: {  	v60 =	vadd.s32 $0x4, v41  }
0x12d: {  	vm3 =	vlt.s32 v60, $0x103F;
	v59 =	vld.idx.msk [tilespmem:v59+s2+$0x0], $0xffff  }
0x12e: {  	s10 =	sadd.s32 $0x80, s9;
	v60 =	vnsel vm3, $0x103F, v60  }
0x12f: {  	s12 =	sand.u32 $0x70, s14;
	s16 =	sand.u32 $0x3C00, s10;
	s9 =	sadd.s32 $0x80, s10  }
0x130: {  	s11 =	sand.u32 $0x70, s11;
	s12 =	sor.u32 s12, s16;
	s15 =	sand.u32 $0x3C00, s9  }
0x131: {  	v62 =	vadd.s32 $0x8, v42;
	[tilespmem:s12+$0x2080] =	vst v56;
	s11 =	sor.u32 s11, s15  }
0x132: {  	vm3 =	vlt.s32 v62, $0x103F;
	v58 =	vld.idx.msk [tilespmem:v58+s2+$0x0], $0xffff;
	[tilespmem:s11+$0x2080] =	vst v59;
	v59 =	vadd.s32 $0x8, v41  }
0x133: {  	v56 =	vnsel vm3, $0x103F, v62;
	v60 =	vld.idx.msk [tilespmem:v60+s2+$0x0], $0xffff;
	vm3 =	vlt.s32 v59, $0x103F  }
0x134: {  	v59 =	vnsel vm3, $0x103F, v59;
	_ =	sdelay $0x1  }
0x135: {  	v63 =	vadd.s32 $0xC, v43;
	[tilespmem:s29+$0x2100] =	vst v53  }
0x136: {  	v57 =	vld.idx.msk [tilespmem:v57+s2+$0x0], $0xffff;
	[tilespmem:s12+$0x2100] =	vst v58;
	v58 =	vadd.s32 $0xC, v42;
	vm3 =	vlt.s32 v63, $0x103F  }
0x137: {  	v56 =	vld.idx.msk [tilespmem:v56+s2+$0x0], $0xffff;
	v53 =	vnsel vm3, $0x103F, v63;
	vm3 =	vlt.s32 v58, $0x103F;
	[tilespmem:s11+$0x2100] =	vst v60;
	v60 =	vadd.s32 $0xC, v41  }
0x138: {  	v58 =	vnsel vm3, $0x103F, v58;
	v59 =	vld.idx.msk [tilespmem:v59+s2+$0x0], $0xffff;
	vm3 =	vlt.s32 v60, $0x103F  }
0x139: {  	[tilespmem:s5+$0x2200] =	vst v52;
	v52 =	vnsel vm3, $0x103F, v60  }
0x13a: {  	[tilespmem:s6+$0x2180] =	vst v51;
	s16 =	sand.u32 $0x7, s7;
	v60 =	vadd.s32 $0x10, v44  }
0x13b: {  	v61 =	vadd.s32 $0x10, v43;
	v54 =	vld.idx.msk [tilespmem:v54+s2+$0x0], $0xffff;
	s14 =	sshll.u32 s16, $0x4;
	[tilespmem:s29+$0x2180] =	vst v57;
	vm3 =	vlt.s32 v60, $0x103F  }
0x13c: {  	v62 =	vadd.s32 $0x10, v42;
	s13 =	sadd.s32 s14, s13;
	[tilespmem:s12+$0x2180] =	vst v56;
	v53 =	vld.idx.msk [tilespmem:v53+s2+$0x0], $0xffff;
	v51 =	vnsel vm3, $0x103F, v60;
	vm3 =	vlt.s32 v61, $0x103F  }
0x13d: {  	s13 =	sor.u32 $0x380, s13;
	v63 =	vadd.s32 $0x10, v41;
	v58 =	vld.idx.msk [tilespmem:v58+s2+$0x0], $0xffff;
	v57 =	vnsel vm3, $0x103F, v61;
	vm3 =	vlt.s32 v62, $0x103F;
	[tilespmem:s11+$0x2180] =	vst v59  }
0x13e: {  	[tilespmem:s13+$0x2080] =	vst v50;
	v50 =	vnsel vm3, $0x103F, v62;
	vm3 =	vlt.s32 v63, $0x103F;
	v52 =	vld.idx.msk [tilespmem:v52+s2+$0x0], $0xffff  }
0x13f: {  	v48 =	vld.idx.msk [tilespmem:v48+s2+$0x0], $0xffff;
	vm4 =	vlt.s32 v55, $0x103F;
	[tilespmem:s8+$0x2380] =	vst v49;
	v60 =	vadd.s32 $0x14, v45;
	v49 =	vnsel vm3, $0x103F, v63  }
0x140: {  	v47 =	vld.idx.msk [tilespmem:v47+s2+$0x0], $0xffff;
	v55 =	vnsel vm4, $0x103F, v55;
	[tilespmem:s6+$0x2200] =	vst v54;
	v61 =	vadd.s32 $0x14, v44;
	vm3 =	vlt.s32 v60, $0x103F  }
0x141: {  	v62 =	vadd.s32 $0x14, v43;
	[tilespmem:s29+$0x2200] =	vst v53;
	v56 =	vnsel vm3, $0x103F, v60;
	vm3 =	vlt.s32 v61, $0x103F;
	v51 =	vld.idx.msk [tilespmem:v51+s2+$0x0], $0xffff  }
0x142: {  	v63 =	vadd.s32 $0x14, v42;
	[tilespmem:s12+$0x2200] =	vst v58;
	v54 =	vnsel vm3, $0x103F, v61;
	vm3 =	vlt.s32 v62, $0x103F;
	v57 =	vld.idx.msk [tilespmem:v57+s2+$0x0], $0xffff  }
0x143: {  	v60 =	vadd.s32 $0x14, v41;
	v53 =	vnsel vm3, $0x103F, v62;
	vm3 =	vlt.s32 v63, $0x103F;
	v50 =	vld.idx.msk [tilespmem:v50+s2+$0x0], $0xffff;
	[tilespmem:s11+$0x2200] =	vst v52  }
0x144: {  	[tilespmem:s4+$0x2300] =	vst v48;
	v61 =	vadd.s32 $0x18, v46;
	v48 =	vnsel vm3, $0x103F, v63;
	vm3 =	vlt.s32 v60, $0x103F;
	v49 =	vld.idx.msk [tilespmem:v49+s2+$0x0], $0xffff  }
0x145: {  	s15 =	sadd.s32 $0x1, s7;
	v55 =	vld.idx.msk [tilespmem:v55+s2+$0x0], $0xffff;
	[tilespmem:s5+$0x2280] =	vst v47;
	vm4 =	vlt.s32 v61, $0x103F;
	v62 =	vadd.s32 $0x18, v45;
	v52 =	vnsel vm3, $0x103F, v60  }
0x146: {  	s16 =	sand.u32 $0x7, s15;
	v58 =	vnsel vm4, $0x103F, v61;
	v63 =	vadd.s32 $0x18, v44;
	vm3 =	vlt.s32 v62, $0x103F;
	v56 =	vld.idx.msk [tilespmem:v56+s2+$0x0], $0xffff;
	[tilespmem:s6+$0x2280] =	vst v51  }
0x147: {  	s8 =	sshll.u32 s16, $0x4;
	v60 =	vadd.s32 $0x18, v43;
	v47 =	vnsel vm3, $0x103F, v62;
	vm3 =	vlt.s32 v63, $0x103F;
	v54 =	vld.idx.msk [tilespmem:v54+s2+$0x0], $0xffff;
	[tilespmem:s29+$0x2280] =	vst v57  }
0x148: {  	s8 =	sadd.s32 s8, s30;
	v61 =	vadd.s32 $0x18, v42;
	v51 =	vnsel vm3, $0x103F, v63;
	vm3 =	vlt.s32 v60, $0x103F;
	v53 =	vld.idx.msk [tilespmem:v53+s2+$0x0], $0xffff;
	[tilespmem:s12+$0x2280] =	vst v50  }
0x149: {  	s8 =	sor.u32 $0x380, s8;
	v62 =	vadd.s32 $0x18, v41;
	v57 =	vnsel vm3, $0x103F, v60;
	vm3 =	vlt.s32 v61, $0x103F;
	v48 =	vld.idx.msk [tilespmem:v48+s2+$0x0], $0xffff;
	[tilespmem:s11+$0x2280] =	vst v49  }
0x14a: {  	[tilespmem:s8+$0x2080] =	vst v55;
	v63 =	vadd.s32 $0x1C, v46;
	v50 =	vnsel vm3, $0x103F, v61;
	vm3 =	vlt.s32 v62, $0x103F;
	v52 =	vld.idx.msk [tilespmem:v52+s2+$0x0], $0xffff  }
0x14b: {  	vm4 =	vlt.s32 v63, $0x103F;
	v60 =	vadd.s32 $0x1C, v45;
	v59 =	vld.idx.msk [tilespmem:v58+s2+$0x0], $0xffff;
	[tilespmem:s5+$0x2300] =	vst v56;
	v49 =	vnsel vm3, $0x103F, v62  }
0x14c: {  	v46 =	vnsel vm4, $0x103F, v63;
	v61 =	vadd.s32 $0x1C, v44;
	vm3 =	vlt.s32 v60, $0x103F;
	v47 =	vld.idx.msk [tilespmem:v47+s2+$0x0], $0xffff;
	[tilespmem:s6+$0x2300] =	vst v54  }
0x14d: {  	v62 =	vadd.s32 $0x1C, v43;
	v45 =	vnsel vm3, $0x103F, v60;
	vm3 =	vlt.s32 v61, $0x103F;
	v51 =	vld.idx.msk [tilespmem:v51+s2+$0x0], $0xffff;
	[tilespmem:s29+$0x2300] =	vst v53  }
0x14e: {  	s7 =	sadd.s32 $0x1, s15;
	v63 =	vadd.s32 $0x1C, v42;
	v44 =	vnsel vm3, $0x103F, v61;
	vm3 =	vlt.s32 v62, $0x103F;
	v53 =	vld.idx.msk [tilespmem:v57+s2+$0x0], $0xffff;
	[tilespmem:s12+$0x2300] =	vst v48  }
0x14f: {  	s8 =	sand.u32 $0x7, s7;
	s7 =	sadd.s32 $0x1, s7;
	v54 =	vadd.s32 $0x1C, v41;
	v43 =	vnsel vm3, $0x103F, v62;
	vm3 =	vlt.s32 v63, $0x103F;
	v48 =	vld.idx.msk [tilespmem:v50+s2+$0x0], $0xffff;
	[tilespmem:s11+$0x2300] =	vst v52  }
0x150: {  	s13 =	sand.u32 $0x7, s7;
	s7 =	sadd.s32 $0x1, s7;
	[tilespmem:s4+$0x2380] =	vst v59;
	v42 =	vnsel vm3, $0x103F, v63;
	vm3 =	vlt.s32 v54, $0x103F;
	v49 =	vld.idx.msk [tilespmem:v49+s2+$0x0], $0xffff  }
0x151: {  	s14 =	sshll.u32 s13, $0x4;
	s15 =	sand.u32 $0x7, s7;
	v46 =	vld.idx.msk [tilespmem:v46+s2+$0x0], $0xffff;
	v41 =	vnsel vm3, $0x103F, v54;
	[tilespmem:s5+$0x2380] =	vst v47  }
0x152: {  	s1 =	sadd.s32 s14, s1;
	s16 =	sshll.u32 s15, $0x4;
	v45 =	vld.idx.msk [tilespmem:v45+s2+$0x0], $0xffff;
	[tilespmem:s6+$0x2380] =	vst v51  }
0x153: {  	s1 =	sor.u32 $0x380, s1;
	s3 =	sadd.s32 s16, s3;
	s4 =	sshll.u32 s8, $0x4;
	v44 =	vld.idx.msk [tilespmem:v44+s2+$0x0], $0xffff;
	[tilespmem:s29+$0x2380] =	vst v53  }
0x154: {  	s3 =	sor.u32 $0x380, s3;
	s0 =	sadd.s32 s4, s0;
	s5 =	sadd.s32 $0x1, s7;
	v43 =	vld.idx.msk [tilespmem:v43+s2+$0x0], $0xffff;
	[tilespmem:s12+$0x2380] =	vst v48  }
0x155: {  	s0 =	sor.u32 $0x380, s0;
	s4 =	sadd.s32 $0x1, s5;
	s6 =	sand.u32 $0x7, s5;
	v42 =	vld.idx.msk [tilespmem:v42+s2+$0x0], $0xffff;
	[tilespmem:s11+$0x2380] =	vst v49  }
0x156: {  	s8 =	sand.u32 $0x7, s4;
	s4 =	sadd.s32 $0x1, s4;
	[tilespmem:s0+$0x2080] =	vst v46;
	s7 =	sshll.u32 s6, $0x4;
	v41 =	vld.idx.msk [tilespmem:v41+s2+$0x0], $0xffff  }
0x157: {  	s4 =	sand.u32 $0x7, s4;
	s0 =	sadd.s32 s7, s31;
	[tilespmem:s1+$0x2080] =	vst v45;
	s11 =	sshll.u32 s8, $0x4  }
0x158: {  	s12 =	sshll.u32 s4, $0x4;
	s0 =	sor.u32 $0x380, s0;
	s1 =	sadd.s32 s11, s10;
	[tilespmem:s3+$0x2080] =	vst v44  }
0x159: {  	s14 =	sadd.s32 s12, s9;
	s13 =	sor.u32 $0x380, s1;
	[tilespmem:s0+$0x2080] =	vst v43  }
0x15a: {  	s15 =	sor.u32 $0x380, s14;
	[tilespmem:s13+$0x2080] =	vst v42  }
0x15b: {  	[tilespmem:s15+$0x2080] =	vst v41  }
0x15c: {  	s7 =	simm.s32 $0x0;
	s0 =	rddreg [dreg:$0x9]  }
0x15d: {  	[hbm4b:s0+s7] =	stream.linear.scatter [tilespmem:s22], [sflag:$0x3], $0x4000, $0x38;
	[tilespmem:$0xA080] =	vst v63  }
0x15e: {  	s16 =	rddreg [dreg:$0xa]  }
0x15f: {  	[tilespmem:s7], [sflag:$0x1] =	stream.linear.gather [hbm4b:s16+s7], $0x1040, $0x38;
	[tilespmem:$0xA080] =	vst v63  }
0x160: {  	_ =	swait.ge [sflag:s23], $0x1040  }
0x161: {  	[sflag:s23] =	ssyncset.done $0x0  }
0x162: {  	[sflag:s23] =	ssyncadd.s32 $0xFFFFEFC0  }
0x163: {  	_ =	swait.ge [sflag:s26], $0x4000  }
0x164: {  	[sflag:s26] =	ssyncset.done $0x0  }
0x165: {  	[sflag:s26] =	ssyncadd.s32 $0xFFFFC000  }
0x166: {  	v56 =	vld.idx.msk [tilespmem:v8+s20+$0x0], $0xffff;
	_ =	sdelay $0x2  }
0x167: {  	s1 =	sand.u32 $0x70, s7;
	s3 =	sand.u32 $0x3C00, s7  }
0x168: {  	s10 =	sor.u32 s1, s3  }
0x169: {  	v57 =	vld.idx.msk [tilespmem:v10+s20+$0x0], $0xffff;
	[tilespmem:s10+$0x6080] =	vst v56  }
0x16a: {  	v41 =	vld.idx.msk [tilespmem:v9+s20+$0x0], $0xffff  }
0x16b: {  	s30 =	simm.s32 $0x80;
	s4 =	simm.s32 $0x10  }
0x16c: {  	s5 =	sand.u32 $0x3C00, s30;
	s0 =	sand.u32 $0x70, s4  }
0x16d: {  	s8 =	sor.u32 s0, s5  }
0x16e: {  	[tilespmem:s8+$0x6080] =	vst v57  }
0x16f: {  	v42 =	vld.idx.msk [tilespmem:v12+s20+$0x0], $0xffff;
	[tilespmem:s10+$0x6100] =	vst v41  }
0x170: {  	v41 =	vld.idx.msk [tilespmem:v11+s20+$0x0], $0xffff  }
0x171: {  	v58 =	vld.idx.msk [tilespmem:v13+s20+$0x0], $0xffff;
	_ =	sdelay $0x1  }
0x172: {  	s6 =	simm.s32 $0x20;
	s0 =	simm.s32 $0x100  }
0x173: {  	s1 =	sand.u32 $0x70, s6;
	s9 =	sand.u32 $0x3C00, s0;
	[tilespmem:s8+$0x6100] =	vst v42  }
0x174: {  	s4 =	sor.u32 s1, s9;
	v42 =	vld.idx.msk [tilespmem:v15+s20+$0x0], $0xffff;
	[tilespmem:s10+$0x6180] =	vst v41  }
0x175: {  	[tilespmem:s4+$0x6080] =	vst v58;
	v41 =	vld.idx.msk [tilespmem:v14+s20+$0x0], $0xffff  }
0x176: {  	v43 =	vld.idx.msk [tilespmem:v16+s20+$0x0], $0xffff  }
0x177: {  	v59 =	vld.idx.msk [tilespmem:v17+s20+$0x0], $0xffff;
	_ =	sdelay $0x1  }
0x178: {  	s11 =	simm.s32 $0x30;
	s1 =	simm.s32 $0x180;
	[tilespmem:s8+$0x6180] =	vst v42  }
0x179: {  	s3 =	sand.u32 $0x70, s11;
	s12 =	sand.u32 $0x3C00, s1;
	v42 =	vld.idx.msk [tilespmem:v19+s20+$0x0], $0xffff;
	[tilespmem:s10+$0x6200] =	vst v41  }
0x17a: {  	s5 =	sor.u32 s3, s12;
	[tilespmem:s4+$0x6100] =	vst v43;
	v41 =	vld.idx.msk [tilespmem:v18+s20+$0x0], $0xffff  }
0x17b: {  	[tilespmem:s5+$0x6080] =	vst v59;
	v43 =	vld.idx.msk [tilespmem:v20+s20+$0x0], $0xffff  }
0x17c: {  	v44 =	vld.idx.msk [tilespmem:v21+s20+$0x0], $0xffff  }
0x17d: {  	v60 =	vld.idx.msk [tilespmem:v22+s20+$0x0], $0xffff  }
0x17e: {  	v61 =	vld.idx.msk [tilespmem:v28+s20+$0x0], $0xffff;
	[tilespmem:s8+$0x6200] =	vst v42  }
0x17f: {  	v42 =	vld.idx.msk [tilespmem:v24+s20+$0x0], $0xffff;
	[tilespmem:s10+$0x6280] =	vst v41  }
0x180: {  	s13 =	simm.s32 $0x40;
	s3 =	simm.s32 $0x200;
	[tilespmem:s4+$0x6180] =	vst v43;
	v41 =	vld.idx.msk [tilespmem:v23+s20+$0x0], $0xffff  }
0x181: {  	s6 =	sand.u32 $0x70, s13;
	s14 =	sand.u32 $0x3C00, s3;
	[tilespmem:s5+$0x6100] =	vst v44;
	v43 =	vld.idx.msk [tilespmem:v25+s20+$0x0], $0xffff  }
0x182: {  	s6 =	sor.u32 s6, s14;
	v44 =	vld.idx.msk [tilespmem:v26+s20+$0x0], $0xffff  }
0x183: {  	[tilespmem:s6+$0x6080] =	vst v60;
	v56 =	vld.idx.msk [tilespmem:v35+s20+$0x0], $0xffff  }
0x184: {  	v45 =	vld.idx.msk [tilespmem:v27+s20+$0x0], $0xffff;
	[tilespmem:s8+$0x6280] =	vst v42  }
0x185: {  	s15 =	simm.s32 $0x50;
	s9 =	simm.s32 $0x280;
	v42 =	vld.idx.msk [tilespmem:v30+s20+$0x0], $0xffff;
	[tilespmem:s10+$0x6300] =	vst v41  }
0x186: {  	s11 =	sand.u32 $0x70, s15;
	s16 =	sand.u32 $0x3C00, s9;
	[tilespmem:s4+$0x6200] =	vst v43;
	v41 =	vld.idx.msk [tilespmem:v29+s20+$0x0], $0xffff  }
0x187: {  	s29 =	sor.u32 s11, s16;
	[tilespmem:s5+$0x6180] =	vst v44;
	v43 =	vld.idx.msk [tilespmem:v31+s20+$0x0], $0xffff  }
0x188: {  	v62 =	vadd.s32 $0xC, v4;
	v48 =	vnsel vm0, $0x103F, v38;
	[tilespmem:s29+$0x6080] =	vst v61;
	v52 =	vld.idx.msk [tilespmem:v32+s20+$0x0], $0xffff  }
0x189: {  	v55 =	vadd.s32 $0x1C, v7;
	v63 =	vadd.s32 $0x8, v5;
	vm3 =	vlt.s32 v62, $0x103F;
	v53 =	vld.idx.msk [tilespmem:v34+s20+$0x0], $0xffff;
	[tilespmem:s6+$0x6100] =	vst v45  }
0x18a: {  	vm4 =	vlt.s32 v63, $0x103F;
	v47 =	vnsel vm1, $0x103F, v39;
	v54 =	vnsel vm3, $0x103F, v62;
	v51 =	vld.idx.msk [tilespmem:v33+s20+$0x0], $0xffff;
	[tilespmem:s8+$0x6300] =	vst v42  }
0x18b: {  	v46 =	vmovc v2;
	s31 =	simm.s32 $0x280;
	s13 =	simm.s32 $0x0;
	v57 =	vnsel vm4, $0x103F, v63;
	v58 =	vnsel vm2, $0x103F, v40;
	v49 =	vld.idx.msk [tilespmem:v37+s20+$0x0], $0xffff;
	[tilespmem:s10+$0x6380] =	vst v41;
	v41 =	vadd.s32 $0x20, v6  }
0x18c: {  	s11 =	simm.s32 $0x70;
	s14 =	simm.s32 $0x60;
	v45 =	vmovc v3;
	v44 =	vmovc v4;
	[tilespmem:s4+$0x6280] =	vst v43;
	v43 =	vmov v5;
	v42 =	vmov v6;
	s10 =	simm.s32 $0x80;
	v50 =	vld.idx.msk [tilespmem:v36+s20+$0x0], $0xffff;
	vm3 =	vlt.s32 v41, $0x103F  }
.LBB2_8:
0x18d: {  	p0 =	sne.s32 s10, $0x7F0;
	v59 =	vnsel vm3, $0x103F, v41;
	s9 =	sadd.s32 $0x80, s9;
	[tilespmem:s5+$0x6200] =	vst v52;
	v60 =	vld.idx.msk [tilespmem:v48+s20+$0x0], $0xffff;
	v48 =	vadd.s32 $0x18, v46  }
0x18e: {  	vm3 =	vlt.s32 v55, $0x103F;
	s15 =	sand.u32 $0x7, s7;
	v61 =	vmovc v44;
	v44 =	vmovc v43;
	v43 =	vmov v42;
	v42 =	vmov v41;
	s12 =	smov.u32 s11;
	s11 =	smov.u32 s10  }
0x18f: {  	s14 =	sand.u32 $0x70, s14;
	s16 =	sand.u32 $0x3C00, s9;
	[tilespmem:s6+$0x6180] =	vst v51;
	v62 =	vld.idx.msk [tilespmem:v47+s20+$0x0], $0xffff;
	v47 =	vadd.s32 $0x14, v45;
	vm4 =	vlt.s32 v48, $0x103F;
	v55 =	vnsel vm3, $0x103F, v55;
	s15 =	sshll.u32 s15, $0x4  }
0x190: {  	s14 =	sor.u32 s14, s16;
	[tilespmem:s29+$0x6100] =	vst v53;
	v52 =	vld.idx.msk [tilespmem:v54+s20+$0x0], $0xffff;
	v54 =	vadd.s32 $0x10, v61;
	vm3 =	vlt.s32 v47, $0x103F;
	v63 =	vnsel vm4, $0x103F, v48;
	s15 =	sadd.s32 s15, s13;
	s13 =	smov.u32 s30  }
.Ltmp3:
0x191: {  	s30 =	smov.u32 s0;
	[tilespmem:s14+$0x6080] =	vst v56;
	v51 =	vld.idx.msk [tilespmem:v57+s20+$0x0], $0xffff;
	v57 =	vadd.s32 $0xC, v44;
	vm4 =	vlt.s32 v54, $0x103F;
	v48 =	vnsel vm3, $0x103F, v47;
	s15 =	sor.u32 $0x380, s15;
	(pc) =	sbr.rel @p0 .LBB2_8-.Ltmp3, $4  }
0x192: {  	s0 =	smov.u32 s1;
	s1 =	smov.u32 s3;
	s3 =	smov.u32 s31;
	v53 =	vld.idx.msk [tilespmem:v58+s20+$0x0], $0xffff;
	v58 =	vadd.s32 $0x8, v43;
	vm3 =	vlt.s32 v57, $0x103F;
	v47 =	vnsel vm4, $0x103F, v54;
	[tilespmem:s15+$0x6080] =	vst v50  }
0x193: {  	s31 =	smov.u32 s9;
	v56 =	vld.idx.msk [tilespmem:v59+s20+$0x0], $0xffff;
	v59 =	vadd.s32 $0x4, v41;
	vm4 =	vlt.s32 v58, $0x103F;
	v54 =	vnsel vm3, $0x103F, v57;
	[tilespmem:s8+$0x6380] =	vst v49;
	s8 =	smov.u32 s4;
	s4 =	smov.u32 s5  }
0x194: {  	v41 =	vadd.s32 $0x20, v41;
	s5 =	smov.u32 s6;
	s6 =	smov.u32 s29;
	s29 =	smov.u32 s14;
	vm5 =	vlt.s32 v59, $0x103F;
	v57 =	vnsel vm4, $0x103F, v58;
	[tilespmem:s8+$0x6300] =	vst v60;
	v50 =	vld.idx.msk [tilespmem:v55+s20+$0x0], $0xffff  }
0x195: {  	s10 =	sadd.s32 $0x10, s10;
	s7 =	sadd.s32 $0x1, s7;
	s14 =	smov.u32 s12;
	vm3 =	vlt.s32 v41, $0x103F;
	v55 =	vadd.s32 $0x1C, v46;
	v46 =	vmovc v45;
	v45 =	vmovc v61;
	v58 =	vnsel vm5, $0x103F, v59;
	[tilespmem:s4+$0x6280] =	vst v62;
	v49 =	vld.idx.msk [tilespmem:v63+s20+$0x0], $0xffff  }
0x196: {  	v59 =	vnsel vm3, $0x103F, v41;
	_ =	sdelay $0x3  }
0x197: {  	v60 =	vadd.s32 $0x4, v41  }
0x198: {  	vm3 =	vlt.s32 v60, $0x103F;
	v59 =	vld.idx.msk [tilespmem:v59+s20+$0x0], $0xffff  }
0x199: {  	s10 =	sadd.s32 $0x80, s9;
	v60 =	vnsel vm3, $0x103F, v60  }
0x19a: {  	s12 =	sand.u32 $0x70, s14;
	s16 =	sand.u32 $0x3C00, s10;
	s9 =	sadd.s32 $0x80, s10  }
0x19b: {  	s11 =	sand.u32 $0x70, s11;
	s12 =	sor.u32 s12, s16;
	s15 =	sand.u32 $0x3C00, s9  }
0x19c: {  	v62 =	vadd.s32 $0x8, v42;
	[tilespmem:s12+$0x6080] =	vst v56;
	s11 =	sor.u32 s11, s15  }
0x19d: {  	vm3 =	vlt.s32 v62, $0x103F;
	v58 =	vld.idx.msk [tilespmem:v58+s20+$0x0], $0xffff;
	[tilespmem:s11+$0x6080] =	vst v59;
	v59 =	vadd.s32 $0x8, v41  }
0x19e: {  	v56 =	vnsel vm3, $0x103F, v62;
	v60 =	vld.idx.msk [tilespmem:v60+s20+$0x0], $0xffff;
	vm3 =	vlt.s32 v59, $0x103F  }
0x19f: {  	v59 =	vnsel vm3, $0x103F, v59;
	_ =	sdelay $0x1  }
0x1a0: {  	v63 =	vadd.s32 $0xC, v43;
	[tilespmem:s29+$0x6100] =	vst v53  }
0x1a1: {  	v57 =	vld.idx.msk [tilespmem:v57+s20+$0x0], $0xffff;
	[tilespmem:s12+$0x6100] =	vst v58;
	v58 =	vadd.s32 $0xC, v42;
	vm3 =	vlt.s32 v63, $0x103F  }
0x1a2: {  	v56 =	vld.idx.msk [tilespmem:v56+s20+$0x0], $0xffff;
	v53 =	vnsel vm3, $0x103F, v63;
	vm3 =	vlt.s32 v58, $0x103F;
	[tilespmem:s11+$0x6100] =	vst v60;
	v60 =	vadd.s32 $0xC, v41  }
0x1a3: {  	v58 =	vnsel vm3, $0x103F, v58;
	v59 =	vld.idx.msk [tilespmem:v59+s20+$0x0], $0xffff;
	vm3 =	vlt.s32 v60, $0x103F  }
0x1a4: {  	[tilespmem:s5+$0x6200] =	vst v52;
	v52 =	vnsel vm3, $0x103F, v60  }
0x1a5: {  	[tilespmem:s6+$0x6180] =	vst v51;
	s16 =	sand.u32 $0x7, s7;
	v60 =	vadd.s32 $0x10, v44  }
0x1a6: {  	v61 =	vadd.s32 $0x10, v43;
	v54 =	vld.idx.msk [tilespmem:v54+s20+$0x0], $0xffff;
	s14 =	sshll.u32 s16, $0x4;
	[tilespmem:s29+$0x6180] =	vst v57;
	vm3 =	vlt.s32 v60, $0x103F  }
0x1a7: {  	v62 =	vadd.s32 $0x10, v42;
	s13 =	sadd.s32 s14, s13;
	[tilespmem:s12+$0x6180] =	vst v56;
	v53 =	vld.idx.msk [tilespmem:v53+s20+$0x0], $0xffff;
	v51 =	vnsel vm3, $0x103F, v60;
	vm3 =	vlt.s32 v61, $0x103F  }
0x1a8: {  	s13 =	sor.u32 $0x380, s13;
	v63 =	vadd.s32 $0x10, v41;
	v58 =	vld.idx.msk [tilespmem:v58+s20+$0x0], $0xffff;
	v57 =	vnsel vm3, $0x103F, v61;
	vm3 =	vlt.s32 v62, $0x103F;
	[tilespmem:s11+$0x6180] =	vst v59  }
0x1a9: {  	[tilespmem:s13+$0x6080] =	vst v50;
	v50 =	vnsel vm3, $0x103F, v62;
	vm3 =	vlt.s32 v63, $0x103F;
	v52 =	vld.idx.msk [tilespmem:v52+s20+$0x0], $0xffff  }
0x1aa: {  	v48 =	vld.idx.msk [tilespmem:v48+s20+$0x0], $0xffff;
	vm4 =	vlt.s32 v55, $0x103F;
	[tilespmem:s8+$0x6380] =	vst v49;
	v60 =	vadd.s32 $0x14, v45;
	v49 =	vnsel vm3, $0x103F, v63  }
0x1ab: {  	v47 =	vld.idx.msk [tilespmem:v47+s20+$0x0], $0xffff;
	v55 =	vnsel vm4, $0x103F, v55;
	[tilespmem:s6+$0x6200] =	vst v54;
	v61 =	vadd.s32 $0x14, v44;
	vm3 =	vlt.s32 v60, $0x103F  }
0x1ac: {  	v62 =	vadd.s32 $0x14, v43;
	[tilespmem:s29+$0x6200] =	vst v53;
	v56 =	vnsel vm3, $0x103F, v60;
	vm3 =	vlt.s32 v61, $0x103F;
	v51 =	vld.idx.msk [tilespmem:v51+s20+$0x0], $0xffff  }
0x1ad: {  	v63 =	vadd.s32 $0x14, v42;
	[tilespmem:s12+$0x6200] =	vst v58;
	v54 =	vnsel vm3, $0x103F, v61;
	vm3 =	vlt.s32 v62, $0x103F;
	v57 =	vld.idx.msk [tilespmem:v57+s20+$0x0], $0xffff  }
0x1ae: {  	v60 =	vadd.s32 $0x14, v41;
	v53 =	vnsel vm3, $0x103F, v62;
	vm3 =	vlt.s32 v63, $0x103F;
	v50 =	vld.idx.msk [tilespmem:v50+s20+$0x0], $0xffff;
	[tilespmem:s11+$0x6200] =	vst v52  }
0x1af: {  	[tilespmem:s4+$0x6300] =	vst v48;
	v61 =	vadd.s32 $0x18, v46;
	v48 =	vnsel vm3, $0x103F, v63;
	vm3 =	vlt.s32 v60, $0x103F;
	v49 =	vld.idx.msk [tilespmem:v49+s20+$0x0], $0xffff  }
0x1b0: {  	s15 =	sadd.s32 $0x1, s7;
	v55 =	vld.idx.msk [tilespmem:v55+s20+$0x0], $0xffff;
	[tilespmem:s5+$0x6280] =	vst v47;
	vm4 =	vlt.s32 v61, $0x103F;
	v62 =	vadd.s32 $0x18, v45;
	v52 =	vnsel vm3, $0x103F, v60  }
0x1b1: {  	s16 =	sand.u32 $0x7, s15;
	v58 =	vnsel vm4, $0x103F, v61;
	v63 =	vadd.s32 $0x18, v44;
	vm3 =	vlt.s32 v62, $0x103F;
	v56 =	vld.idx.msk [tilespmem:v56+s20+$0x0], $0xffff;
	[tilespmem:s6+$0x6280] =	vst v51  }
0x1b2: {  	s8 =	sshll.u32 s16, $0x4;
	v60 =	vadd.s32 $0x18, v43;
	v47 =	vnsel vm3, $0x103F, v62;
	vm3 =	vlt.s32 v63, $0x103F;
	v54 =	vld.idx.msk [tilespmem:v54+s20+$0x0], $0xffff;
	[tilespmem:s29+$0x6280] =	vst v57  }
0x1b3: {  	s8 =	sadd.s32 s8, s30;
	v61 =	vadd.s32 $0x18, v42;
	v51 =	vnsel vm3, $0x103F, v63;
	vm3 =	vlt.s32 v60, $0x103F;
	v53 =	vld.idx.msk [tilespmem:v53+s20+$0x0], $0xffff;
	[tilespmem:s12+$0x6280] =	vst v50  }
0x1b4: {  	s8 =	sor.u32 $0x380, s8;
	v62 =	vadd.s32 $0x18, v41;
	v57 =	vnsel vm3, $0x103F, v60;
	vm3 =	vlt.s32 v61, $0x103F;
	v48 =	vld.idx.msk [tilespmem:v48+s20+$0x0], $0xffff;
	[tilespmem:s11+$0x6280] =	vst v49  }
0x1b5: {  	[tilespmem:s8+$0x6080] =	vst v55;
	v63 =	vadd.s32 $0x1C, v46;
	v50 =	vnsel vm3, $0x103F, v61;
	vm3 =	vlt.s32 v62, $0x103F;
	v52 =	vld.idx.msk [tilespmem:v52+s20+$0x0], $0xffff  }
0x1b6: {  	vm4 =	vlt.s32 v63, $0x103F;
	v60 =	vadd.s32 $0x1C, v45;
	v59 =	vld.idx.msk [tilespmem:v58+s20+$0x0], $0xffff;
	[tilespmem:s5+$0x6300] =	vst v56;
	v49 =	vnsel vm3, $0x103F, v62  }
0x1b7: {  	v46 =	vnsel vm4, $0x103F, v63;
	v61 =	vadd.s32 $0x1C, v44;
	vm3 =	vlt.s32 v60, $0x103F;
	v47 =	vld.idx.msk [tilespmem:v47+s20+$0x0], $0xffff;
	[tilespmem:s6+$0x6300] =	vst v54  }
0x1b8: {  	v62 =	vadd.s32 $0x1C, v43;
	v45 =	vnsel vm3, $0x103F, v60;
	vm3 =	vlt.s32 v61, $0x103F;
	v51 =	vld.idx.msk [tilespmem:v51+s20+$0x0], $0xffff;
	[tilespmem:s29+$0x6300] =	vst v53  }
0x1b9: {  	s7 =	sadd.s32 $0x1, s15;
	v63 =	vadd.s32 $0x1C, v42;
	v44 =	vnsel vm3, $0x103F, v61;
	vm3 =	vlt.s32 v62, $0x103F;
	v53 =	vld.idx.msk [tilespmem:v57+s20+$0x0], $0xffff;
	[tilespmem:s12+$0x6300] =	vst v48  }
0x1ba: {  	s8 =	sand.u32 $0x7, s7;
	s7 =	sadd.s32 $0x1, s7;
	v54 =	vadd.s32 $0x1C, v41;
	v43 =	vnsel vm3, $0x103F, v62;
	vm3 =	vlt.s32 v63, $0x103F;
	v48 =	vld.idx.msk [tilespmem:v50+s20+$0x0], $0xffff;
	[tilespmem:s11+$0x6300] =	vst v52  }
0x1bb: {  	s13 =	sand.u32 $0x7, s7;
	s7 =	sadd.s32 $0x1, s7;
	[tilespmem:s4+$0x6380] =	vst v59;
	v42 =	vnsel vm3, $0x103F, v63;
	vm3 =	vlt.s32 v54, $0x103F;
	v49 =	vld.idx.msk [tilespmem:v49+s20+$0x0], $0xffff  }
0x1bc: {  	s14 =	sshll.u32 s13, $0x4;
	s15 =	sand.u32 $0x7, s7;
	v46 =	vld.idx.msk [tilespmem:v46+s20+$0x0], $0xffff;
	v41 =	vnsel vm3, $0x103F, v54;
	[tilespmem:s5+$0x6380] =	vst v47  }
0x1bd: {  	s1 =	sadd.s32 s14, s1;
	s16 =	sshll.u32 s15, $0x4;
	v45 =	vld.idx.msk [tilespmem:v45+s20+$0x0], $0xffff;
	[tilespmem:s6+$0x6380] =	vst v51  }
0x1be: {  	s1 =	sor.u32 $0x380, s1;
	s3 =	sadd.s32 s16, s3;
	s4 =	sshll.u32 s8, $0x4;
	v44 =	vld.idx.msk [tilespmem:v44+s20+$0x0], $0xffff;
	[tilespmem:s29+$0x6380] =	vst v53  }
0x1bf: {  	s3 =	sor.u32 $0x380, s3;
	s0 =	sadd.s32 s4, s0;
	s5 =	sadd.s32 $0x1, s7;
	v43 =	vld.idx.msk [tilespmem:v43+s20+$0x0], $0xffff;
	[tilespmem:s12+$0x6380] =	vst v48  }
0x1c0: {  	s0 =	sor.u32 $0x380, s0;
	s4 =	sadd.s32 $0x1, s5;
	s6 =	sand.u32 $0x7, s5;
	v42 =	vld.idx.msk [tilespmem:v42+s20+$0x0], $0xffff;
	[tilespmem:s11+$0x6380] =	vst v49  }
0x1c1: {  	s8 =	sand.u32 $0x7, s4;
	s4 =	sadd.s32 $0x1, s4;
	[tilespmem:s0+$0x6080] =	vst v46;
	s7 =	sshll.u32 s6, $0x4;
	v41 =	vld.idx.msk [tilespmem:v41+s20+$0x0], $0xffff  }
0x1c2: {  	s4 =	sand.u32 $0x7, s4;
	s0 =	sadd.s32 s7, s31;
	[tilespmem:s1+$0x6080] =	vst v45;
	s11 =	sshll.u32 s8, $0x4  }
0x1c3: {  	s12 =	sshll.u32 s4, $0x4;
	s0 =	sor.u32 $0x380, s0;
	s1 =	sadd.s32 s11, s10;
	[tilespmem:s3+$0x6080] =	vst v44  }
0x1c4: {  	s14 =	sadd.s32 s12, s9;
	s13 =	sor.u32 $0x380, s1;
	[tilespmem:s0+$0x6080] =	vst v43  }
0x1c5: {  	s15 =	sor.u32 $0x380, s14;
	[tilespmem:s13+$0x6080] =	vst v42  }
0x1c6: {  	[tilespmem:s15+$0x6080] =	vst v41  }
0x1c7: {  	s7 =	simm.s32 $0x0;
	s0 =	rddreg [dreg:$0xb]  }
0x1c8: {  	[hbm4b:s0+s7] =	stream.linear.scatter [tilespmem:s24], [sflag:$0x4], $0x4000, $0x38;
	[tilespmem:$0xA080] =	vst v63  }
0x1c9: {  	s16 =	rddreg [dreg:$0xc]  }
0x1ca: {  	[tilespmem:s20], [sflag:$0x2] =	stream.linear.gather [hbm4b:s16+s7], $0x1040, $0x38;
	[tilespmem:$0xA080] =	vst v63  }
0x1cb: {  	_ =	swait.ge [sflag:s21], $0x1040  }
0x1cc: {  	[sflag:s21] =	ssyncset.done $0x0  }
0x1cd: {  	[sflag:s21] =	ssyncadd.s32 $0xFFFFEFC0  }
0x1ce: {  	_ =	swait.ge [sflag:s25], $0x4000  }
0x1cf: {  	[sflag:s25] =	ssyncset.done $0x0  }
0x1d0: {  	[sflag:s25] =	ssyncadd.s32 $0xFFFFC000  }
0x1d1: {  	v56 =	vld.idx.msk [tilespmem:v8+s2+$0x0], $0xffff;
	_ =	sdelay $0x2  }
0x1d2: {  	s1 =	sand.u32 $0x70, s7;
	s3 =	sand.u32 $0x3C00, s7  }
0x1d3: {  	s10 =	sor.u32 s1, s3  }
0x1d4: {  	v57 =	vld.idx.msk [tilespmem:v10+s2+$0x0], $0xffff;
	[tilespmem:s10+$0x2080] =	vst v56  }
0x1d5: {  	v41 =	vld.idx.msk [tilespmem:v9+s2+$0x0], $0xffff  }
0x1d6: {  	s30 =	simm.s32 $0x80;
	s4 =	simm.s32 $0x10  }
0x1d7: {  	s5 =	sand.u32 $0x3C00, s30;
	s0 =	sand.u32 $0x70, s4  }
0x1d8: {  	s8 =	sor.u32 s0, s5  }
0x1d9: {  	[tilespmem:s8+$0x2080] =	vst v57  }
0x1da: {  	v42 =	vld.idx.msk [tilespmem:v12+s2+$0x0], $0xffff;
	[tilespmem:s10+$0x2100] =	vst v41  }
0x1db: {  	v41 =	vld.idx.msk [tilespmem:v11+s2+$0x0], $0xffff  }
0x1dc: {  	v58 =	vld.idx.msk [tilespmem:v13+s2+$0x0], $0xffff;
	_ =	sdelay $0x1  }
0x1dd: {  	s6 =	simm.s32 $0x20;
	s0 =	simm.s32 $0x100  }
0x1de: {  	s1 =	sand.u32 $0x70, s6;
	s9 =	sand.u32 $0x3C00, s0;
	[tilespmem:s8+$0x2100] =	vst v42  }
0x1df: {  	s4 =	sor.u32 s1, s9;
	v42 =	vld.idx.msk [tilespmem:v15+s2+$0x0], $0xffff;
	[tilespmem:s10+$0x2180] =	vst v41  }
0x1e0: {  	[tilespmem:s4+$0x2080] =	vst v58;
	v41 =	vld.idx.msk [tilespmem:v14+s2+$0x0], $0xffff  }
0x1e1: {  	v43 =	vld.idx.msk [tilespmem:v16+s2+$0x0], $0xffff  }
0x1e2: {  	v59 =	vld.idx.msk [tilespmem:v17+s2+$0x0], $0xffff;
	_ =	sdelay $0x1  }
0x1e3: {  	s11 =	simm.s32 $0x30;
	s1 =	simm.s32 $0x180;
	[tilespmem:s8+$0x2180] =	vst v42  }
0x1e4: {  	s3 =	sand.u32 $0x70, s11;
	s12 =	sand.u32 $0x3C00, s1;
	v42 =	vld.idx.msk [tilespmem:v19+s2+$0x0], $0xffff;
	[tilespmem:s10+$0x2200] =	vst v41  }
0x1e5: {  	s5 =	sor.u32 s3, s12;
	[tilespmem:s4+$0x2100] =	vst v43;
	v41 =	vld.idx.msk [tilespmem:v18+s2+$0x0], $0xffff  }
0x1e6: {  	[tilespmem:s5+$0x2080] =	vst v59;
	v43 =	vld.idx.msk [tilespmem:v20+s2+$0x0], $0xffff  }
0x1e7: {  	v44 =	vld.idx.msk [tilespmem:v21+s2+$0x0], $0xffff  }
0x1e8: {  	v60 =	vld.idx.msk [tilespmem:v22+s2+$0x0], $0xffff  }
0x1e9: {  	v61 =	vld.idx.msk [tilespmem:v28+s2+$0x0], $0xffff;
	[tilespmem:s8+$0x2200] =	vst v42  }
0x1ea: {  	v42 =	vld.idx.msk [tilespmem:v24+s2+$0x0], $0xffff;
	[tilespmem:s10+$0x2280] =	vst v41  }
0x1eb: {  	s13 =	simm.s32 $0x40;
	s3 =	simm.s32 $0x200;
	[tilespmem:s4+$0x2180] =	vst v43;
	v41 =	vld.idx.msk [tilespmem:v23+s2+$0x0], $0xffff  }
0x1ec: {  	s6 =	sand.u32 $0x70, s13;
	s14 =	sand.u32 $0x3C00, s3;
	[tilespmem:s5+$0x2100] =	vst v44;
	v43 =	vld.idx.msk [tilespmem:v25+s2+$0x0], $0xffff  }
0x1ed: {  	s6 =	sor.u32 s6, s14;
	v44 =	vld.idx.msk [tilespmem:v26+s2+$0x0], $0xffff  }
0x1ee: {  	[tilespmem:s6+$0x2080] =	vst v60;
	v56 =	vld.idx.msk [tilespmem:v35+s2+$0x0], $0xffff  }
0x1ef: {  	v45 =	vld.idx.msk [tilespmem:v27+s2+$0x0], $0xffff;
	[tilespmem:s8+$0x2280] =	vst v42  }
0x1f0: {  	s15 =	simm.s32 $0x50;
	s9 =	simm.s32 $0x280;
	v42 =	vld.idx.msk [tilespmem:v30+s2+$0x0], $0xffff;
	[tilespmem:s10+$0x2300] =	vst v41  }
0x1f1: {  	s11 =	sand.u32 $0x70, s15;
	s16 =	sand.u32 $0x3C00, s9;
	[tilespmem:s4+$0x2200] =	vst v43;
	v41 =	vld.idx.msk [tilespmem:v29+s2+$0x0], $0xffff  }
0x1f2: {  	s29 =	sor.u32 s11, s16;
	[tilespmem:s5+$0x2180] =	vst v44;
	v43 =	vld.idx.msk [tilespmem:v31+s2+$0x0], $0xffff  }
0x1f3: {  	v62 =	vadd.s32 $0xC, v4;
	v48 =	vnsel vm0, $0x103F, v38;
	[tilespmem:s29+$0x2080] =	vst v61;
	v52 =	vld.idx.msk [tilespmem:v32+s2+$0x0], $0xffff  }
0x1f4: {  	v55 =	vadd.s32 $0x1C, v7;
	v63 =	vadd.s32 $0x8, v5;
	vm3 =	vlt.s32 v62, $0x103F;
	v53 =	vld.idx.msk [tilespmem:v34+s2+$0x0], $0xffff;
	[tilespmem:s6+$0x2100] =	vst v45  }
0x1f5: {  	vm4 =	vlt.s32 v63, $0x103F;
	v47 =	vnsel vm1, $0x103F, v39;
	v54 =	vnsel vm3, $0x103F, v62;
	v51 =	vld.idx.msk [tilespmem:v33+s2+$0x0], $0xffff;
	[tilespmem:s8+$0x2300] =	vst v42  }
0x1f6: {  	v46 =	vmovc v2;
	s31 =	simm.s32 $0x280;
	s13 =	simm.s32 $0x0;
	v57 =	vnsel vm4, $0x103F, v63;
	v58 =	vnsel vm2, $0x103F, v40;
	v49 =	vld.idx.msk [tilespmem:v37+s2+$0x0], $0xffff;
	[tilespmem:s10+$0x2380] =	vst v41;
	v41 =	vadd.s32 $0x20, v6  }
0x1f7: {  	s11 =	simm.s32 $0x70;
	s14 =	simm.s32 $0x60;
	v45 =	vmovc v3;
	v44 =	vmovc v4;
	[tilespmem:s4+$0x2280] =	vst v43;
	v43 =	vmov v5;
	v42 =	vmov v6;
	s10 =	simm.s32 $0x80;
	v50 =	vld.idx.msk [tilespmem:v36+s2+$0x0], $0xffff;
	vm3 =	vlt.s32 v41, $0x103F  }
.LBB2_10:
0x1f8: {  	p0 =	sne.s32 s10, $0x7F0;
	v59 =	vnsel vm3, $0x103F, v41;
	s9 =	sadd.s32 $0x80, s9;
	[tilespmem:s5+$0x2200] =	vst v52;
	v60 =	vld.idx.msk [tilespmem:v48+s2+$0x0], $0xffff;
	v48 =	vadd.s32 $0x18, v46  }
0x1f9: {  	vm3 =	vlt.s32 v55, $0x103F;
	s15 =	sand.u32 $0x7, s7;
	v61 =	vmovc v44;
	v44 =	vmovc v43;
	v43 =	vmov v42;
	v42 =	vmov v41;
	s12 =	smov.u32 s11;
	s11 =	smov.u32 s10  }
0x1fa: {  	s14 =	sand.u32 $0x70, s14;
	s16 =	sand.u32 $0x3C00, s9;
	[tilespmem:s6+$0x2180] =	vst v51;
	v62 =	vld.idx.msk [tilespmem:v47+s2+$0x0], $0xffff;
	v47 =	vadd.s32 $0x14, v45;
	vm4 =	vlt.s32 v48, $0x103F;
	v55 =	vnsel vm3, $0x103F, v55;
	s15 =	sshll.u32 s15, $0x4  }
0x1fb: {  	s14 =	sor.u32 s14, s16;
	[tilespmem:s29+$0x2100] =	vst v53;
	v52 =	vld.idx.msk [tilespmem:v54+s2+$0x0], $0xffff;
	v54 =	vadd.s32 $0x10, v61;
	vm3 =	vlt.s32 v47, $0x103F;
	v63 =	vnsel vm4, $0x103F, v48;
	s15 =	sadd.s32 s15, s13;
	s13 =	smov.u32 s30  }
.Ltmp4:
0x1fc: {  	s30 =	smov.u32 s0;
	[tilespmem:s14+$0x2080] =	vst v56;
	v51 =	vld.idx.msk [tilespmem:v57+s2+$0x0], $0xffff;
	v57 =	vadd.s32 $0xC, v44;
	vm4 =	vlt.s32 v54, $0x103F;
	v48 =	vnsel vm3, $0x103F, v47;
	s15 =	sor.u32 $0x380, s15;
	(pc) =	sbr.rel @p0 .LBB2_10-.Ltmp4, $4  }
0x1fd: {  	s0 =	smov.u32 s1;
	s1 =	smov.u32 s3;
	s3 =	smov.u32 s31;
	v53 =	vld.idx.msk [tilespmem:v58+s2+$0x0], $0xffff;
	v58 =	vadd.s32 $0x8, v43;
	vm3 =	vlt.s32 v57, $0x103F;
	v47 =	vnsel vm4, $0x103F, v54;
	[tilespmem:s15+$0x2080] =	vst v50  }
0x1fe: {  	s31 =	smov.u32 s9;
	v56 =	vld.idx.msk [tilespmem:v59+s2+$0x0], $0xffff;
	v59 =	vadd.s32 $0x4, v41;
	vm4 =	vlt.s32 v58, $0x103F;
	v54 =	vnsel vm3, $0x103F, v57;
	[tilespmem:s8+$0x2380] =	vst v49;
	s8 =	smov.u32 s4;
	s4 =	smov.u32 s5  }
0x1ff: {  	v41 =	vadd.s32 $0x20, v41;
	s5 =	smov.u32 s6;
	s6 =	smov.u32 s29;
	s29 =	smov.u32 s14;
	vm5 =	vlt.s32 v59, $0x103F;
	v57 =	vnsel vm4, $0x103F, v58;
	[tilespmem:s8+$0x2300] =	vst v60;
	v50 =	vld.idx.msk [tilespmem:v55+s2+$0x0], $0xffff  }
0x200: {  	s10 =	sadd.s32 $0x10, s10;
	s7 =	sadd.s32 $0x1, s7;
	s14 =	smov.u32 s12;
	vm3 =	vlt.s32 v41, $0x103F;
	v55 =	vadd.s32 $0x1C, v46;
	v46 =	vmovc v45;
	v45 =	vmovc v61;
	v58 =	vnsel vm5, $0x103F, v59;
	[tilespmem:s4+$0x2280] =	vst v62;
	v49 =	vld.idx.msk [tilespmem:v63+s2+$0x0], $0xffff  }
0x201: {  	v59 =	vnsel vm3, $0x103F, v41;
	_ =	sdelay $0x3  }
0x202: {  	v60 =	vadd.s32 $0x4, v41  }
0x203: {  	vm3 =	vlt.s32 v60, $0x103F;
	v59 =	vld.idx.msk [tilespmem:v59+s2+$0x0], $0xffff  }
0x204: {  	s10 =	sadd.s32 $0x80, s9;
	v60 =	vnsel vm3, $0x103F, v60  }
0x205: {  	s12 =	sand.u32 $0x70, s14;
	s16 =	sand.u32 $0x3C00, s10;
	s9 =	sadd.s32 $0x80, s10  }
0x206: {  	s11 =	sand.u32 $0x70, s11;
	s12 =	sor.u32 s12, s16;
	s15 =	sand.u32 $0x3C00, s9  }
0x207: {  	v62 =	vadd.s32 $0x8, v42;
	[tilespmem:s12+$0x2080] =	vst v56;
	s11 =	sor.u32 s11, s15  }
0x208: {  	vm3 =	vlt.s32 v62, $0x103F;
	v58 =	vld.idx.msk [tilespmem:v58+s2+$0x0], $0xffff;
	[tilespmem:s11+$0x2080] =	vst v59;
	v59 =	vadd.s32 $0x8, v41  }
0x209: {  	v56 =	vnsel vm3, $0x103F, v62;
	v60 =	vld.idx.msk [tilespmem:v60+s2+$0x0], $0xffff;
	vm3 =	vlt.s32 v59, $0x103F  }
0x20a: {  	v59 =	vnsel vm3, $0x103F, v59;
	_ =	sdelay $0x1  }
0x20b: {  	v63 =	vadd.s32 $0xC, v43;
	[tilespmem:s29+$0x2100] =	vst v53  }
0x20c: {  	v57 =	vld.idx.msk [tilespmem:v57+s2+$0x0], $0xffff;
	[tilespmem:s12+$0x2100] =	vst v58;
	v58 =	vadd.s32 $0xC, v42;
	vm3 =	vlt.s32 v63, $0x103F  }
0x20d: {  	v56 =	vld.idx.msk [tilespmem:v56+s2+$0x0], $0xffff;
	v53 =	vnsel vm3, $0x103F, v63;
	vm3 =	vlt.s32 v58, $0x103F;
	[tilespmem:s11+$0x2100] =	vst v60;
	v60 =	vadd.s32 $0xC, v41  }
0x20e: {  	v58 =	vnsel vm3, $0x103F, v58;
	v59 =	vld.idx.msk [tilespmem:v59+s2+$0x0], $0xffff;
	vm3 =	vlt.s32 v60, $0x103F  }
0x20f: {  	[tilespmem:s5+$0x2200] =	vst v52;
	v52 =	vnsel vm3, $0x103F, v60  }
0x210: {  	[tilespmem:s6+$0x2180] =	vst v51;
	s16 =	sand.u32 $0x7, s7;
	v60 =	vadd.s32 $0x10, v44  }
0x211: {  	v61 =	vadd.s32 $0x10, v43;
	v54 =	vld.idx.msk [tilespmem:v54+s2+$0x0], $0xffff;
	s14 =	sshll.u32 s16, $0x4;
	[tilespmem:s29+$0x2180] =	vst v57;
	vm3 =	vlt.s32 v60, $0x103F  }
0x212: {  	v62 =	vadd.s32 $0x10, v42;
	s13 =	sadd.s32 s14, s13;
	[tilespmem:s12+$0x2180] =	vst v56;
	v53 =	vld.idx.msk [tilespmem:v53+s2+$0x0], $0xffff;
	v51 =	vnsel vm3, $0x103F, v60;
	vm3 =	vlt.s32 v61, $0x103F  }
0x213: {  	s13 =	sor.u32 $0x380, s13;
	v63 =	vadd.s32 $0x10, v41;
	v58 =	vld.idx.msk [tilespmem:v58+s2+$0x0], $0xffff;
	v57 =	vnsel vm3, $0x103F, v61;
	vm3 =	vlt.s32 v62, $0x103F;
	[tilespmem:s11+$0x2180] =	vst v59  }
0x214: {  	[tilespmem:s13+$0x2080] =	vst v50;
	v50 =	vnsel vm3, $0x103F, v62;
	vm3 =	vlt.s32 v63, $0x103F;
	v52 =	vld.idx.msk [tilespmem:v52+s2+$0x0], $0xffff  }
0x215: {  	v48 =	vld.idx.msk [tilespmem:v48+s2+$0x0], $0xffff;
	vm4 =	vlt.s32 v55, $0x103F;
	[tilespmem:s8+$0x2380] =	vst v49;
	v60 =	vadd.s32 $0x14, v45;
	v49 =	vnsel vm3, $0x103F, v63  }
0x216: {  	v47 =	vld.idx.msk [tilespmem:v47+s2+$0x0], $0xffff;
	v55 =	vnsel vm4, $0x103F, v55;
	[tilespmem:s6+$0x2200] =	vst v54;
	v61 =	vadd.s32 $0x14, v44;
	vm3 =	vlt.s32 v60, $0x103F  }
0x217: {  	v62 =	vadd.s32 $0x14, v43;
	[tilespmem:s29+$0x2200] =	vst v53;
	v56 =	vnsel vm3, $0x103F, v60;
	vm3 =	vlt.s32 v61, $0x103F;
	v51 =	vld.idx.msk [tilespmem:v51+s2+$0x0], $0xffff  }
0x218: {  	v63 =	vadd.s32 $0x14, v42;
	[tilespmem:s12+$0x2200] =	vst v58;
	v54 =	vnsel vm3, $0x103F, v61;
	vm3 =	vlt.s32 v62, $0x103F;
	v57 =	vld.idx.msk [tilespmem:v57+s2+$0x0], $0xffff  }
0x219: {  	v60 =	vadd.s32 $0x14, v41;
	v53 =	vnsel vm3, $0x103F, v62;
	vm3 =	vlt.s32 v63, $0x103F;
	v50 =	vld.idx.msk [tilespmem:v50+s2+$0x0], $0xffff;
	[tilespmem:s11+$0x2200] =	vst v52  }
0x21a: {  	[tilespmem:s4+$0x2300] =	vst v48;
	v61 =	vadd.s32 $0x18, v46;
	v48 =	vnsel vm3, $0x103F, v63;
	vm3 =	vlt.s32 v60, $0x103F;
	v49 =	vld.idx.msk [tilespmem:v49+s2+$0x0], $0xffff  }
0x21b: {  	s15 =	sadd.s32 $0x1, s7;
	v55 =	vld.idx.msk [tilespmem:v55+s2+$0x0], $0xffff;
	[tilespmem:s5+$0x2280] =	vst v47;
	vm4 =	vlt.s32 v61, $0x103F;
	v62 =	vadd.s32 $0x18, v45;
	v52 =	vnsel vm3, $0x103F, v60  }
0x21c: {  	s16 =	sand.u32 $0x7, s15;
	v58 =	vnsel vm4, $0x103F, v61;
	v63 =	vadd.s32 $0x18, v44;
	vm3 =	vlt.s32 v62, $0x103F;
	v56 =	vld.idx.msk [tilespmem:v56+s2+$0x0], $0xffff;
	[tilespmem:s6+$0x2280] =	vst v51  }
0x21d: {  	s8 =	sshll.u32 s16, $0x4;
	v60 =	vadd.s32 $0x18, v43;
	v47 =	vnsel vm3, $0x103F, v62;
	vm3 =	vlt.s32 v63, $0x103F;
	v54 =	vld.idx.msk [tilespmem:v54+s2+$0x0], $0xffff;
	[tilespmem:s29+$0x2280] =	vst v57  }
0x21e: {  	s8 =	sadd.s32 s8, s30;
	v61 =	vadd.s32 $0x18, v42;
	v51 =	vnsel vm3, $0x103F, v63;
	vm3 =	vlt.s32 v60, $0x103F;
	v53 =	vld.idx.msk [tilespmem:v53+s2+$0x0], $0xffff;
	[tilespmem:s12+$0x2280] =	vst v50  }
0x21f: {  	s8 =	sor.u32 $0x380, s8;
	v62 =	vadd.s32 $0x18, v41;
	v57 =	vnsel vm3, $0x103F, v60;
	vm3 =	vlt.s32 v61, $0x103F;
	v48 =	vld.idx.msk [tilespmem:v48+s2+$0x0], $0xffff;
	[tilespmem:s11+$0x2280] =	vst v49  }
0x220: {  	[tilespmem:s8+$0x2080] =	vst v55;
	v63 =	vadd.s32 $0x1C, v46;
	v50 =	vnsel vm3, $0x103F, v61;
	vm3 =	vlt.s32 v62, $0x103F;
	v52 =	vld.idx.msk [tilespmem:v52+s2+$0x0], $0xffff  }
0x221: {  	vm4 =	vlt.s32 v63, $0x103F;
	v60 =	vadd.s32 $0x1C, v45;
	v59 =	vld.idx.msk [tilespmem:v58+s2+$0x0], $0xffff;
	[tilespmem:s5+$0x2300] =	vst v56;
	v49 =	vnsel vm3, $0x103F, v62  }
0x222: {  	v46 =	vnsel vm4, $0x103F, v63;
	v61 =	vadd.s32 $0x1C, v44;
	vm3 =	vlt.s32 v60, $0x103F;
	v47 =	vld.idx.msk [tilespmem:v47+s2+$0x0], $0xffff;
	[tilespmem:s6+$0x2300] =	vst v54  }
0x223: {  	v62 =	vadd.s32 $0x1C, v43;
	v45 =	vnsel vm3, $0x103F, v60;
	vm3 =	vlt.s32 v61, $0x103F;
	v51 =	vld.idx.msk [tilespmem:v51+s2+$0x0], $0xffff;
	[tilespmem:s29+$0x2300] =	vst v53  }
0x224: {  	s7 =	sadd.s32 $0x1, s15;
	v63 =	vadd.s32 $0x1C, v42;
	v44 =	vnsel vm3, $0x103F, v61;
	vm3 =	vlt.s32 v62, $0x103F;
	v53 =	vld.idx.msk [tilespmem:v57+s2+$0x0], $0xffff;
	[tilespmem:s12+$0x2300] =	vst v48  }
0x225: {  	s8 =	sand.u32 $0x7, s7;
	s7 =	sadd.s32 $0x1, s7;
	v54 =	vadd.s32 $0x1C, v41;
	v43 =	vnsel vm3, $0x103F, v62;
	vm3 =	vlt.s32 v63, $0x103F;
	v48 =	vld.idx.msk [tilespmem:v50+s2+$0x0], $0xffff;
	[tilespmem:s11+$0x2300] =	vst v52  }
0x226: {  	s13 =	sand.u32 $0x7, s7;
	s7 =	sadd.s32 $0x1, s7;
	[tilespmem:s4+$0x2380] =	vst v59;
	v42 =	vnsel vm3, $0x103F, v63;
	vm3 =	vlt.s32 v54, $0x103F;
	v49 =	vld.idx.msk [tilespmem:v49+s2+$0x0], $0xffff  }
0x227: {  	s14 =	sshll.u32 s13, $0x4;
	s15 =	sand.u32 $0x7, s7;
	v46 =	vld.idx.msk [tilespmem:v46+s2+$0x0], $0xffff;
	v41 =	vnsel vm3, $0x103F, v54;
	[tilespmem:s5+$0x2380] =	vst v47  }
0x228: {  	s1 =	sadd.s32 s14, s1;
	s16 =	sshll.u32 s15, $0x4;
	v45 =	vld.idx.msk [tilespmem:v45+s2+$0x0], $0xffff;
	[tilespmem:s6+$0x2380] =	vst v51  }
0x229: {  	s1 =	sor.u32 $0x380, s1;
	s3 =	sadd.s32 s16, s3;
	s4 =	sshll.u32 s8, $0x4;
	v44 =	vld.idx.msk [tilespmem:v44+s2+$0x0], $0xffff;
	[tilespmem:s29+$0x2380] =	vst v53  }
0x22a: {  	s3 =	sor.u32 $0x380, s3;
	s0 =	sadd.s32 s4, s0;
	s5 =	sadd.s32 $0x1, s7;
	v43 =	vld.idx.msk [tilespmem:v43+s2+$0x0], $0xffff;
	[tilespmem:s12+$0x2380] =	vst v48  }
0x22b: {  	s0 =	sor.u32 $0x380, s0;
	s4 =	sadd.s32 $0x1, s5;
	s6 =	sand.u32 $0x7, s5;
	v42 =	vld.idx.msk [tilespmem:v42+s2+$0x0], $0xffff;
	[tilespmem:s11+$0x2380] =	vst v49  }
0x22c: {  	s8 =	sand.u32 $0x7, s4;
	s4 =	sadd.s32 $0x1, s4;
	[tilespmem:s0+$0x2080] =	vst v46;
	s7 =	sshll.u32 s6, $0x4;
	v41 =	vld.idx.msk [tilespmem:v41+s2+$0x0], $0xffff  }
0x22d: {  	s4 =	sand.u32 $0x7, s4;
	s0 =	sadd.s32 s7, s31;
	[tilespmem:s1+$0x2080] =	vst v45;
	s11 =	sshll.u32 s8, $0x4  }
0x22e: {  	s12 =	sshll.u32 s4, $0x4;
	s0 =	sor.u32 $0x380, s0;
	s1 =	sadd.s32 s11, s10;
	[tilespmem:s3+$0x2080] =	vst v44  }
0x22f: {  	s14 =	sadd.s32 s12, s9;
	s13 =	sor.u32 $0x380, s1;
	[tilespmem:s0+$0x2080] =	vst v43  }
0x230: {  	s15 =	sor.u32 $0x380, s14;
	[tilespmem:s13+$0x2080] =	vst v42  }
0x231: {  	[tilespmem:s15+$0x2080] =	vst v41  }
0x232: {  	s7 =	simm.s32 $0x0;
	s0 =	rddreg [dreg:$0xd]  }
0x233: {  	[hbm4b:s0+s7] =	stream.linear.scatter [tilespmem:s22], [sflag:$0x3], $0x4000, $0x38;
	[tilespmem:$0xA080] =	vst v63  }
0x234: {  	s16 =	rddreg [dreg:$0xe]  }
0x235: {  	[tilespmem:s7], [sflag:$0x1] =	stream.linear.gather [hbm4b:s16+s7], $0x1040, $0x38;
	[tilespmem:$0xA080] =	vst v63  }
0x236: {  	_ =	swait.ge [sflag:s23], $0x1040  }
0x237: {  	[sflag:s23] =	ssyncset.done $0x0  }
0x238: {  	[sflag:s23] =	ssyncadd.s32 $0xFFFFEFC0  }
0x239: {  	_ =	swait.ge [sflag:s26], $0x4000  }
0x23a: {  	[sflag:s26] =	ssyncset.done $0x0  }
0x23b: {  	[sflag:s26] =	ssyncadd.s32 $0xFFFFC000  }
0x23c: {  	v56 =	vld.idx.msk [tilespmem:v8+s20+$0x0], $0xffff;
	_ =	sdelay $0x2  }
0x23d: {  	s1 =	sand.u32 $0x70, s7;
	s3 =	sand.u32 $0x3C00, s7  }
0x23e: {  	s10 =	sor.u32 s1, s3  }
0x23f: {  	v57 =	vld.idx.msk [tilespmem:v10+s20+$0x0], $0xffff;
	[tilespmem:s10+$0x6080] =	vst v56  }
0x240: {  	v41 =	vld.idx.msk [tilespmem:v9+s20+$0x0], $0xffff  }
0x241: {  	s30 =	simm.s32 $0x80;
	s4 =	simm.s32 $0x10  }
0x242: {  	s5 =	sand.u32 $0x3C00, s30;
	s0 =	sand.u32 $0x70, s4  }
0x243: {  	s8 =	sor.u32 s0, s5  }
0x244: {  	[tilespmem:s8+$0x6080] =	vst v57  }
0x245: {  	v42 =	vld.idx.msk [tilespmem:v12+s20+$0x0], $0xffff;
	[tilespmem:s10+$0x6100] =	vst v41  }
0x246: {  	v41 =	vld.idx.msk [tilespmem:v11+s20+$0x0], $0xffff  }
0x247: {  	v58 =	vld.idx.msk [tilespmem:v13+s20+$0x0], $0xffff;
	_ =	sdelay $0x1  }
0x248: {  	s6 =	simm.s32 $0x20;
	s0 =	simm.s32 $0x100  }
0x249: {  	s1 =	sand.u32 $0x70, s6;
	s9 =	sand.u32 $0x3C00, s0;
	[tilespmem:s8+$0x6100] =	vst v42  }
0x24a: {  	s4 =	sor.u32 s1, s9;
	v42 =	vld.idx.msk [tilespmem:v15+s20+$0x0], $0xffff;
	[tilespmem:s10+$0x6180] =	vst v41  }
0x24b: {  	[tilespmem:s4+$0x6080] =	vst v58;
	v41 =	vld.idx.msk [tilespmem:v14+s20+$0x0], $0xffff  }
0x24c: {  	v43 =	vld.idx.msk [tilespmem:v16+s20+$0x0], $0xffff  }
0x24d: {  	v59 =	vld.idx.msk [tilespmem:v17+s20+$0x0], $0xffff;
	_ =	sdelay $0x1  }
0x24e: {  	s11 =	simm.s32 $0x30;
	s1 =	simm.s32 $0x180;
	[tilespmem:s8+$0x6180] =	vst v42  }
0x24f: {  	s3 =	sand.u32 $0x70, s11;
	s12 =	sand.u32 $0x3C00, s1;
	v42 =	vld.idx.msk [tilespmem:v19+s20+$0x0], $0xffff;
	[tilespmem:s10+$0x6200] =	vst v41  }
0x250: {  	s5 =	sor.u32 s3, s12;
	[tilespmem:s4+$0x6100] =	vst v43;
	v41 =	vld.idx.msk [tilespmem:v18+s20+$0x0], $0xffff  }
0x251: {  	[tilespmem:s5+$0x6080] =	vst v59;
	v43 =	vld.idx.msk [tilespmem:v20+s20+$0x0], $0xffff  }
0x252: {  	v44 =	vld.idx.msk [tilespmem:v21+s20+$0x0], $0xffff  }
0x253: {  	v60 =	vld.idx.msk [tilespmem:v22+s20+$0x0], $0xffff  }
0x254: {  	v61 =	vld.idx.msk [tilespmem:v28+s20+$0x0], $0xffff;
	[tilespmem:s8+$0x6200] =	vst v42  }
0x255: {  	v42 =	vld.idx.msk [tilespmem:v24+s20+$0x0], $0xffff;
	[tilespmem:s10+$0x6280] =	vst v41  }
0x256: {  	s13 =	simm.s32 $0x40;
	s3 =	simm.s32 $0x200;
	[tilespmem:s4+$0x6180] =	vst v43;
	v41 =	vld.idx.msk [tilespmem:v23+s20+$0x0], $0xffff  }
0x257: {  	s6 =	sand.u32 $0x70, s13;
	s14 =	sand.u32 $0x3C00, s3;
	[tilespmem:s5+$0x6100] =	vst v44;
	v43 =	vld.idx.msk [tilespmem:v25+s20+$0x0], $0xffff  }
0x258: {  	s6 =	sor.u32 s6, s14;
	v44 =	vld.idx.msk [tilespmem:v26+s20+$0x0], $0xffff  }
0x259: {  	[tilespmem:s6+$0x6080] =	vst v60;
	v56 =	vld.idx.msk [tilespmem:v35+s20+$0x0], $0xffff  }
0x25a: {  	v45 =	vld.idx.msk [tilespmem:v27+s20+$0x0], $0xffff;
	[tilespmem:s8+$0x6280] =	vst v42  }
0x25b: {  	s15 =	simm.s32 $0x50;
	s9 =	simm.s32 $0x280;
	v42 =	vld.idx.msk [tilespmem:v30+s20+$0x0], $0xffff;
	[tilespmem:s10+$0x6300] =	vst v41  }
0x25c: {  	s11 =	sand.u32 $0x70, s15;
	s16 =	sand.u32 $0x3C00, s9;
	[tilespmem:s4+$0x6200] =	vst v43;
	v41 =	vld.idx.msk [tilespmem:v29+s20+$0x0], $0xffff  }
0x25d: {  	s29 =	sor.u32 s11, s16;
	[tilespmem:s5+$0x6180] =	vst v44;
	v43 =	vld.idx.msk [tilespmem:v31+s20+$0x0], $0xffff  }
0x25e: {  	v62 =	vadd.s32 $0xC, v4;
	v48 =	vnsel vm0, $0x103F, v38;
	[tilespmem:s29+$0x6080] =	vst v61;
	v52 =	vld.idx.msk [tilespmem:v32+s20+$0x0], $0xffff  }
0x25f: {  	v55 =	vadd.s32 $0x1C, v7;
	v63 =	vadd.s32 $0x8, v5;
	vm3 =	vlt.s32 v62, $0x103F;
	v53 =	vld.idx.msk [tilespmem:v34+s20+$0x0], $0xffff;
	[tilespmem:s6+$0x6100] =	vst v45  }
0x260: {  	vm4 =	vlt.s32 v63, $0x103F;
	v47 =	vnsel vm1, $0x103F, v39;
	v54 =	vnsel vm3, $0x103F, v62;
	v51 =	vld.idx.msk [tilespmem:v33+s20+$0x0], $0xffff;
	[tilespmem:s8+$0x6300] =	vst v42  }
0x261: {  	v46 =	vmovc v2;
	s31 =	simm.s32 $0x280;
	s13 =	simm.s32 $0x0;
	v57 =	vnsel vm4, $0x103F, v63;
	v58 =	vnsel vm2, $0x103F, v40;
	v49 =	vld.idx.msk [tilespmem:v37+s20+$0x0], $0xffff;
	[tilespmem:s10+$0x6380] =	vst v41;
	v41 =	vadd.s32 $0x20, v6  }
0x262: {  	s11 =	simm.s32 $0x70;
	s14 =	simm.s32 $0x60;
	v45 =	vmovc v3;
	v44 =	vmovc v4;
	[tilespmem:s4+$0x6280] =	vst v43;
	v43 =	vmov v5;
	v42 =	vmov v6;
	s10 =	simm.s32 $0x80;
	v50 =	vld.idx.msk [tilespmem:v36+s20+$0x0], $0xffff;
	vm3 =	vlt.s32 v41, $0x103F  }
.LBB2_12:
0x263: {  	p0 =	sne.s32 s10, $0x7F0;
	v59 =	vnsel vm3, $0x103F, v41;
	s9 =	sadd.s32 $0x80, s9;
	[tilespmem:s5+$0x6200] =	vst v52;
	v60 =	vld.idx.msk [tilespmem:v48+s20+$0x0], $0xffff;
	v48 =	vadd.s32 $0x18, v46  }
0x264: {  	vm3 =	vlt.s32 v55, $0x103F;
	s15 =	sand.u32 $0x7, s7;
	v61 =	vmovc v44;
	v44 =	vmovc v43;
	v43 =	vmov v42;
	v42 =	vmov v41;
	s12 =	smov.u32 s11;
	s11 =	smov.u32 s10  }
0x265: {  	s14 =	sand.u32 $0x70, s14;
	s16 =	sand.u32 $0x3C00, s9;
	[tilespmem:s6+$0x6180] =	vst v51;
	v62 =	vld.idx.msk [tilespmem:v47+s20+$0x0], $0xffff;
	v47 =	vadd.s32 $0x14, v45;
	vm4 =	vlt.s32 v48, $0x103F;
	v55 =	vnsel vm3, $0x103F, v55;
	s15 =	sshll.u32 s15, $0x4  }
0x266: {  	s14 =	sor.u32 s14, s16;
	[tilespmem:s29+$0x6100] =	vst v53;
	v52 =	vld.idx.msk [tilespmem:v54+s20+$0x0], $0xffff;
	v54 =	vadd.s32 $0x10, v61;
	vm3 =	vlt.s32 v47, $0x103F;
	v63 =	vnsel vm4, $0x103F, v48;
	s15 =	sadd.s32 s15, s13;
	s13 =	smov.u32 s30  }
.Ltmp5:
0x267: {  	s30 =	smov.u32 s0;
	[tilespmem:s14+$0x6080] =	vst v56;
	v51 =	vld.idx.msk [tilespmem:v57+s20+$0x0], $0xffff;
	v57 =	vadd.s32 $0xC, v44;
	vm4 =	vlt.s32 v54, $0x103F;
	v48 =	vnsel vm3, $0x103F, v47;
	s15 =	sor.u32 $0x380, s15;
	(pc) =	sbr.rel @p0 .LBB2_12-.Ltmp5, $4  }
0x268: {  	s0 =	smov.u32 s1;
	s1 =	smov.u32 s3;
	s3 =	smov.u32 s31;
	v53 =	vld.idx.msk [tilespmem:v58+s20+$0x0], $0xffff;
	v58 =	vadd.s32 $0x8, v43;
	vm3 =	vlt.s32 v57, $0x103F;
	v47 =	vnsel vm4, $0x103F, v54;
	[tilespmem:s15+$0x6080] =	vst v50  }
0x269: {  	s31 =	smov.u32 s9;
	v56 =	vld.idx.msk [tilespmem:v59+s20+$0x0], $0xffff;
	v59 =	vadd.s32 $0x4, v41;
	vm4 =	vlt.s32 v58, $0x103F;
	v54 =	vnsel vm3, $0x103F, v57;
	[tilespmem:s8+$0x6380] =	vst v49;
	s8 =	smov.u32 s4;
	s4 =	smov.u32 s5  }
0x26a: {  	v41 =	vadd.s32 $0x20, v41;
	s5 =	smov.u32 s6;
	s6 =	smov.u32 s29;
	s29 =	smov.u32 s14;
	vm5 =	vlt.s32 v59, $0x103F;
	v57 =	vnsel vm4, $0x103F, v58;
	[tilespmem:s8+$0x6300] =	vst v60;
	v50 =	vld.idx.msk [tilespmem:v55+s20+$0x0], $0xffff  }
0x26b: {  	s10 =	sadd.s32 $0x10, s10;
	s7 =	sadd.s32 $0x1, s7;
	s14 =	smov.u32 s12;
	vm3 =	vlt.s32 v41, $0x103F;
	v55 =	vadd.s32 $0x1C, v46;
	v46 =	vmovc v45;
	v45 =	vmovc v61;
	v58 =	vnsel vm5, $0x103F, v59;
	[tilespmem:s4+$0x6280] =	vst v62;
	v49 =	vld.idx.msk [tilespmem:v63+s20+$0x0], $0xffff  }
0x26c: {  	v59 =	vnsel vm3, $0x103F, v41;
	_ =	sdelay $0x3  }
0x26d: {  	v60 =	vadd.s32 $0x4, v41  }
0x26e: {  	vm3 =	vlt.s32 v60, $0x103F;
	v59 =	vld.idx.msk [tilespmem:v59+s20+$0x0], $0xffff  }
0x26f: {  	s10 =	sadd.s32 $0x80, s9;
	v60 =	vnsel vm3, $0x103F, v60  }
0x270: {  	s12 =	sand.u32 $0x70, s14;
	s16 =	sand.u32 $0x3C00, s10;
	s9 =	sadd.s32 $0x80, s10  }
0x271: {  	s11 =	sand.u32 $0x70, s11;
	s12 =	sor.u32 s12, s16;
	s15 =	sand.u32 $0x3C00, s9  }
0x272: {  	v62 =	vadd.s32 $0x8, v42;
	[tilespmem:s12+$0x6080] =	vst v56;
	s11 =	sor.u32 s11, s15  }
0x273: {  	vm3 =	vlt.s32 v62, $0x103F;
	v58 =	vld.idx.msk [tilespmem:v58+s20+$0x0], $0xffff;
	[tilespmem:s11+$0x6080] =	vst v59;
	v59 =	vadd.s32 $0x8, v41  }
0x274: {  	v56 =	vnsel vm3, $0x103F, v62;
	v60 =	vld.idx.msk [tilespmem:v60+s20+$0x0], $0xffff;
	vm3 =	vlt.s32 v59, $0x103F  }
0x275: {  	v59 =	vnsel vm3, $0x103F, v59;
	_ =	sdelay $0x1  }
0x276: {  	v63 =	vadd.s32 $0xC, v43;
	[tilespmem:s29+$0x6100] =	vst v53  }
0x277: {  	v57 =	vld.idx.msk [tilespmem:v57+s20+$0x0], $0xffff;
	[tilespmem:s12+$0x6100] =	vst v58;
	v58 =	vadd.s32 $0xC, v42;
	vm3 =	vlt.s32 v63, $0x103F  }
0x278: {  	v56 =	vld.idx.msk [tilespmem:v56+s20+$0x0], $0xffff;
	v53 =	vnsel vm3, $0x103F, v63;
	vm3 =	vlt.s32 v58, $0x103F;
	[tilespmem:s11+$0x6100] =	vst v60;
	v60 =	vadd.s32 $0xC, v41  }
0x279: {  	v58 =	vnsel vm3, $0x103F, v58;
	v59 =	vld.idx.msk [tilespmem:v59+s20+$0x0], $0xffff;
	vm3 =	vlt.s32 v60, $0x103F  }
0x27a: {  	[tilespmem:s5+$0x6200] =	vst v52;
	v52 =	vnsel vm3, $0x103F, v60  }
0x27b: {  	[tilespmem:s6+$0x6180] =	vst v51;
	s16 =	sand.u32 $0x7, s7;
	v60 =	vadd.s32 $0x10, v44  }
0x27c: {  	v61 =	vadd.s32 $0x10, v43;
	v54 =	vld.idx.msk [tilespmem:v54+s20+$0x0], $0xffff;
	s14 =	sshll.u32 s16, $0x4;
	[tilespmem:s29+$0x6180] =	vst v57;
	vm3 =	vlt.s32 v60, $0x103F  }
0x27d: {  	v62 =	vadd.s32 $0x10, v42;
	s13 =	sadd.s32 s14, s13;
	[tilespmem:s12+$0x6180] =	vst v56;
	v53 =	vld.idx.msk [tilespmem:v53+s20+$0x0], $0xffff;
	v51 =	vnsel vm3, $0x103F, v60;
	vm3 =	vlt.s32 v61, $0x103F  }
0x27e: {  	s13 =	sor.u32 $0x380, s13;
	v63 =	vadd.s32 $0x10, v41;
	v58 =	vld.idx.msk [tilespmem:v58+s20+$0x0], $0xffff;
	v57 =	vnsel vm3, $0x103F, v61;
	vm3 =	vlt.s32 v62, $0x103F;
	[tilespmem:s11+$0x6180] =	vst v59  }
0x27f: {  	[tilespmem:s13+$0x6080] =	vst v50;
	v50 =	vnsel vm3, $0x103F, v62;
	vm3 =	vlt.s32 v63, $0x103F;
	v52 =	vld.idx.msk [tilespmem:v52+s20+$0x0], $0xffff  }
0x280: {  	v48 =	vld.idx.msk [tilespmem:v48+s20+$0x0], $0xffff;
	vm4 =	vlt.s32 v55, $0x103F;
	[tilespmem:s8+$0x6380] =	vst v49;
	v60 =	vadd.s32 $0x14, v45;
	v49 =	vnsel vm3, $0x103F, v63  }
0x281: {  	v47 =	vld.idx.msk [tilespmem:v47+s20+$0x0], $0xffff;
	v55 =	vnsel vm4, $0x103F, v55;
	[tilespmem:s6+$0x6200] =	vst v54;
	v61 =	vadd.s32 $0x14, v44;
	vm3 =	vlt.s32 v60, $0x103F  }
0x282: {  	v62 =	vadd.s32 $0x14, v43;
	[tilespmem:s29+$0x6200] =	vst v53;
	v56 =	vnsel vm3, $0x103F, v60;
	vm3 =	vlt.s32 v61, $0x103F;
	v51 =	vld.idx.msk [tilespmem:v51+s20+$0x0], $0xffff  }
0x283: {  	v63 =	vadd.s32 $0x14, v42;
	[tilespmem:s12+$0x6200] =	vst v58;
	v54 =	vnsel vm3, $0x103F, v61;
	vm3 =	vlt.s32 v62, $0x103F;
	v57 =	vld.idx.msk [tilespmem:v57+s20+$0x0], $0xffff  }
0x284: {  	v60 =	vadd.s32 $0x14, v41;
	v53 =	vnsel vm3, $0x103F, v62;
	vm3 =	vlt.s32 v63, $0x103F;
	v50 =	vld.idx.msk [tilespmem:v50+s20+$0x0], $0xffff;
	[tilespmem:s11+$0x6200] =	vst v52  }
0x285: {  	[tilespmem:s4+$0x6300] =	vst v48;
	v61 =	vadd.s32 $0x18, v46;
	v48 =	vnsel vm3, $0x103F, v63;
	vm3 =	vlt.s32 v60, $0x103F;
	v49 =	vld.idx.msk [tilespmem:v49+s20+$0x0], $0xffff  }
0x286: {  	s15 =	sadd.s32 $0x1, s7;
	v55 =	vld.idx.msk [tilespmem:v55+s20+$0x0], $0xffff;
	[tilespmem:s5+$0x6280] =	vst v47;
	vm14 =	vlt.s32 v61, $0x103F;
	v62 =	vadd.s32 $0x18, v45;
	v52 =	vnsel vm3, $0x103F, v60  }
0x287: {  	s16 =	sand.u32 $0x7, s15;
	v58 =	vnsel vm14, $0x103F, v61;
	v63 =	vadd.s32 $0x18, v44;
	vm3 =	vlt.s32 v62, $0x103F;
	v56 =	vld.idx.msk [tilespmem:v56+s20+$0x0], $0xffff;
	[tilespmem:s6+$0x6280] =	vst v51  }
0x288: {  	s8 =	sshll.u32 s16, $0x4;
	v60 =	vadd.s32 $0x18, v43;
	v47 =	vnsel vm3, $0x103F, v62;
	vm3 =	vlt.s32 v63, $0x103F;
	v54 =	vld.idx.msk [tilespmem:v54+s20+$0x0], $0xffff;
	[tilespmem:s29+$0x6280] =	vst v57  }
0x289: {  	s8 =	sadd.s32 s8, s30;
	v61 =	vadd.s32 $0x18, v42;
	v51 =	vnsel vm3, $0x103F, v63;
	vm3 =	vlt.s32 v60, $0x103F;
	v53 =	vld.idx.msk [tilespmem:v53+s20+$0x0], $0xffff;
	[tilespmem:s12+$0x6280] =	vst v50  }
0x28a: {  	s8 =	sor.u32 $0x380, s8;
	v62 =	vadd.s32 $0x18, v41;
	v57 =	vnsel vm3, $0x103F, v60;
	vm3 =	vlt.s32 v61, $0x103F;
	v48 =	vld.idx.msk [tilespmem:v48+s20+$0x0], $0xffff;
	[tilespmem:s11+$0x6280] =	vst v49  }
0x28b: {  	[tilespmem:s8+$0x6080] =	vst v55;
	v63 =	vadd.s32 $0x1C, v46;
	v50 =	vnsel vm3, $0x103F, v61;
	vm3 =	vlt.s32 v62, $0x103F;
	v52 =	vld.idx.msk [tilespmem:v52+s20+$0x0], $0xffff  }
0x28c: {  	v59 =	vadd.s32 $0x1C, v45;
	vm15 =	vlt.s32 v63, $0x103F;
	v58 =	vld.idx.msk [tilespmem:v58+s20+$0x0], $0xffff;
	[tilespmem:s5+$0x6300] =	vst v56;
	v49 =	vnsel vm3, $0x103F, v62  }
0x28d: {  	v60 =	vadd.s32 $0x1C, v44;
	v46 =	vnsel vm15, $0x103F, v63;
	vm3 =	vlt.s32 v59, $0x103F;
	v47 =	vld.idx.msk [tilespmem:v47+s20+$0x0], $0xffff;
	[tilespmem:s6+$0x6300] =	vst v54  }
0x28e: {  	v61 =	vadd.s32 $0x1C, v43;
	v45 =	vnsel vm3, $0x103F, v59;
	vm3 =	vlt.s32 v60, $0x103F;
	v51 =	vld.idx.msk [tilespmem:v51+s20+$0x0], $0xffff;
	[tilespmem:s29+$0x6300] =	vst v53  }
0x28f: {  	s7 =	sadd.s32 $0x1, s15;
	v62 =	vadd.s32 $0x1C, v42;
	v44 =	vnsel vm3, $0x103F, v60;
	vm3 =	vlt.s32 v61, $0x103F;
	v53 =	vld.idx.msk [tilespmem:v57+s20+$0x0], $0xffff;
	[tilespmem:s12+$0x6300] =	vst v48  }
0x290: {  	s8 =	sand.u32 $0x7, s7;
	s7 =	sadd.s32 $0x1, s7;
	v63 =	vadd.s32 $0x1C, v41;
	v43 =	vnsel vm3, $0x103F, v61;
	vm3 =	vlt.s32 v62, $0x103F;
	v48 =	vld.idx.msk [tilespmem:v50+s20+$0x0], $0xffff;
	[tilespmem:s11+$0x6300] =	vst v52  }
0x291: {  	s13 =	sand.u32 $0x7, s7;
	s7 =	sadd.s32 $0x1, s7;
	[tilespmem:s4+$0x6380] =	vst v58;
	v42 =	vnsel vm3, $0x103F, v62;
	vm3 =	vlt.s32 v63, $0x103F;
	v49 =	vld.idx.msk [tilespmem:v49+s20+$0x0], $0xffff  }
0x292: {  	s14 =	sshll.u32 s13, $0x4;
	s15 =	sand.u32 $0x7, s7;
	v46 =	vld.idx.msk [tilespmem:v46+s20+$0x0], $0xffff;
	v41 =	vnsel vm3, $0x103F, v63;
	[tilespmem:s5+$0x6380] =	vst v47  }
0x293: {  	s1 =	sadd.s32 s14, s1;
	s16 =	sshll.u32 s15, $0x4;
	v45 =	vld.idx.msk [tilespmem:v45+s20+$0x0], $0xffff;
	[tilespmem:s6+$0x6380] =	vst v51  }
0x294: {  	s1 =	sor.u32 $0x380, s1;
	s3 =	sadd.s32 s16, s3;
	s4 =	sshll.u32 s8, $0x4;
	v44 =	vld.idx.msk [tilespmem:v44+s20+$0x0], $0xffff;
	[tilespmem:s29+$0x6380] =	vst v53  }
0x295: {  	s3 =	sor.u32 $0x380, s3;
	s0 =	sadd.s32 s4, s0;
	s5 =	sadd.s32 $0x1, s7;
	v43 =	vld.idx.msk [tilespmem:v43+s20+$0x0], $0xffff;
	[tilespmem:s12+$0x6380] =	vst v48  }
0x296: {  	s0 =	sor.u32 $0x380, s0;
	s4 =	sadd.s32 $0x1, s5;
	s6 =	sand.u32 $0x7, s5;
	v42 =	vld.idx.msk [tilespmem:v42+s20+$0x0], $0xffff;
	[tilespmem:s11+$0x6380] =	vst v49  }
0x297: {  	s8 =	sand.u32 $0x7, s4;
	s4 =	sadd.s32 $0x1, s4;
	[tilespmem:s0+$0x6080] =	vst v46;
	s7 =	sshll.u32 s6, $0x4;
	v41 =	vld.idx.msk [tilespmem:v41+s20+$0x0], $0xffff  }
0x298: {  	s4 =	sand.u32 $0x7, s4;
	s0 =	sadd.s32 s7, s31;
	[tilespmem:s1+$0x6080] =	vst v45;
	s11 =	sshll.u32 s8, $0x4  }
0x299: {  	s12 =	sshll.u32 s4, $0x4;
	s0 =	sor.u32 $0x380, s0;
	s1 =	sadd.s32 s11, s10;
	[tilespmem:s3+$0x6080] =	vst v44  }
0x29a: {  	s14 =	sadd.s32 s12, s9;
	s13 =	sor.u32 $0x380, s1;
	[tilespmem:s0+$0x6080] =	vst v43  }
0x29b: {  	s15 =	sor.u32 $0x380, s14;
	[tilespmem:s13+$0x6080] =	vst v42  }
0x29c: {  	[tilespmem:s15+$0x6080] =	vst v41  }
0x29d: {  	s7 =	simm.s32 $0x0;
	s0 =	rddreg [dreg:$0xf]  }
0x29e: {  	[hbm4b:s0+s7] =	stream.linear.scatter [tilespmem:s24], [sflag:$0x4], $0x4000, $0x38;
	[tilespmem:$0xA080] =	vst v63  }
0x29f: {  	s16 =	rddreg [dreg:$0x10]  }
0x2a0: {  	[tilespmem:s20], [sflag:$0x2] =	stream.linear.gather [hbm4b:s16+s7], $0x1040, $0x38;
	[tilespmem:$0xA080] =	vst v63  }
0x2a1: {  	_ =	swait.ge [sflag:s21], $0x1040  }
0x2a2: {  	[sflag:s21] =	ssyncset.done $0x0  }
0x2a3: {  	[sflag:s21] =	ssyncadd.s32 $0xFFFFEFC0  }
0x2a4: {  	_ =	swait.ge [sflag:s25], $0x4000  }
0x2a5: {  	[sflag:s25] =	ssyncset.done $0x0  }
0x2a6: {  	[sflag:s25] =	ssyncadd.s32 $0xFFFFC000  }
0x2a7: {  	v8 =	vld.idx.msk [tilespmem:v8+s2+$0x0], $0xffff;
	_ =	sdelay $0x2  }
0x2a8: {  	s1 =	sand.u32 $0x70, s7;
	s3 =	sand.u32 $0x3C00, s7  }
0x2a9: {  	s10 =	sor.u32 s1, s3  }
0x2aa: {  	[tilespmem:s10+$0x2080] =	vst v8  }
0x2ab: {  	v8 =	vld.idx.msk [tilespmem:v9+s2+$0x0], $0xffff  }
0x2ac: {  	v9 =	vld.idx.msk [tilespmem:v10+s2+$0x0], $0xffff;
	_ =	sdelay $0x1  }
0x2ad: {  	s30 =	simm.s32 $0x80;
	s4 =	simm.s32 $0x10  }
0x2ae: {  	s5 =	sand.u32 $0x3C00, s30;
	s0 =	sand.u32 $0x70, s4  }
0x2af: {  	s8 =	sor.u32 s0, s5;
	[tilespmem:s10+$0x2100] =	vst v8  }
0x2b0: {  	[tilespmem:s8+$0x2080] =	vst v9;
	v8 =	vld.idx.msk [tilespmem:v11+s2+$0x0], $0xffff  }
0x2b1: {  	v9 =	vld.idx.msk [tilespmem:v12+s2+$0x0], $0xffff  }
0x2b2: {  	v10 =	vld.idx.msk [tilespmem:v13+s2+$0x0], $0xffff;
	_ =	sdelay $0x1  }
0x2b3: {  	s6 =	simm.s32 $0x20;
	s0 =	simm.s32 $0x100  }
0x2b4: {  	s1 =	sand.u32 $0x70, s6;
	s9 =	sand.u32 $0x3C00, s0;
	[tilespmem:s10+$0x2180] =	vst v8  }
0x2b5: {  	s4 =	sor.u32 s1, s9;
	[tilespmem:s8+$0x2100] =	vst v9;
	v8 =	vld.idx.msk [tilespmem:v14+s2+$0x0], $0xffff  }
0x2b6: {  	[tilespmem:s4+$0x2080] =	vst v10;
	v9 =	vld.idx.msk [tilespmem:v15+s2+$0x0], $0xffff  }
0x2b7: {  	v10 =	vld.idx.msk [tilespmem:v16+s2+$0x0], $0xffff  }
0x2b8: {  	v11 =	vld.idx.msk [tilespmem:v17+s2+$0x0], $0xffff;
	_ =	sdelay $0x1  }
0x2b9: {  	s11 =	simm.s32 $0x30;
	s1 =	simm.s32 $0x180;
	[tilespmem:s10+$0x2200] =	vst v8  }
0x2ba: {  	s3 =	sand.u32 $0x70, s11;
	s12 =	sand.u32 $0x3C00, s1;
	[tilespmem:s8+$0x2180] =	vst v9;
	v8 =	vld.idx.msk [tilespmem:v18+s2+$0x0], $0xffff  }
0x2bb: {  	s5 =	sor.u32 s3, s12;
	[tilespmem:s4+$0x2100] =	vst v10;
	v9 =	vld.idx.msk [tilespmem:v19+s2+$0x0], $0xffff  }
0x2bc: {  	[tilespmem:s5+$0x2080] =	vst v11;
	v10 =	vld.idx.msk [tilespmem:v20+s2+$0x0], $0xffff  }
0x2bd: {  	v11 =	vld.idx.msk [tilespmem:v21+s2+$0x0], $0xffff  }
0x2be: {  	v13 =	vld.idx.msk [tilespmem:v28+s2+$0x0], $0xffff  }
0x2bf: {  	v12 =	vld.idx.msk [tilespmem:v22+s2+$0x0], $0xffff;
	[tilespmem:s10+$0x2280] =	vst v8  }
0x2c0: {  	[tilespmem:s8+$0x2200] =	vst v9;
	v8 =	vld.idx.msk [tilespmem:v23+s2+$0x0], $0xffff  }
0x2c1: {  	s13 =	simm.s32 $0x40;
	s3 =	simm.s32 $0x200;
	[tilespmem:s4+$0x2180] =	vst v10;
	v9 =	vld.idx.msk [tilespmem:v24+s2+$0x0], $0xffff  }
0x2c2: {  	s6 =	sand.u32 $0x70, s13;
	s14 =	sand.u32 $0x3C00, s3;
	[tilespmem:s5+$0x2100] =	vst v11;
	v10 =	vld.idx.msk [tilespmem:v25+s2+$0x0], $0xffff  }
0x2c3: {  	s6 =	sor.u32 s6, s14;
	v11 =	vld.idx.msk [tilespmem:v26+s2+$0x0], $0xffff  }
0x2c4: {  	v17 =	vld.idx.msk [tilespmem:v35+s2+$0x0], $0xffff;
	[tilespmem:s6+$0x2080] =	vst v12  }
0x2c5: {  	v12 =	vld.idx.msk [tilespmem:v27+s2+$0x0], $0xffff;
	[tilespmem:s10+$0x2300] =	vst v8  }
0x2c6: {  	s15 =	simm.s32 $0x50;
	s9 =	simm.s32 $0x280;
	[tilespmem:s8+$0x2280] =	vst v9;
	v8 =	vld.idx.msk [tilespmem:v29+s2+$0x0], $0xffff  }
0x2c7: {  	s11 =	sand.u32 $0x70, s15;
	s16 =	sand.u32 $0x3C00, s9;
	[tilespmem:s4+$0x2200] =	vst v10;
	v19 =	vld.idx.msk [tilespmem:v30+s2+$0x0], $0xffff  }
0x2c8: {  	s29 =	sor.u32 s11, s16;
	[tilespmem:s5+$0x2180] =	vst v11;
	v11 =	vld.idx.msk [tilespmem:v31+s2+$0x0], $0xffff  }
0x2c9: {  	[tilespmem:s29+$0x2080] =	vst v13;
	v10 =	vnsel vm0, $0x103F, v38;
	v14 =	vld.idx.msk [tilespmem:v32+s2+$0x0], $0xffff  }
0x2ca: {  	v7 =	vadd.s32 $0x1C, v7;
	v15 =	vld.idx.msk [tilespmem:v34+s2+$0x0], $0xffff;
	[tilespmem:s6+$0x2100] =	vst v12;
	v12 =	vadd.s32 $0xC, v4  }
0x2cb: {  	v13 =	vld.idx.msk [tilespmem:v33+s2+$0x0], $0xffff;
	v18 =	vadd.s32 $0x8, v5;
	vm0 =	vlt.s32 v12, $0x103F;
	v9 =	vnsel vm1, $0x103F, v39;
	[tilespmem:s10+$0x2380] =	vst v8  }
0x2cc: {  	s31 =	simm.s32 $0x280;
	s13 =	simm.s32 $0x0;
	v16 =	vnsel vm0, $0x103F, v12;
	vm1 =	vlt.s32 v18, $0x103F;
	v8 =	vadd.s32 $0x20, v6;
	[tilespmem:s8+$0x2300] =	vst v19;
	v12 =	vld.idx.msk [tilespmem:v36+s2+$0x0], $0xffff  }
0x2cd: {  	s11 =	simm.s32 $0x70;
	s14 =	simm.s32 $0x60;
	[tilespmem:s4+$0x2280] =	vst v11;
	v18 =	vnsel vm1, $0x103F, v18;
	s10 =	simm.s32 $0x80;
	v19 =	vnsel vm2, $0x103F, v40;
	vm0 =	vlt.s32 v8, $0x103F;
	v11 =	vld.idx.msk [tilespmem:v37+s2+$0x0], $0xffff  }
.LBB2_14:
0x2ce: {  	p0 =	sne.s32 s10, $0x7F0;
	v20 =	vnsel vm0, $0x103F, v8;
	s9 =	sadd.s32 $0x80, s9;
	[tilespmem:s5+$0x2200] =	vst v14;
	v21 =	vld.idx.msk [tilespmem:v10+s2+$0x0], $0xffff;
	v10 =	vadd.s32 $0x18, v2  }
0x2cf: {  	vm0 =	vlt.s32 v7, $0x103F;
	s15 =	sand.u32 $0x7, s7;
	v22 =	vmovc v4;
	v4 =	vmovc v5;
	v5 =	vmov v6;
	v6 =	vmov v8;
	s12 =	smov.u32 s11;
	s11 =	smov.u32 s10  }
0x2d0: {  	s14 =	sand.u32 $0x70, s14;
	s16 =	sand.u32 $0x3C00, s9;
	[tilespmem:s6+$0x2180] =	vst v13;
	v23 =	vld.idx.msk [tilespmem:v9+s2+$0x0], $0xffff;
	v9 =	vadd.s32 $0x14, v3;
	vm1 =	vlt.s32 v10, $0x103F;
	v7 =	vnsel vm0, $0x103F, v7;
	s15 =	sshll.u32 s15, $0x4  }
0x2d1: {  	s14 =	sor.u32 s14, s16;
	[tilespmem:s29+$0x2100] =	vst v15;
	v14 =	vld.idx.msk [tilespmem:v16+s2+$0x0], $0xffff;
	v16 =	vadd.s32 $0x10, v22;
	vm0 =	vlt.s32 v9, $0x103F;
	v24 =	vnsel vm1, $0x103F, v10;
	s15 =	sadd.s32 s15, s13;
	s13 =	smov.u32 s30  }
.Ltmp6:
0x2d2: {  	s30 =	smov.u32 s0;
	[tilespmem:s14+$0x2080] =	vst v17;
	v13 =	vld.idx.msk [tilespmem:v18+s2+$0x0], $0xffff;
	v18 =	vadd.s32 $0xC, v4;
	vm1 =	vlt.s32 v16, $0x103F;
	v10 =	vnsel vm0, $0x103F, v9;
	s15 =	sor.u32 $0x380, s15;
	(pc) =	sbr.rel @p0 .LBB2_14-.Ltmp6, $4  }
0x2d3: {  	s0 =	smov.u32 s1;
	s1 =	smov.u32 s3;
	s3 =	smov.u32 s31;
	v15 =	vld.idx.msk [tilespmem:v19+s2+$0x0], $0xffff;
	v19 =	vadd.s32 $0x8, v5;
	vm0 =	vlt.s32 v18, $0x103F;
	v9 =	vnsel vm1, $0x103F, v16;
	[tilespmem:s15+$0x2080] =	vst v12  }
0x2d4: {  	s31 =	smov.u32 s9;
	v17 =	vld.idx.msk [tilespmem:v20+s2+$0x0], $0xffff;
	v20 =	vadd.s32 $0x4, v8;
	vm1 =	vlt.s32 v19, $0x103F;
	v16 =	vnsel vm0, $0x103F, v18;
	[tilespmem:s8+$0x2380] =	vst v11;
	s8 =	smov.u32 s4;
	s4 =	smov.u32 s5  }
0x2d5: {  	v8 =	vadd.s32 $0x20, v8;
	s5 =	smov.u32 s6;
	s6 =	smov.u32 s29;
	s29 =	smov.u32 s14;
	vm2 =	vlt.s32 v20, $0x103F;
	v18 =	vnsel vm1, $0x103F, v19;
	[tilespmem:s8+$0x2300] =	vst v21;
	v12 =	vld.idx.msk [tilespmem:v7+s2+$0x0], $0xffff  }
0x2d6: {  	s10 =	sadd.s32 $0x10, s10;
	s7 =	sadd.s32 $0x1, s7;
	s14 =	smov.u32 s12;
	vm0 =	vlt.s32 v8, $0x103F;
	v7 =	vadd.s32 $0x1C, v2;
	v2 =	vmovc v3;
	v3 =	vmovc v22;
	v19 =	vnsel vm2, $0x103F, v20;
	[tilespmem:s4+$0x2280] =	vst v23;
	v11 =	vld.idx.msk [tilespmem:v24+s2+$0x0], $0xffff  }
0x2d7: {  	v20 =	vnsel vm0, $0x103F, v8;
	_ =	sdelay $0x3  }
0x2d8: {  	v21 =	vadd.s32 $0x4, v8  }
0x2d9: {  	vm0 =	vlt.s32 v21, $0x103F;
	v20 =	vld.idx.msk [tilespmem:v20+s2+$0x0], $0xffff  }
0x2da: {  	s10 =	sadd.s32 $0x80, s9;
	v21 =	vnsel vm0, $0x103F, v21  }
0x2db: {  	s12 =	sand.u32 $0x70, s14;
	s16 =	sand.u32 $0x3C00, s10;
	s9 =	sadd.s32 $0x80, s10  }
0x2dc: {  	s11 =	sand.u32 $0x70, s11;
	s12 =	sor.u32 s12, s16;
	s15 =	sand.u32 $0x3C00, s9  }
0x2dd: {  	[tilespmem:s12+$0x2080] =	vst v17;
	v17 =	vadd.s32 $0x8, v6;
	s11 =	sor.u32 s11, s15  }
0x2de: {  	v19 =	vld.idx.msk [tilespmem:v19+s2+$0x0], $0xffff;
	vm0 =	vlt.s32 v17, $0x103F;
	[tilespmem:s11+$0x2080] =	vst v20;
	v20 =	vadd.s32 $0x8, v8  }
0x2df: {  	v17 =	vnsel vm0, $0x103F, v17;
	v21 =	vld.idx.msk [tilespmem:v21+s2+$0x0], $0xffff;
	vm0 =	vlt.s32 v20, $0x103F  }
0x2e0: {  	v20 =	vnsel vm0, $0x103F, v20;
	_ =	sdelay $0x1  }
0x2e1: {  	[tilespmem:s29+$0x2100] =	vst v15;
	v15 =	vadd.s32 $0xC, v5  }
0x2e2: {  	v18 =	vld.idx.msk [tilespmem:v18+s2+$0x0], $0xffff;
	[tilespmem:s12+$0x2100] =	vst v19;
	v19 =	vadd.s32 $0xC, v6;
	vm0 =	vlt.s32 v15, $0x103F  }
0x2e3: {  	v62 =	vadd.s32 $0xC, v8;
	v17 =	vld.idx.msk [tilespmem:v17+s2+$0x0], $0xffff;
	v15 =	vnsel vm0, $0x103F, v15;
	vm0 =	vlt.s32 v19, $0x103F;
	[tilespmem:s11+$0x2100] =	vst v21  }
0x2e4: {  	v19 =	vnsel vm0, $0x103F, v19;
	vm0 =	vlt.s32 v62, $0x103F;
	v20 =	vld.idx.msk [tilespmem:v20+s2+$0x0], $0xffff  }
0x2e5: {  	[tilespmem:s5+$0x2200] =	vst v14;
	v14 =	vnsel vm0, $0x103F, v62  }
0x2e6: {  	[tilespmem:s6+$0x2180] =	vst v13;
	v13 =	vadd.s32 $0x10, v4;
	s16 =	sand.u32 $0x7, s7  }
0x2e7: {  	v16 =	vld.idx.msk [tilespmem:v16+s2+$0x0], $0xffff;
	s14 =	sshll.u32 s16, $0x4;
	[tilespmem:s29+$0x2180] =	vst v18;
	v18 =	vadd.s32 $0x10, v5;
	vm0 =	vlt.s32 v13, $0x103F  }
0x2e8: {  	s13 =	sadd.s32 s14, s13;
	[tilespmem:s12+$0x2180] =	vst v17;
	v17 =	vadd.s32 $0x10, v6;
	v13 =	vnsel vm0, $0x103F, v13;
	vm0 =	vlt.s32 v18, $0x103F;
	v15 =	vld.idx.msk [tilespmem:v15+s2+$0x0], $0xffff  }
0x2e9: {  	s13 =	sor.u32 $0x380, s13;
	v18 =	vnsel vm0, $0x103F, v18;
	vm0 =	vlt.s32 v17, $0x103F;
	v19 =	vld.idx.msk [tilespmem:v19+s2+$0x0], $0xffff;
	[tilespmem:s11+$0x2180] =	vst v20;
	v20 =	vadd.s32 $0x10, v8  }
0x2ea: {  	[tilespmem:s13+$0x2080] =	vst v12;
	v12 =	vnsel vm0, $0x103F, v17;
	v14 =	vld.idx.msk [tilespmem:v14+s2+$0x0], $0xffff;
	vm0 =	vlt.s32 v20, $0x103F  }
0x2eb: {  	v10 =	vld.idx.msk [tilespmem:v10+s2+$0x0], $0xffff;
	vm1 =	vlt.s32 v7, $0x103F;
	[tilespmem:s8+$0x2380] =	vst v11;
	v17 =	vadd.s32 $0x14, v3;
	v11 =	vnsel vm0, $0x103F, v20  }
0x2ec: {  	v9 =	vld.idx.msk [tilespmem:v9+s2+$0x0], $0xffff;
	v7 =	vnsel vm1, $0x103F, v7;
	[tilespmem:s6+$0x2200] =	vst v16;
	v16 =	vadd.s32 $0x14, v4;
	vm0 =	vlt.s32 v17, $0x103F  }
0x2ed: {  	v13 =	vld.idx.msk [tilespmem:v13+s2+$0x0], $0xffff;
	[tilespmem:s29+$0x2200] =	vst v15;
	v15 =	vadd.s32 $0x14, v5;
	v17 =	vnsel vm0, $0x103F, v17;
	vm0 =	vlt.s32 v16, $0x103F  }
0x2ee: {  	v18 =	vld.idx.msk [tilespmem:v18+s2+$0x0], $0xffff;
	[tilespmem:s12+$0x2200] =	vst v19;
	v19 =	vadd.s32 $0x14, v6;
	v16 =	vnsel vm0, $0x103F, v16;
	vm0 =	vlt.s32 v15, $0x103F  }
0x2ef: {  	v12 =	vld.idx.msk [tilespmem:v12+s2+$0x0], $0xffff;
	v15 =	vnsel vm0, $0x103F, v15;
	vm0 =	vlt.s32 v19, $0x103F;
	[tilespmem:s11+$0x2200] =	vst v14;
	v14 =	vadd.s32 $0x14, v8  }
0x2f0: {  	[tilespmem:s4+$0x2300] =	vst v10;
	v20 =	vadd.s32 $0x18, v2;
	v10 =	vnsel vm0, $0x103F, v19;
	v11 =	vld.idx.msk [tilespmem:v11+s2+$0x0], $0xffff;
	vm0 =	vlt.s32 v14, $0x103F  }
0x2f1: {  	s15 =	sadd.s32 $0x1, s7;
	v7 =	vld.idx.msk [tilespmem:v7+s2+$0x0], $0xffff;
	[tilespmem:s5+$0x2280] =	vst v9;
	v9 =	vadd.s32 $0x18, v3;
	vm1 =	vlt.s32 v20, $0x103F;
	v14 =	vnsel vm0, $0x103F, v14  }
0x2f2: {  	s16 =	sand.u32 $0x7, s15;
	[tilespmem:s6+$0x2280] =	vst v13;
	v13 =	vadd.s32 $0x18, v4;
	v19 =	vnsel vm1, $0x103F, v20;
	v17 =	vld.idx.msk [tilespmem:v17+s2+$0x0], $0xffff;
	vm0 =	vlt.s32 v9, $0x103F  }
0x2f3: {  	s8 =	sshll.u32 s16, $0x4;
	[tilespmem:s29+$0x2280] =	vst v18;
	v18 =	vadd.s32 $0x18, v5;
	v9 =	vnsel vm0, $0x103F, v9;
	v16 =	vld.idx.msk [tilespmem:v16+s2+$0x0], $0xffff;
	vm0 =	vlt.s32 v13, $0x103F  }
0x2f4: {  	s8 =	sadd.s32 s8, s30;
	[tilespmem:s12+$0x2280] =	vst v12;
	v12 =	vadd.s32 $0x18, v6;
	v13 =	vnsel vm0, $0x103F, v13;
	v15 =	vld.idx.msk [tilespmem:v15+s2+$0x0], $0xffff;
	vm0 =	vlt.s32 v18, $0x103F  }
0x2f5: {  	s8 =	sor.u32 $0x380, s8;
	v18 =	vnsel vm0, $0x103F, v18;
	v10 =	vld.idx.msk [tilespmem:v10+s2+$0x0], $0xffff;
	vm0 =	vlt.s32 v12, $0x103F;
	[tilespmem:s11+$0x2280] =	vst v11;
	v11 =	vadd.s32 $0x18, v8  }
0x2f6: {  	[tilespmem:s8+$0x2080] =	vst v7;
	v2 =	vadd.s32 $0x1C, v2;
	v7 =	vnsel vm0, $0x103F, v12;
	v12 =	vld.idx.msk [tilespmem:v14+s2+$0x0], $0xffff;
	vm0 =	vlt.s32 v11, $0x103F  }
0x2f7: {  	v3 =	vadd.s32 $0x1C, v3;
	vm1 =	vlt.s32 v2, $0x103F;
	v14 =	vld.idx.msk [tilespmem:v19+s2+$0x0], $0xffff;
	[tilespmem:s5+$0x2300] =	vst v17;
	v11 =	vnsel vm0, $0x103F, v11  }
0x2f8: {  	v4 =	vadd.s32 $0x1C, v4;
	v2 =	vnsel vm1, $0x103F, v2;
	v9 =	vld.idx.msk [tilespmem:v9+s2+$0x0], $0xffff;
	vm0 =	vlt.s32 v3, $0x103F;
	[tilespmem:s6+$0x2300] =	vst v16  }
0x2f9: {  	v5 =	vadd.s32 $0x1C, v5;
	v3 =	vnsel vm0, $0x103F, v3;
	v13 =	vld.idx.msk [tilespmem:v13+s2+$0x0], $0xffff;
	vm0 =	vlt.s32 v4, $0x103F;
	[tilespmem:s29+$0x2300] =	vst v15  }
0x2fa: {  	s7 =	sadd.s32 $0x1, s15;
	v6 =	vadd.s32 $0x1C, v6;
	v4 =	vnsel vm0, $0x103F, v4;
	v15 =	vld.idx.msk [tilespmem:v18+s2+$0x0], $0xffff;
	vm0 =	vlt.s32 v5, $0x103F;
	[tilespmem:s12+$0x2300] =	vst v10  }
0x2fb: {  	s13 =	sand.u32 $0x7, s7;
	s7 =	sadd.s32 $0x1, s7;
	v8 =	vadd.s32 $0x1C, v8;
	v5 =	vnsel vm0, $0x103F, v5;
	v7 =	vld.idx.msk [tilespmem:v7+s2+$0x0], $0xffff;
	vm0 =	vlt.s32 v6, $0x103F;
	[tilespmem:s11+$0x2300] =	vst v12  }
0x2fc: {  	s14 =	sand.u32 $0x7, s7;
	[tilespmem:s4+$0x2380] =	vst v14;
	v6 =	vnsel vm0, $0x103F, v6;
	vm0 =	vlt.s32 v8, $0x103F;
	v10 =	vld.idx.msk [tilespmem:v11+s2+$0x0], $0xffff  }
0x2fd: {  	s7 =	sadd.s32 $0x1, s7;
	s15 =	sshll.u32 s14, $0x4;
	v2 =	vld.idx.msk [tilespmem:v2+s2+$0x0], $0xffff;
	[tilespmem:s5+$0x2380] =	vst v9;
	v8 =	vnsel vm0, $0x103F, v8  }
0x2fe: {  	s16 =	sand.u32 $0x7, s7;
	s7 =	sadd.s32 $0x1, s7;
	s1 =	sadd.s32 s15, s1;
	v3 =	vld.idx.msk [tilespmem:v3+s2+$0x0], $0xffff;
	[tilespmem:s6+$0x2380] =	vst v13  }
0x2ff: {  	s1 =	sor.u32 $0x380, s1;
	s4 =	sshll.u32 s13, $0x4;
	s6 =	sshll.u32 s16, $0x4;
	v4 =	vld.idx.msk [tilespmem:v4+s2+$0x0], $0xffff;
	[tilespmem:s29+$0x2380] =	vst v15  }
0x300: {  	s8 =	sand.u32 $0x7, s7;
	s0 =	sadd.s32 s4, s0;
	s3 =	sadd.s32 s6, s3;
	v5 =	vld.idx.msk [tilespmem:v5+s2+$0x0], $0xffff;
	[tilespmem:s12+$0x2380] =	vst v7  }
0x301: {  	s4 =	sadd.s32 $0x1, s7;
	s0 =	sor.u32 $0x380, s0;
	s3 =	sor.u32 $0x380, s3;
	v6 =	vld.idx.msk [tilespmem:v6+s2+$0x0], $0xffff;
	[tilespmem:s11+$0x2380] =	vst v10  }
0x302: {  	s12 =	sand.u32 $0x7, s4;
	s4 =	sadd.s32 $0x1, s4;
	[tilespmem:s0+$0x2080] =	vst v2;
	s11 =	sshll.u32 s8, $0x4;
	v2 =	vld.idx.msk [tilespmem:v8+s2+$0x0], $0xffff  }
0x303: {  	s13 =	sshll.u32 s12, $0x4;
	s4 =	sand.u32 $0x7, s4;
	[tilespmem:s1+$0x2080] =	vst v3;
	s0 =	sadd.s32 s11, s31  }
0x304: {  	s14 =	sshll.u32 s4, $0x4;
	s1 =	sadd.s32 s13, s10;
	[tilespmem:s3+$0x2080] =	vst v4;
	s0 =	sor.u32 $0x380, s0  }
0x305: {  	s16 =	sadd.s32 s14, s9;
	s15 =	sor.u32 $0x380, s1;
	[tilespmem:s0+$0x2080] =	vst v5  }
0x306: {  	s3 =	sor.u32 $0x380, s16;
	[tilespmem:s15+$0x2080] =	vst v6  }
0x307: {  	s30 =	simm.s32 $0x0;
	[tilespmem:s3+$0x2080] =	vst v2  }
0x308: {  	[hbm4b:s17+s30] =	stream.linear.scatter [tilespmem:s22], [sflag:$0x3], $0x4000, $0x38;
	[tilespmem:$0xA080] =	vst v63  }
0x309: {  	vm0 =	vlt.s32 v1, $0x103F;
	_ =	swait.ge [sflag:s23], $0x1040  }
0x30a: {  	v2 =	vnsel vm0, $0x103F, v1;
	[sflag:s23] =	ssyncset.done $0x0  }
0x30b: {  	[sflag:s23] =	ssyncadd.s32 $0xFFFFEFC0  }
0x30c: {  	_ =	swait.ge [sflag:s26], $0x4000  }
0x30d: {  	[sflag:s26] =	ssyncset.done $0x0  }
0x30e: {  	v3 =	vadd.s32 $0x4, v1;
	[sflag:s26] =	ssyncadd.s32 $0xFFFFC000  }
0x30f: {  	v8 =	vadd.s32 $0x20, v1;
	vm0 =	vlt.s32 v3, $0x103F;
	v2 =	vld.idx.msk [tilespmem:v2+s20+$0x0], $0xffff  }
0x310: {  	vm1 =	vlt.s32 v8, $0x103F;
	v3 =	vnsel vm0, $0x103F, v3  }
0x311: {  	v4 =	vnsel vm1, $0x103F, v8  }
0x312: {  	s5 =	sand.u32 $0x3C00, s30;
	s4 =	sand.u32 $0x70, s30  }
0x313: {  	s8 =	sor.u32 s4, s5  }
0x314: {  	v5 =	vadd.s32 $0x8, v1;
	[tilespmem:s8+$0x6080] =	vst v2  }
0x315: {  	v6 =	vadd.s32 $0x4, v8;
	vm0 =	vlt.s32 v5, $0x103F;
	v3 =	vld.idx.msk [tilespmem:v3+s20+$0x0], $0xffff  }
0x316: {  	vm1 =	vlt.s32 v6, $0x103F;
	v5 =	vnsel vm0, $0x103F, v5;
	v4 =	vld.idx.msk [tilespmem:v4+s20+$0x0], $0xffff;
	v2 =	vadd.s32 $0x20, v8  }
0x317: {  	v6 =	vnsel vm1, $0x103F, v6;
	vm0 =	vlt.s32 v2, $0x103F  }
0x318: {  	s6 =	simm.s32 $0x10;
	s0 =	simm.s32 $0x80;
	v7 =	vnsel vm0, $0x103F, v2  }
0x319: {  	s1 =	sand.u32 $0x70, s6;
	s7 =	sand.u32 $0x3C00, s0  }
0x31a: {  	s6 =	sor.u32 s1, s7;
	[tilespmem:s8+$0x6100] =	vst v3;
	v3 =	vadd.s32 $0xC, v1  }
0x31b: {  	[tilespmem:s6+$0x6080] =	vst v4;
	v4 =	vld.idx.msk [tilespmem:v5+s20+$0x0], $0xffff;
	v5 =	vadd.s32 $0x8, v8;
	vm0 =	vlt.s32 v3, $0x103F  }
0x31c: {  	v6 =	vld.idx.msk [tilespmem:v6+s20+$0x0], $0xffff;
	v9 =	vadd.s32 $0x4, v2;
	vm1 =	vlt.s32 v5, $0x103F;
	v10 =	vnsel vm0, $0x103F, v3  }
0x31d: {  	v7 =	vld.idx.msk [tilespmem:v7+s20+$0x0], $0xffff;
	vm0 =	vlt.s32 v9, $0x103F;
	v3 =	vadd.s32 $0x20, v2;
	v5 =	vnsel vm1, $0x103F, v5  }
0x31e: {  	vm1 =	vlt.s32 v3, $0x103F;
	v9 =	vnsel vm0, $0x103F, v9  }
0x31f: {  	s29 =	simm.s32 $0x100;
	s9 =	simm.s32 $0x20;
	v11 =	vnsel vm1, $0x103F, v3  }
0x320: {  	s10 =	sand.u32 $0x3C00, s29;
	s1 =	sand.u32 $0x70, s9;
	[tilespmem:s8+$0x6180] =	vst v4;
	v4 =	vadd.s32 $0x10, v1  }
0x321: {  	s31 =	sor.u32 s1, s10;
	[tilespmem:s6+$0x6100] =	vst v6;
	v6 =	vld.idx.msk [tilespmem:v10+s20+$0x0], $0xffff;
	v10 =	vadd.s32 $0xC, v8;
	vm0 =	vlt.s32 v4, $0x103F  }
0x322: {  	[tilespmem:s31+$0x6080] =	vst v7;
	v7 =	vadd.s32 $0x8, v2;
	v5 =	vld.idx.msk [tilespmem:v5+s20+$0x0], $0xffff;
	vm1 =	vlt.s32 v10, $0x103F;
	v12 =	vnsel vm0, $0x103F, v4  }
0x323: {  	v13 =	vadd.s32 $0x4, v3;
	v9 =	vld.idx.msk [tilespmem:v9+s20+$0x0], $0xffff;
	vm0 =	vlt.s32 v7, $0x103F;
	v10 =	vnsel vm1, $0x103F, v10  }
0x324: {  	v4 =	vadd.s32 $0x20, v3;
	v11 =	vld.idx.msk [tilespmem:v11+s20+$0x0], $0xffff;
	vm1 =	vlt.s32 v13, $0x103F;
	v7 =	vnsel vm0, $0x103F, v7  }
0x325: {  	vm0 =	vlt.s32 v4, $0x103F;
	v13 =	vnsel vm1, $0x103F, v13  }
0x326: {  	s11 =	simm.s32 $0x30;
	s1 =	simm.s32 $0x180;
	v14 =	vnsel vm0, $0x103F, v4;
	[tilespmem:s8+$0x6200] =	vst v6;
	v6 =	vadd.s32 $0x14, v1  }
0x327: {  	s3 =	sand.u32 $0x70, s11;
	s12 =	sand.u32 $0x3C00, s1;
	[tilespmem:s6+$0x6180] =	vst v5;
	v12 =	vld.idx.msk [tilespmem:v12+s20+$0x0], $0xffff;
	v5 =	vadd.s32 $0x10, v8;
	vm0 =	vlt.s32 v6, $0x103F  }
0x328: {  	s3 =	sor.u32 s3, s12;
	[tilespmem:s31+$0x6100] =	vst v9;
	v9 =	vld.idx.msk [tilespmem:v10+s20+$0x0], $0xffff;
	v10 =	vadd.s32 $0xC, v2;
	vm1 =	vlt.s32 v5, $0x103F;
	v6 =	vnsel vm0, $0x103F, v6  }
0x329: {  	[tilespmem:s3+$0x6080] =	vst v11;
	v7 =	vld.idx.msk [tilespmem:v7+s20+$0x0], $0xffff;
	v11 =	vadd.s32 $0x8, v3;
	vm0 =	vlt.s32 v10, $0x103F;
	v15 =	vnsel vm1, $0x103F, v5  }
0x32a: {  	v16 =	vadd.s32 $0x4, v4;
	v13 =	vld.idx.msk [tilespmem:v13+s20+$0x0], $0xffff;
	vm1 =	vlt.s32 v11, $0x103F;
	v10 =	vnsel vm0, $0x103F, v10  }
0x32b: {  	v14 =	vld.idx.msk [tilespmem:v14+s20+$0x0], $0xffff;
	v5 =	vadd.s32 $0x20, v4;
	vm0 =	vlt.s32 v16, $0x103F;
	v11 =	vnsel vm1, $0x103F, v11  }
0x32c: {  	vm1 =	vlt.s32 v5, $0x103F;
	v16 =	vnsel vm0, $0x103F, v16;
	[tilespmem:s8+$0x6280] =	vst v12;
	v12 =	vadd.s32 $0x18, v1  }
0x32d: {  	s13 =	simm.s32 $0x40;
	s4 =	simm.s32 $0x200;
	v17 =	vnsel vm1, $0x103F, v5;
	[tilespmem:s6+$0x6200] =	vst v9;
	v9 =	vld.idx.msk [tilespmem:v6+s20+$0x0], $0xffff;
	v6 =	vadd.s32 $0x14, v8;
	vm0 =	vlt.s32 v12, $0x103F  }
0x32e: {  	s5 =	sand.u32 $0x70, s13;
	s14 =	sand.u32 $0x3C00, s4;
	[tilespmem:s31+$0x6180] =	vst v7;
	v7 =	vld.idx.msk [tilespmem:v15+s20+$0x0], $0xffff;
	v15 =	vadd.s32 $0x10, v2;
	vm1 =	vlt.s32 v6, $0x103F;
	v12 =	vnsel vm0, $0x103F, v12  }
0x32f: {  	s5 =	sor.u32 s5, s14;
	[tilespmem:s3+$0x6100] =	vst v13;
	v13 =	vadd.s32 $0xC, v3;
	v10 =	vld.idx.msk [tilespmem:v10+s20+$0x0], $0xffff;
	vm0 =	vlt.s32 v15, $0x103F;
	v18 =	vnsel vm1, $0x103F, v6  }
0x330: {  	[tilespmem:s5+$0x6080] =	vst v14;
	v14 =	vadd.s32 $0x8, v4;
	v11 =	vld.idx.msk [tilespmem:v11+s20+$0x0], $0xffff;
	vm1 =	vlt.s32 v13, $0x103F;
	v15 =	vnsel vm0, $0x103F, v15  }
0x331: {  	v19 =	vadd.s32 $0x4, v5;
	v16 =	vld.idx.msk [tilespmem:v16+s20+$0x0], $0xffff;
	vm0 =	vlt.s32 v14, $0x103F;
	v13 =	vnsel vm1, $0x103F, v13  }
0x332: {  	v6 =	vadd.s32 $0x20, v5;
	v17 =	vld.idx.msk [tilespmem:v17+s20+$0x0], $0xffff;
	vm1 =	vlt.s32 v19, $0x103F;
	v20 =	vnsel vm0, $0x103F, v14;
	[tilespmem:s8+$0x6300] =	vst v9  }
0x333: {  	vm0 =	vlt.s32 v6, $0x103F;
	v9 =	vnsel vm1, $0x103F, v19;
	[tilespmem:s6+$0x6280] =	vst v7;
	v7 =	vld.idx.msk [tilespmem:v12+s20+$0x0], $0xffff;
	v12 =	vadd.s32 $0x1C, v1  }
0x334: {  	s15 =	simm.s32 $0x50;
	s9 =	simm.s32 $0x280;
	v19 =	vnsel vm0, $0x103F, v6;
	[tilespmem:s31+$0x6200] =	vst v10;
	v63 =	vld.idx.msk [tilespmem:v18+s20+$0x0], $0xffff;
	v10 =	vadd.s32 $0x18, v8;
	vm0 =	vlt.s32 v12, $0x103F  }
0x335: {  	s7 =	sand.u32 $0x70, s15;
	s16 =	sand.u32 $0x3C00, s9;
	[tilespmem:s3+$0x6180] =	vst v11;
	v11 =	vld.idx.msk [tilespmem:v15+s20+$0x0], $0xffff;
	v15 =	vadd.s32 $0x14, v2;
	vm1 =	vlt.s32 v10, $0x103F;
	v22 =	vnsel vm0, $0x103F, v12  }
0x336: {  	s7 =	sor.u32 s7, s16;
	v18 =	vadd.s32 $0xC, v4;
	[tilespmem:s5+$0x6100] =	vst v16;
	v14 =	vld.idx.msk [tilespmem:v13+s20+$0x0], $0xffff;
	vm0 =	vlt.s32 v15, $0x103F;
	v23 =	vnsel vm1, $0x103F, v10  }
0x337: {  	v8 =	vadd.s32 $0x1C, v8;
	v13 =	vadd.s32 $0x10, v3;
	[tilespmem:s7+$0x6080] =	vst v17;
	v12 =	vld.idx.msk [tilespmem:v20+s20+$0x0], $0xffff;
	v10 =	vnsel vm0, $0x103F, v15  }
0x338: {  	vm1 =	vlt.s32 v13, $0x103F;
	v20 =	vadd.s32 $0x8, v5;
	v16 =	vld.idx.msk [tilespmem:v9+s20+$0x0], $0xffff;
	vm0 =	vlt.s32 v18, $0x103F  }
0x339: {  	v9 =	vnsel vm1, $0x103F, v13;
	v17 =	vld.idx.msk [tilespmem:v19+s20+$0x0], $0xffff;
	v19 =	vadd.s32 $0x4, v6;
	vm1 =	vlt.s32 v20, $0x103F;
	[tilespmem:s8+$0x6380] =	vst v7  }
0x33a: {  	s13 =	simm.s32 $0x0;
	s14 =	simm.s32 $0x60;
	v15 =	vnsel vm0, $0x103F, v18;
	vm2 =	vlt.s32 v19, $0x103F;
	v7 =	vadd.s32 $0x20, v6;
	[tilespmem:s6+$0x6300] =	vst v63;
	v13 =	vld.idx.msk [tilespmem:v22+s20+$0x0], $0xffff  }
0x33b: {  	s11 =	simm.s32 $0x70;
	s10 =	simm.s32 $0x80;
	v18 =	vnsel vm1, $0x103F, v20;
	s8 =	simm.s32 $0x280;
	vm0 =	vlt.s32 v7, $0x103F;
	v19 =	vnsel vm2, $0x103F, v19;
	[tilespmem:s31+$0x6280] =	vst v11;
	v11 =	vld.idx.msk [tilespmem:v23+s20+$0x0], $0xffff  }
.LBB2_16:
0x33c: {  	p0 =	sne.s32 s10, $0x7F0;
	v20 =	vnsel vm0, $0x103F, v7;
	s9 =	sadd.s32 $0x80, s9;
	[tilespmem:s3+$0x6200] =	vst v14;
	v21 =	vld.idx.msk [tilespmem:v10+s20+$0x0], $0xffff;
	v10 =	vadd.s32 $0x18, v2  }
0x33d: {  	vm0 =	vlt.s32 v8, $0x103F;
	s15 =	sand.u32 $0x7, s30;
	v22 =	vmovc v4;
	v4 =	vmovc v5;
	v5 =	vmov v6;
	v6 =	vmov v7;
	s12 =	smov.u32 s11;
	s11 =	smov.u32 s10  }
0x33e: {  	s14 =	sand.u32 $0x70, s14;
	s16 =	sand.u32 $0x3C00, s9;
	[tilespmem:s5+$0x6180] =	vst v12;
	v23 =	vld.idx.msk [tilespmem:v9+s20+$0x0], $0xffff;
	v9 =	vadd.s32 $0x14, v3;
	vm1 =	vlt.s32 v10, $0x103F;
	v8 =	vnsel vm0, $0x103F, v8;
	s15 =	sshll.u32 s15, $0x4  }
0x33f: {  	s14 =	sor.u32 s14, s16;
	[tilespmem:s7+$0x6100] =	vst v16;
	v14 =	vld.idx.msk [tilespmem:v15+s20+$0x0], $0xffff;
	v15 =	vadd.s32 $0x10, v22;
	vm0 =	vlt.s32 v9, $0x103F;
	v24 =	vnsel vm1, $0x103F, v10;
	s15 =	sadd.s32 s15, s13;
	s13 =	smov.u32 s0  }
.Ltmp7:
0x340: {  	s0 =	smov.u32 s29;
	[tilespmem:s14+$0x6080] =	vst v17;
	v12 =	vld.idx.msk [tilespmem:v18+s20+$0x0], $0xffff;
	v18 =	vadd.s32 $0xC, v4;
	vm1 =	vlt.s32 v15, $0x103F;
	v10 =	vnsel vm0, $0x103F, v9;
	s15 =	sor.u32 $0x380, s15;
	(pc) =	sbr.rel @p0 .LBB2_16-.Ltmp7, $4  }
0x341: {  	s29 =	smov.u32 s1;
	s1 =	smov.u32 s4;
	s4 =	smov.u32 s8;
	v16 =	vld.idx.msk [tilespmem:v19+s20+$0x0], $0xffff;
	v19 =	vadd.s32 $0x8, v5;
	vm0 =	vlt.s32 v18, $0x103F;
	v9 =	vnsel vm1, $0x103F, v15;
	[tilespmem:s15+$0x6080] =	vst v13  }
0x342: {  	s8 =	smov.u32 s9;
	v17 =	vld.idx.msk [tilespmem:v20+s20+$0x0], $0xffff;
	v20 =	vadd.s32 $0x4, v7;
	vm1 =	vlt.s32 v19, $0x103F;
	v15 =	vnsel vm0, $0x103F, v18;
	[tilespmem:s6+$0x6380] =	vst v11;
	s6 =	smov.u32 s31;
	s31 =	smov.u32 s3  }
0x343: {  	v7 =	vadd.s32 $0x20, v7;
	s3 =	smov.u32 s5;
	s5 =	smov.u32 s7;
	s7 =	smov.u32 s14;
	vm2 =	vlt.s32 v20, $0x103F;
	v18 =	vnsel vm1, $0x103F, v19;
	[tilespmem:s6+$0x6300] =	vst v21;
	v13 =	vld.idx.msk [tilespmem:v8+s20+$0x0], $0xffff  }
0x344: {  	s10 =	sadd.s32 $0x10, s10;
	s30 =	sadd.s32 $0x1, s30;
	s14 =	smov.u32 s12;
	vm0 =	vlt.s32 v7, $0x103F;
	v8 =	vadd.s32 $0x1C, v2;
	v2 =	vmovc v3;
	v3 =	vmovc v22;
	v19 =	vnsel vm2, $0x103F, v20;
	[tilespmem:s31+$0x6280] =	vst v23;
	v11 =	vld.idx.msk [tilespmem:v24+s20+$0x0], $0xffff  }
0x345: {  	v20 =	vnsel vm0, $0x103F, v7;
	_ =	sdelay $0x3  }
0x346: {  	v21 =	vadd.s32 $0x4, v7  }
0x347: {  	vm13 =	vlt.s32 v21, $0x103F;
	v20 =	vld.idx.msk [tilespmem:v20+s20+$0x0], $0xffff  }
0x348: {  	s10 =	sadd.s32 $0x80, s9;
	v21 =	vnsel vm13, $0x103F, v21  }
0x349: {  	s12 =	sand.u32 $0x70, s14;
	s16 =	sand.u32 $0x3C00, s10;
	s9 =	sadd.s32 $0x80, s10  }
0x34a: {  	s11 =	sand.u32 $0x70, s11;
	s12 =	sor.u32 s12, s16;
	s15 =	sand.u32 $0x3C00, s9  }
0x34b: {  	v30 =	vadd.s32 $0x8, v6;
	[tilespmem:s12+$0x6080] =	vst v17;
	s11 =	sor.u32 s11, s15  }
0x34c: {  	v31 =	vadd.s32 $0x8, v7;
	vm14 =	vlt.s32 v30, $0x103F;
	v19 =	vld.idx.msk [tilespmem:v19+s20+$0x0], $0xffff;
	[tilespmem:s11+$0x6080] =	vst v20  }
0x34d: {  	vm15 =	vlt.s32 v31, $0x103F;
	v17 =	vnsel vm14, $0x103F, v30;
	v21 =	vld.idx.msk [tilespmem:v21+s20+$0x0], $0xffff  }
0x34e: {  	v20 =	vnsel vm15, $0x103F, v31;
	_ =	sdelay $0x1  }
0x34f: {  	v32 =	vadd.s32 $0xC, v5;
	[tilespmem:s7+$0x6100] =	vst v16  }
0x350: {  	v33 =	vadd.s32 $0xC, v6;
	vm4 =	vlt.s32 v32, $0x103F;
	v18 =	vld.idx.msk [tilespmem:v18+s20+$0x0], $0xffff;
	[tilespmem:s12+$0x6100] =	vst v19  }
0x351: {  	v34 =	vadd.s32 $0xC, v7;
	vm5 =	vlt.s32 v33, $0x103F;
	v16 =	vnsel vm4, $0x103F, v32;
	v17 =	vld.idx.msk [tilespmem:v17+s20+$0x0], $0xffff;
	[tilespmem:s11+$0x6100] =	vst v21  }
0x352: {  	vm6 =	vlt.s32 v34, $0x103F;
	v19 =	vnsel vm5, $0x103F, v33;
	v20 =	vld.idx.msk [tilespmem:v20+s20+$0x0], $0xffff  }
0x353: {  	[tilespmem:s5+$0x6180] =	vst v12;
	v36 =	vadd.s32 $0x10, v4;
	v35 =	vnsel vm6, $0x103F, v34  }
0x354: {  	[tilespmem:s3+$0x6200] =	vst v14;
	v15 =	vld.idx.msk [tilespmem:v15+s20+$0x0], $0xffff;
	vm7 =	vlt.s32 v36, $0x103F  }
0x355: {  	v37 =	vadd.s32 $0x10, v5;
	v12 =	vnsel vm7, $0x103F, v36;
	[tilespmem:s7+$0x6180] =	vst v18  }
0x356: {  	v38 =	vadd.s32 $0x10, v6;
	vm8 =	vlt.s32 v37, $0x103F;
	s16 =	sand.u32 $0x7, s30;
	v16 =	vld.idx.msk [tilespmem:v16+s20+$0x0], $0xffff;
	[tilespmem:s12+$0x6180] =	vst v17  }
0x357: {  	v39 =	vadd.s32 $0x10, v7;
	vm9 =	vlt.s32 v38, $0x103F;
	s14 =	sshll.u32 s16, $0x4;
	v18 =	vnsel vm8, $0x103F, v37;
	v19 =	vld.idx.msk [tilespmem:v19+s20+$0x0], $0xffff;
	[tilespmem:s11+$0x6180] =	vst v20  }
0x358: {  	vm10 =	vlt.s32 v39, $0x103F;
	v40 =	vnsel vm9, $0x103F, v38;
	s13 =	sadd.s32 s14, s13;
	[tilespmem:s6+$0x6380] =	vst v11;
	v14 =	vld.idx.msk [tilespmem:v35+s20+$0x0], $0xffff  }
0x359: {  	v10 =	vld.idx.msk [tilespmem:v10+s20+$0x0], $0xffff;
	vm1 =	vlt.s32 v8, $0x103F;
	v43 =	vadd.s32 $0x14, v4;
	v42 =	vnsel vm10, $0x103F, v39;
	s13 =	sor.u32 $0x380, s13;
	[tilespmem:s5+$0x6200] =	vst v15  }
0x35a: {  	v41 =	vadd.s32 $0x14, v3;
	v8 =	vnsel vm1, $0x103F, v8;
	vm12 =	vlt.s32 v43, $0x103F;
	[tilespmem:s13+$0x6080] =	vst v13;
	v12 =	vld.idx.msk [tilespmem:v12+s20+$0x0], $0xffff  }
0x35b: {  	v44 =	vadd.s32 $0x14, v5;
	v9 =	vld.idx.msk [tilespmem:v9+s20+$0x0], $0xffff;
	vm11 =	vlt.s32 v41, $0x103F;
	v15 =	vnsel vm12, $0x103F, v43;
	[tilespmem:s7+$0x6200] =	vst v16  }
0x35c: {  	v45 =	vadd.s32 $0x14, v6;
	vm13 =	vlt.s32 v44, $0x103F;
	v18 =	vld.idx.msk [tilespmem:v18+s20+$0x0], $0xffff;
	v17 =	vnsel vm11, $0x103F, v41;
	[tilespmem:s12+$0x6200] =	vst v19  }
0x35d: {  	v46 =	vadd.s32 $0x14, v7;
	vm14 =	vlt.s32 v45, $0x103F;
	v16 =	vnsel vm13, $0x103F, v44;
	v13 =	vld.idx.msk [tilespmem:v40+s20+$0x0], $0xffff;
	[tilespmem:s11+$0x6200] =	vst v14  }
0x35e: {  	v47 =	vadd.s32 $0x18, v2;
	v48 =	vnsel vm14, $0x103F, v45;
	[tilespmem:s31+$0x6300] =	vst v10;
	vm15 =	vlt.s32 v46, $0x103F;
	v11 =	vld.idx.msk [tilespmem:v42+s20+$0x0], $0xffff  }
0x35f: {  	v51 =	vadd.s32 $0x18, v4;
	vm4 =	vlt.s32 v47, $0x103F;
	s14 =	sadd.s32 $0x1, s30;
	v8 =	vld.idx.msk [tilespmem:v8+s20+$0x0], $0xffff;
	[tilespmem:s5+$0x6280] =	vst v12;
	v14 =	vnsel vm15, $0x103F, v46  }
0x360: {  	v49 =	vadd.s32 $0x18, v3;
	vm6 =	vlt.s32 v51, $0x103F;
	v50 =	vnsel vm4, $0x103F, v47;
	s15 =	sand.u32 $0x7, s14;
	[tilespmem:s3+$0x6280] =	vst v9;
	v15 =	vld.idx.msk [tilespmem:v15+s20+$0x0], $0xffff  }
0x361: {  	v52 =	vadd.s32 $0x18, v5;
	s13 =	sshll.u32 s15, $0x4;
	vm5 =	vlt.s32 v49, $0x103F;
	v12 =	vnsel vm6, $0x103F, v51;
	[tilespmem:s7+$0x6280] =	vst v18;
	v17 =	vld.idx.msk [tilespmem:v17+s20+$0x0], $0xffff  }
0x362: {  	v53 =	vadd.s32 $0x18, v6;
	vm7 =	vlt.s32 v52, $0x103F;
	s0 =	sadd.s32 s13, s0;
	v9 =	vnsel vm5, $0x103F, v49;
	v16 =	vld.idx.msk [tilespmem:v16+s20+$0x0], $0xffff;
	[tilespmem:s12+$0x6280] =	vst v13  }
0x363: {  	v54 =	vadd.s32 $0x18, v7;
	vm8 =	vlt.s32 v53, $0x103F;
	s0 =	sor.u32 $0x380, s0;
	v18 =	vnsel vm7, $0x103F, v52;
	v10 =	vld.idx.msk [tilespmem:v48+s20+$0x0], $0xffff;
	[tilespmem:s11+$0x6280] =	vst v11  }
0x364: {  	v2 =	vadd.s32 $0x1C, v2;
	vm9 =	vlt.s32 v54, $0x103F;
	v55 =	vnsel vm8, $0x103F, v53;
	[tilespmem:s0+$0x6080] =	vst v8;
	v56 =	vld.idx.msk [tilespmem:v14+s20+$0x0], $0xffff  }
0x365: {  	v58 =	vadd.s32 $0x1C, v4;
	vm10 =	vlt.s32 v2, $0x103F;
	v57 =	vld.idx.msk [tilespmem:v50+s20+$0x0], $0xffff;
	[tilespmem:s5+$0x6300] =	vst v15;
	v11 =	vnsel vm9, $0x103F, v54  }
0x366: {  	v3 =	vadd.s32 $0x1C, v3;
	v2 =	vnsel vm10, $0x103F, v2;
	vm12 =	vlt.s32 v58, $0x103F;
	v12 =	vld.idx.msk [tilespmem:v12+s20+$0x0], $0xffff;
	[tilespmem:s3+$0x6300] =	vst v17  }
0x367: {  	v59 =	vadd.s32 $0x1C, v5;
	v4 =	vnsel vm12, $0x103F, v58;
	vm11 =	vlt.s32 v3, $0x103F;
	[tilespmem:s7+$0x6300] =	vst v16;
	v9 =	vld.idx.msk [tilespmem:v9+s20+$0x0], $0xffff  }
0x368: {  	v61 =	vadd.s32 $0x1C, v6;
	vm13 =	vlt.s32 v59, $0x103F;
	v3 =	vnsel vm11, $0x103F, v3;
	v60 =	vld.idx.msk [tilespmem:v18+s20+$0x0], $0xffff;
	[tilespmem:s12+$0x6300] =	vst v10  }
0x369: {  	v62 =	vadd.s32 $0x1C, v7;
	vm14 =	vlt.s32 v61, $0x103F;
	s16 =	sadd.s32 $0x1, s14;
	v5 =	vnsel vm13, $0x103F, v59;
	v8 =	vld.idx.msk [tilespmem:v55+s20+$0x0], $0xffff;
	[tilespmem:s11+$0x6300] =	vst v56  }
0x36a: {  	v6 =	vnsel vm14, $0x103F, v61;
	s6 =	sand.u32 $0x7, s16;
	s0 =	sadd.s32 $0x1, s16;
	[tilespmem:s31+$0x6380] =	vst v57;
	vm15 =	vlt.s32 v62, $0x103F;
	v63 =	vld.idx.msk [tilespmem:v11+s20+$0x0], $0xffff  }
0x36b: {  	s6 =	sshll.u32 s6, $0x4;
	s30 =	sand.u32 $0x7, s0;
	s0 =	sadd.s32 $0x1, s0;
	v2 =	vld.idx.msk [tilespmem:v2+s20+$0x0], $0xffff;
	[tilespmem:s5+$0x6380] =	vst v12;
	v7 =	vnsel vm15, $0x103F, v62  }
0x36c: {  	s6 =	sadd.s32 s6, s29;
	s31 =	sand.u32 $0x7, s0;
	s0 =	sadd.s32 $0x1, s0;
	v4 =	vld.idx.msk [tilespmem:v4+s20+$0x0], $0xffff;
	[tilespmem:s3+$0x6380] =	vst v9  }
0x36d: {  	s6 =	sor.u32 $0x380, s6;
	s14 =	sand.u32 $0x7, s0;
	s0 =	sadd.s32 $0x1, s0;
	[tilespmem:s7+$0x6380] =	vst v60;
	v3 =	vld.idx.msk [tilespmem:v3+s20+$0x0], $0xffff  }
0x36e: {  	s13 =	sshll.u32 s31, $0x4;
	s15 =	sand.u32 $0x7, s0;
	s3 =	sshll.u32 s30, $0x4;
	v5 =	vld.idx.msk [tilespmem:v5+s20+$0x0], $0xffff;
	[tilespmem:s12+$0x6380] =	vst v8  }
0x36f: {  	s0 =	sadd.s32 $0x1, s0;
	s1 =	sadd.s32 s3, s1;
	s3 =	sadd.s32 s13, s4;
	v6 =	vld.idx.msk [tilespmem:v6+s20+$0x0], $0xffff;
	[tilespmem:s11+$0x6380] =	vst v63  }
0x370: {  	s29 =	sshll.u32 s15, $0x4;
	[tilespmem:s6+$0x6080] =	vst v2;
	s4 =	sshll.u32 s14, $0x4;
	s3 =	sor.u32 $0x380, s3;
	v2 =	vld.idx.msk [tilespmem:v7+s20+$0x0], $0xffff  }
0x371: {  	s0 =	sand.u32 $0x7, s0;
	s1 =	sor.u32 $0x380, s1;
	s16 =	sadd.s32 s4, s8;
	[tilespmem:s3+$0x6080] =	vst v4  }
0x372: {  	s0 =	sshll.u32 s0, $0x4;
	s30 =	sadd.s32 s29, s10;
	[tilespmem:s1+$0x6080] =	vst v3;
	s1 =	sor.u32 $0x380, s16  }
0x373: {  	s0 =	sadd.s32 s0, s9;
	s31 =	sor.u32 $0x380, s30;
	[tilespmem:s1+$0x6080] =	vst v5  }
0x374: {  	s0 =	sor.u32 $0x380, s0;
	[tilespmem:s31+$0x6080] =	vst v6  }
0x375: {  	s28 =	sadd.s32 $0x1, s28;
	[tilespmem:s0+$0x6080] =	vst v2  }
0x376: {  	[hbm4b:s18+s2] =	stream.linear.scatter [tilespmem:s24], [sflag:$0x4], $0x4000, $0x38;
	[tilespmem:$0xA080] =	vst v63  }
0x377: {  	p0 =	sne.s32 s28, s19;
	_ =	swait.ge [sflag:s25], $0x4000  }
.Ltmp8:
0x378: {  	[sflag:s25] =	ssyncset.done $0x0;
	(pc) =	sbr.rel @p0 .LBB2_1-.Ltmp8, $4  }
0x379: {  	[sflag:s25] =	ssyncadd.s32 $0xFFFFC000  }
0x37a: {  	_ =	swait.ge [sflag:s26], $0x4000  }
0x37b: {  	[sflag:s26] =	ssyncset.done $0x0  }
0x37c: {  	[sflag:s26] =	ssyncadd.s32 $0xFFFFC000  }
0x37d: {  	_ =	sfence.sel $0x180000  }
0x37e: {  	[bflag:$0x0] =	sbarrier.arrive $0xFFFF  }
0x37f: {  	_ =	strace $0x90000047  }
0x380: {  	s0 =	stileid.u32;
	[bflag:$0x2] =	sbarrier.arrive $0xFFFF  }
0x381: {  	p0 =	sne.s32 s0, $0x0;
	s0 =	rddreg [dreg:$0x2]  }
0x382: {  	s0 =	sadd.s32 @!p0 $0x100000, s0  }
0x383: {  	[sflag:s0] =	ssyncadd.tile.s32 @!p0 $0x1;
	_ =	shalt  }
.Lfunc_end2:
_tile_overlayer_lowered:
.L_overlay_start_2:
0x384: {  	(tag) =	ssettag $0x2  }
0x385: {  	s0 =	rddreg [dreg:$0x0];
	s2 =	stileid.u32  }
0x386: {  	s1 =	rddreg [dreg:$0x1];
	p0 =	sne.s32 s2, $0x0  }
0x387: {  	s3 =	rddreg [dreg:$0x2];
	[bflag:$0x3] =	sbarrier.arrive $0xFFFF;
	s2 =	simm.s32 @!p0 $0x1C05  }
0x388: {  	[timem:s3], [sflag:s2] =	dma.local @!p0 [hbm:s0], s1  }
0x389: {  	s0 =	simm.s32 @!p0 $0x5  }
0x38a: {  	_ =	swait.ge @!p0 [sflag:s0], s1  }
0x38b: {  	s1 =	ssub.s32 @!p0 $0x0, s1;
	[sflag:s0] =	ssyncset.done @!p0 $0x0  }
0x38c: {  	[sflag:s0] =	ssyncadd.s32 @!p0 s1  }
0x38d: {  	[bflag:$0x3] =	sbarrier.arrive $0xFFFF  }
0x38e: {  	_ =	shalt  }

</sc_bundles>
